<compile_context>
chip_gen: v7x
topology: tpu7x:2x2x1
jax: 0.10.2.dev20260603
libtpu: 0.0.44.dev20260713+nightly
codegen_flags: <defaults>
</compile_context>

<pallas_src>
import functools
import jax
import jax.numpy as jnp
from jax import lax
from jax.experimental import pallas as pl
from jax.experimental.pallas import tpu as pltpu
from jax.experimental.pallas import tpu_sc as plsc

NBX = 256
N_NETS = 50000
N_PINS = 200000
NC, NS, L = 2, 16, 16
NW = NC * NS
NNW = 1568
NG = NNW // L
NPV = NNW + 16
PMAX = 16384
CH = 128
PSL = 25024
MAPW = NBX * NBX
MSLICE = MAPW // NS
BIG = 3.0e38


def _sc_body(pin1, netpin, flat, wts, out, npv, wv, pixx, pixy, crdx, crdy,
             sidx, svh, svv, zbuf, pspm, maph, mapv, maph1, mapv1, sem,
             sem2, sem3):
    cid = lax.axis_index("c")
    sid = lax.axis_index("s")
    wid = cid * jnp.int32(NS) + sid
    base = pl.multiple_of(wid * jnp.int32(NNW), 8)

    i1 = jnp.int32
    def _zb(i, _):
        zbuf[pl.ds(i * i1(L), L)] = jnp.zeros((L,), jnp.float32)
        return 0
    lax.fori_loop(i1(0), i1(MSLICE // L), _zb, 0)
    msl = sid * i1(MSLICE)
    psl = pl.multiple_of(sid * i1(PSL), 8)
    po0 = pl.multiple_of(psl, 8)
    po1 = pl.multiple_of(psl + i1(PSL // 2), 8)

    pltpu.async_copy(zbuf, maph.at[pl.ds(msl, MSLICE)], sem2)
    pltpu.async_copy(zbuf, mapv.at[pl.ds(msl, MSLICE)], sem2)
    pltpu.async_copy(zbuf, maph1.at[pl.ds(msl, MSLICE)], sem2)
    pltpu.async_copy(zbuf, mapv1.at[pl.ds(msl, MSLICE)], sem2)
    pltpu.async_copy(pin1.at[pl.ds(po0, PSL // 2)],
                     crdx.at[pl.ds(0, PSL // 2)], sem3)
    pltpu.async_copy(pin1.at[pl.ds(po1, PSL // 2)],
                     crdy.at[pl.ds(0, PSL // 2)], sem3)
    pltpu.sync_copy(netpin.at[pl.ds(base, NPV)], npv)
    pltpu.sync_copy(wts.at[pl.ds(base, NNW)], wv)
    pltpu.make_async_copy(pin1.at[pl.ds(po0, PSL // 2)],
                          crdx.at[pl.ds(0, PSL // 2)], sem3).wait()
    pltpu.make_async_copy(pin1.at[pl.ds(po1, PSL // 2)],
                          crdy.at[pl.ds(0, PSL // 2)], sem3).wait()
    pltpu.async_copy(crdx.at[pl.ds(0, PSL // 2)],
                     pspm.at[pl.ds(po0, PSL // 2)], sem3)
    pltpu.async_copy(crdy.at[pl.ds(0, PSL // 2)],
                     pspm.at[pl.ds(po1, PSL // 2)], sem3)
    s_start = npv[pl.ds(0, L)][0]
    s_end = npv[pl.ds(NNW, L)][0]
    abase = pl.multiple_of((s_start // jnp.int32(8)) * jnp.int32(8), 8)
    off = s_start - abase
    cnt = s_end - s_start

    pltpu.sync_copy(flat.at[pl.ds(abase, PMAX)], pixx)
    nch = lax.div(off + cnt + jnp.int32(CH - 1), jnp.int32(CH))
    nch = jnp.minimum(nch, i1(PMAX // CH))

    def _split(i, _):
        o = i * i1(L)
        f2 = pixx[pl.ds(o, L)] * i1(2)
        pixy[pl.ds(o, L)] = f2 + i1(1)
        pixx[pl.ds(o, L)] = f2
        return 0
    lax.fori_loop(i1(0), nch * i1(CH // L), _split, 0)

    pltpu.make_async_copy(zbuf, maph.at[pl.ds(msl, MSLICE)], sem2).wait()
    pltpu.make_async_copy(zbuf, mapv.at[pl.ds(msl, MSLICE)], sem2).wait()
    pltpu.make_async_copy(zbuf, maph1.at[pl.ds(msl, MSLICE)], sem2).wait()
    pltpu.make_async_copy(zbuf, mapv1.at[pl.ds(msl, MSLICE)], sem2).wait()
    pltpu.make_async_copy(crdx.at[pl.ds(0, PSL // 2)],
                          pspm.at[pl.ds(po0, PSL // 2)], sem3).wait()
    pltpu.make_async_copy(crdy.at[pl.ds(0, PSL // 2)],
                          pspm.at[pl.ds(po1, PSL // 2)], sem3).wait()

    plsc.subcore_barrier()

    FW = 8
    def _fire(i, _):
        o = i * i1(CH)
        pltpu.async_copy(pspm.at[pixx.at[pl.ds(o, CH)]],
                         crdx.at[pl.ds(o, CH)], sem)
        pltpu.async_copy(pspm.at[pixy.at[pl.ds(o, CH)]],
                         crdy.at[pl.ds(o, CH)], sem)
        @pl.when(i >= i1(FW))
        def _():
            od = (i - i1(FW)) * i1(CH)
            pltpu.make_async_copy(pspm.at[pixx.at[pl.ds(od, CH)]],
                                  crdx.at[pl.ds(od, CH)], sem).wait()
            pltpu.make_async_copy(pspm.at[pixy.at[pl.ds(od, CH)]],
                                  crdy.at[pl.ds(od, CH)], sem).wait()
        return 0
    lax.fori_loop(i1(0), nch, _fire, 0)

    def _drain(i, _):
        o = i * i1(CH)
        pltpu.make_async_copy(pspm.at[pixx.at[pl.ds(o, CH)]],
                              crdx.at[pl.ds(o, CH)], sem).wait()
        pltpu.make_async_copy(pspm.at[pixy.at[pl.ds(o, CH)]],
                              crdy.at[pl.ds(o, CH)], sem).wait()
        return 0
    lax.fori_loop(jnp.maximum(nch - i1(FW), i1(0)), nch, _drain, 0)

    iota = lax.iota(jnp.int32, L)

    def _group(g, _):
        gb = g * i1(L)
        sv = npv[pl.ds(gb, L)]
        snv = npv[pl.ds(gb + i1(1), L)]
        npin = snv - sv
        rel = (sv - s_start) + off
        f1 = jnp.float32
        npf = npin.astype(jnp.float32)
        for k in (1, 2, 4, 8):
            pidx = jnp.bitwise_xor(iota, i1(k))
            npf = jnp.maximum(npf, npf.at[pidx].get(mode="promise_in_bounds"))
        mx = npf[0].astype(jnp.int32)

        def _pins(t, c):
            xmn, xmx, ymn, ymx = c
            idx = rel + t
            m = t < npin
            idxc = jnp.clip(idx, i1(0), i1(PMAX - 1))
            px = plsc.load_gather(crdx, [idxc])
            py = plsc.load_gather(crdy, [idxc])
            xmn = jnp.minimum(xmn, jnp.where(m, px, f1(BIG)))
            xmx = jnp.maximum(xmx, jnp.where(m, px, f1(-BIG)))
            ymn = jnp.minimum(ymn, jnp.where(m, py, f1(BIG)))
            ymx = jnp.maximum(ymx, jnp.where(m, py, f1(-BIG)))
            return (xmn, xmx, ymn, ymx)

        big16 = jnp.full((L,), BIG, jnp.float32)
        xmn, xmx, ymn, ymx = lax.fori_loop(
            i1(0), mx, _pins, (big16, -big16, big16, -big16))

        one = jnp.float32(1.0)
        zf = f1(0.0); of = f1(1.0)
        xmn = jnp.clip(xmn, zf, of); xmx = jnp.clip(xmx, zf, of)
        ymn = jnp.clip(ymn, zf, of); ymx = jnp.clip(ymx, zf, of)

        n = npin
        w = jnp.full((L,), 1.0, jnp.float32)
        w = jnp.where(n == 4, f1(1.0828), w)
        w = jnp.where(n == 5, f1(1.1536), w)
        w = jnp.where(n == 6, f1(1.2206), w)
        w = jnp.where(n == 7, f1(1.2823), w)
        w = jnp.where(n == 8, f1(1.3385), w)
        w = jnp.where(n == 9, f1(1.3991), w)
        w = jnp.where(n == 10, f1(1.4493), w)
        w = jnp.where((n >= 11) & (n <= 15), f1(1.6899), w)
        w = jnp.where((n >= 16) & (n <= 20), f1(1.8924), w)
        w = jnp.where((n >= 21) & (n <= 25), f1(2.0743), w)
        w = jnp.where((n >= 26) & (n <= 30), f1(2.2334), w)
        w = jnp.where(n >= 31, f1(2.3892), w)
        wt = w * wv[pl.ds(gb, L)]
        wt = jnp.where(n > 0, wt, zf)

        hx = xmx - xmn
        hy = ymx - ymn
        sc2 = jnp.float32(1.0 / (NBX * NBX))
        wh = jnp.where(hy > 0, (wt * sc2) / jnp.where(hy > 0, hy, one), zf)
        wv_ = jnp.where(hx > 0, (wt * sc2) / jnp.where(hx > 0, hx, one), zf)

        nbf = f1(NBX)
        u = xmn * nbf; v = xmx * nbf
        jx = u.astype(jnp.int32); kx = v.astype(jnp.int32)
        fu = u - jx.astype(jnp.float32); fv = v - kx.astype(jnp.float32)
        uy = ymn * nbf; vy = ymx * nbf
        jy = uy.astype(jnp.int32); ky = vy.astype(jnp.int32)
        gu = uy - jy.astype(jnp.float32); gv = vy - ky.astype(jnp.float32)

        xpos = (jx, jx + i1(1), kx, kx + i1(1))
        xval = (one - fu, fu, fv - one, -fv)
        ypos = (jy, jy + i1(1), ky, ky + i1(1))
        yval = (one - gu, gu, gv - one, -gv)

        ph = jnp.bitwise_and(g, i1(7))
        rbase = ph * i1(2)
        @pl.when(g >= i1(8))
        def _():
            pltpu.make_async_copy(pin1.at[pl.ds(0, 512)],
                                  zbuf.at[pl.ds(0, 512)], sem).wait()
        for dx in range(4):
            for dy in range(4):
                c = dx * 4 + dy
                X = xpos[dx]; Y = ypos[dy]
                ok = (X < NBX) & (Y < NBX)
                a = xval[dx] * yval[dy]
                a = jnp.where(ok, a, zf)
                fl = jnp.clip(X * i1(NBX) + Y, i1(0), i1(MAPW - 1))
                r = c // 8
                col = (c % 8) * L
                ri = rbase + i1(r)
                sidx[ri, pl.ds(col, L)] = fl
                svh[ri, pl.ds(col, L)] = wh * a
                svv[ri, pl.ds(col, L)] = wv_ * a

        @pl.when(sid < i1(NS // 2))
        def _():
            for r in range(2):
                ri = rbase + i1(r)
                pltpu.async_copy(svh.at[ri], maph.at[sidx.at[ri]], sem,
                                 add=True)
                pltpu.async_copy(svv.at[ri], mapv.at[sidx.at[ri]], sem,
                                 add=True)
        @pl.when(sid >= i1(NS // 2))
        def _():
            for r in range(2):
                ri = rbase + i1(r)
                pltpu.async_copy(svh.at[ri], maph1.at[sidx.at[ri]], sem,
                                 add=True)
                pltpu.async_copy(svv.at[ri], mapv1.at[sidx.at[ri]], sem,
                                 add=True)
        return 0

    lax.fori_loop(i1(0), i1(NG), _group, 0)

    def _sdrain(i, _):
        pltpu.make_async_copy(pin1.at[pl.ds(0, 512)],
                              zbuf.at[pl.ds(0, 512)], sem).wait()
        return 0
    lax.fori_loop(i1(0), i1(8), _sdrain, 0)

    plsc.subcore_barrier()

    for m0, m1, oc in ((maph, maph1, 0), (mapv, mapv1, 1)):
        pltpu.sync_copy(m0.at[pl.ds(msl, MSLICE)], crdx.at[pl.ds(0, MSLICE)])
        pltpu.sync_copy(m1.at[pl.ds(msl, MSLICE)], crdy.at[pl.ds(0, MSLICE)])
        def _mg(i, _):
            o = i * i1(L)
            zbuf[pl.ds(o, L)] = crdx[pl.ds(o, L)] + crdy[pl.ds(o, L)]
            return 0
        lax.fori_loop(i1(0), i1(MSLICE // L), _mg, 0)
        pltpu.sync_copy(zbuf, out.at[cid, i1(oc), pl.ds(msl, MSLICE)])


@jax.jit
def _sc_stage(pin1d, netpin, flat, wts):
    mesh = plsc.VectorSubcoreMesh(core_axis_name="c", subcore_axis_name="s",
                                  num_cores=NC, num_subcores=NS)
    f = pl.kernel(
        _sc_body,
        out_type=jax.ShapeDtypeStruct((NC, 2, MAPW), jnp.float32),
        mesh=mesh,
        compiler_params=pltpu.CompilerParams(needs_layout_passes=False),
        scratch_types=[
            pltpu.VMEM((NPV,), jnp.int32),
            pltpu.VMEM((NNW,), jnp.float32),
            pltpu.VMEM((PMAX,), jnp.int32),
            pltpu.VMEM((PMAX,), jnp.int32),
            pltpu.VMEM((PMAX,), jnp.float32),
            pltpu.VMEM((PMAX,), jnp.float32),
            pltpu.VMEM((16, 128), jnp.int32),
            pltpu.VMEM((16, 128), jnp.float32),
            pltpu.VMEM((16, 128), jnp.float32),
            pltpu.VMEM((MSLICE,), jnp.float32),
            pltpu.VMEM_SHARED((NS * PSL,), jnp.float32),
            pltpu.VMEM_SHARED((MAPW,), jnp.float32),
            pltpu.VMEM_SHARED((MAPW,), jnp.float32),
            pltpu.VMEM_SHARED((MAPW,), jnp.float32),
            pltpu.VMEM_SHARED((MAPW,), jnp.float32),
            pltpu.SemaphoreType.DMA,
            pltpu.SemaphoreType.DMA,
            pltpu.SemaphoreType.DMA,
        ],
    )
    return f(pin1d, netpin, flat, wts)


def _tc_body(d_ref, dens_ref, h_ref, v_ref):
    d = d_ref[...]
    dh = d[0, 0] + d[1, 0]
    dv = d[0, 1] + d[1, 1]
    r = lax.broadcasted_iota(jnp.int32, (NBX, NBX), 0)
    c = lax.broadcasted_iota(jnp.int32, (NBX, NBX), 1)
    lo = (r >= c).astype(jnp.float32)
    up = (r <= c).astype(jnp.float32)
    h = jnp.dot(lo, jnp.dot(dh, up, preferred_element_type=jnp.float32),
                preferred_element_type=jnp.float32)
    v = jnp.dot(lo, jnp.dot(dv, up, preferred_element_type=jnp.float32),
                preferred_element_type=jnp.float32)
    h_ref[...] = h
    v_ref[...] = v
    dens_ref[...] = jnp.abs(h) + jnp.abs(v)


@jax.jit
def _tc_stage(d):
    out = jax.ShapeDtypeStruct((NBX, NBX), jnp.float32)
    return pl.pallas_call(_tc_body, out_shape=(out, out, out))(d)


def kernel(pin_pos, net_weights, netpin_start, flat_netpin):
    pin1d = jnp.pad(pin_pos.astype(jnp.float32), (0, NS * PSL - 2 * N_PINS))
    np32 = netpin_start.astype(jnp.int32)
    np32 = jnp.pad(np32, (0, (NW - 1) * NNW + NPV - (N_NETS + 1)),
                   mode="edge")
    fl32 = jnp.pad(flat_netpin.astype(jnp.int32), (0, PMAX + 8))
    w32 = jnp.pad(net_weights.astype(jnp.float32), (0, NW * NNW - N_NETS))
    d = _sc_stage(pin1d, np32, fl32, w32)
    dens, h, v = _tc_stage(d.reshape(NC, 2, NBX, NBX))
    return (dens, h, v)

# --- scband reference (transcript-rebuilt; emitter-appended) ---
"""Pipeline reference for scband-net-density-4647154614487 (READ-ONLY COPY).

The authoritative reference and input builder live on the scoring server;
editing this copy changes nothing except your own understanding.
"""

import jax, jax.numpy as jnp
import numpy as np
jax.config.update('jax_enable_x64', True)

XL, XH, YL, YH = 0.0, 1.0, 0.0, 1.0
NBX, NBY = 256, 256
N_NETS = 50000
N_PINS_FLAT = 200000
N_PIN_POS = 200000


def _risa_weight(num_pins):
    # RISA net wiring distribution map weight table (DREAMPlace netWiringDistributionMapWeight)
    n = num_pins.astype(jnp.int32)
    small = jnp.array([1.0, 1.0, 1.0, 1.0, 1.0828, 1.1536, 1.2206, 1.2823, 1.3385, 1.3991, 1.4493], dtype=jnp.float32)
    w = small[jnp.clip(n, 0, 10)]
    w = jnp.where((n >= 11) & (n <= 15), 1.6899, w)
    w = jnp.where((n >= 16) & (n <= 20), 1.8924, w)
    w = jnp.where((n >= 21) & (n <= 25), 2.0743, w)
    w = jnp.where((n >= 26) & (n <= 30), 2.2334, w)
    w = jnp.where(n >= 31, 2.3892, w)
    return w


def setup_inputs(seed: int = 0):
    key = jax.random.key(seed)
    k1, k2, k3, k4 = jax.random.split(key, 4)
    pin_pos = jax.random.uniform(k1, (2 * N_PIN_POS,), dtype=jnp.float32)
    net_weights = jax.random.uniform(k2, (N_NETS,), dtype=jnp.float32)
    netpin_start = jnp.sort(jax.random.randint(k3, (N_NETS + 1,), 0, N_PINS_FLAT, dtype=jnp.int64))
    flat_netpin = jax.random.randint(k4, (N_PINS_FLAT,), 0, N_PIN_POS, dtype=jnp.int64)
    return {'pin_pos': pin_pos, 'net_weights': net_weights, 'netpin_start': netpin_start, 'flat_netpin': flat_netpin}


def reference(pin_pos, net_weights, netpin_start, flat_netpin):
    bin_size_x = (XH - XL) / NBX
    bin_size_y = (YH - YL) / NBY
    # gather pin coordinates (pin_pos is xyxyxy...)
    px = pin_pos[2 * flat_netpin]
    py = pin_pos[2 * flat_netpin + 1]
    # map flat netpin entries to net ids
    pin_ids = jnp.arange(flat_netpin.shape[0], dtype=jnp.int64)
    pin2net = jnp.searchsorted(netpin_start, pin_ids, side='right') - 1
    valid = (pin2net >= 0) & (pin2net < N_NETS)
    seg = jnp.where(valid, pin2net, N_NETS)
    # per-net bounding boxes via segment reductions
    x_max = jax.ops.segment_max(px, seg, num_segments=N_NETS + 1)[:N_NETS]
    x_min = jax.ops.segment_min(px, seg, num_segments=N_NETS + 1)[:N_NETS]
    y_max = jax.ops.segment_max(py, seg, num_segments=N_NETS + 1)[:N_NETS]
    y_min = jax.ops.segment_min(py, seg, num_segments=N_NETS + 1)[:N_NETS]
    x_min = jnp.clip(x_min, XL, XH); x_max = jnp.clip(x_max, XL, XH)
    y_min = jnp.clip(y_min, YL, YH); y_max = jnp.clip(y_max, YL, YH)
    # per-net per-bin 1D overlaps (separable rasterization of bbox onto bin grid)
    ex = XL + jnp.arange(NBX, dtype=pin_pos.dtype) * bin_size_x
    ey = YL + jnp.arange(NBY, dtype=pin_pos.dtype) * bin_size_y
    ox = jnp.clip(jnp.minimum(x_max[:, None], ex[None, :] + bin_size_x) - jnp.maximum(x_min[:, None], ex[None, :]), 0.0, None)
    oy = jnp.clip(jnp.minimum(y_max[:, None], ey[None, :] + bin_size_y) - jnp.maximum(y_min[:, None], ey[None, :]), 0.0, None)
    num_pins = (netpin_start[1:] - netpin_start[:-1]).astype(jnp.int32)
    wt = _risa_weight(num_pins) * net_weights
    wt = jnp.where(num_pins > 0, wt, 0.0)
    hx = x_max - x_min
    hy = y_max - y_min
    hx_safe = jnp.where(hx > 0, hx, 1.0)
    hy_safe = jnp.where(hy > 0, hy, 1.0)
    wh = jnp.where(hy > 0, wt / hy_safe, 0.0)  # horizontal demand per unit area = 1/bbox_height
    wv = jnp.where(hx > 0, wt / hx_safe, 0.0)  # vertical demand per unit area = 1/bbox_width
    # scatter-accumulate over all nets: map[x,y] = sum_i w_i * ox[i,x] * oy[i,y]
    H = (ox * wh[:, None]).T @ oy
    V = (ox * wv[:, None]).T @ oy
    net_density_map = jnp.abs(H) + jnp.abs(V)
    return (net_density_map, H, V)

if __name__ == "__main__":
    import jax
    _d = setup_inputs()
    print(jax.jit(kernel)(*tuple(_d.values())))

</pallas_src>

<mosaic_0001>
#map = affine_map<(d0, d1) -> (0)>
#map1 = affine_map<(d0, d1) -> (0, 0, 0)>
module attributes {stable_mosaic.version = 14 : i64} {
  func.func @_sc_body(%arg0: i32, %arg1: i32, %arg2: memref<400384xf32, #tpu.memory_space<hbm>>, %arg3: memref<50192xi32, #tpu.memory_space<hbm>>, %arg4: memref<216392xi32, #tpu.memory_space<hbm>>, %arg5: memref<50176xf32, #tpu.memory_space<hbm>>, %arg6: memref<2x2x65536xf32, #tpu.memory_space<hbm>>, %arg7: memref<1584xi32, #tpu.memory_space<vmem>>, %arg8: memref<1568xf32, #tpu.memory_space<vmem>>, %arg9: memref<16384xi32, #tpu.memory_space<vmem>>, %arg10: memref<16384xi32, #tpu.memory_space<vmem>>, %arg11: memref<16384xf32, #tpu.memory_space<vmem>>, %arg12: memref<16384xf32, #tpu.memory_space<vmem>>, %arg13: memref<16x128xi32, #tpu.memory_space<vmem>>, %arg14: memref<16x128xf32, #tpu.memory_space<vmem>>, %arg15: memref<16x128xf32, #tpu.memory_space<vmem>>, %arg16: memref<4096xf32, #tpu.memory_space<vmem>>, %arg17: memref<400384xf32, #tpu.memory_space<vmem_shared>>, %arg18: memref<65536xf32, #tpu.memory_space<vmem_shared>>, %arg19: memref<65536xf32, #tpu.memory_space<vmem_shared>>, %arg20: memref<65536xf32, #tpu.memory_space<vmem_shared>>, %arg21: memref<65536xf32, #tpu.memory_space<vmem_shared>>, %arg22: memref<!tpu.dma_semaphore, #tpu.memory_space<semaphore_mem>>, %arg23: memref<!tpu.dma_semaphore, #tpu.memory_space<semaphore_mem>>, %arg24: memref<!tpu.dma_semaphore, #tpu.memory_space<semaphore_mem>>) attributes {dimension_semantics = [#tpu.dimension_semantics<core_parallel>, #tpu.dimension_semantics<subcore_parallel>], iteration_bounds = array<i64: 2, 16>, scalar_prefetch = 0 : i64, scratch_operands = 18 : i64, tpu.core_type = #tpu.core_type<sc_vector_subcore>, window_params = [{transform_indices = #map}, {transform_indices = #map}, {transform_indices = #map}, {transform_indices = #map}, {transform_indices = #map1}]} {
    %mul3A = arith.constant 16 : i32
    %mul3A_0 = arith.muli %arg0, %mul3A : i32
    %add3A = arith.addi %mul3A_0, %arg1 : i32
    %mul3A_1 = arith.constant 1568 : i32
    %mul3A_2 = arith.muli %add3A, %mul3A_1 : i32
    %multiple_of3A = tpu.assume_multiple %mul3A_2, 8 : i32
    %while3A = arith.constant 0 : i32
    %while3A_3 = arith.constant 256 : i32
    %while3A_4 = arith.constant 0 : i64
    %while3A_5 = arith.subi %while3A_3, %while3A : i32
    %while3A_6 = arith.addi %while3A, %while3A_5 : i32
    %while3A_7 = arith.constant 1 : i32
    %while3A_8 = arith.divsi %while3A_5, %while3A_7 : i32
    %while3A_9 = arith.muli %while3A_8, %while3A_7 : i32
    %while3A_10 = arith.addi %while3A, %while3A_9 : i32
    %while3A_11 = arith.constant 1 : i32
    %while3A_12 = scf.for %while3A_212 = %while3A to %while3A_10 step %while3A_11 iter_args(%while3A_213 = %while3A_4) -> (i64)  : i32 {
      %broadcast_in_dim3A = arith.constant 0.000000e+00 : f32
      %broadcast_in_dim3A_214 = vector.broadcast %broadcast_in_dim3A : f32 to vector<16xf32>
      %mul3A_215 = arith.constant 16 : i32
      %mul3A_216 = arith.muli %while3A_212, %mul3A_215 : i32
      %swap3A = arith.index_cast %mul3A_216 : i32 to index
      %swap3A_217 = tpu.vector_load %arg16[%swap3A] {strides = array<i32>} : memref<4096xf32, #tpu.memory_space<vmem>>, vector<16xf32>,
      tpu.vector_store %arg16[%swap3A], %broadcast_in_dim3A_214 {strides = array<i32>} : memref<4096xf32, #tpu.memory_space<vmem>>, vector<16xf32>,
      %while3A_218 = arith.constant 0 : i64
      scf.yield %while3A_218 : i64
    }
    %while3A_13 = arith.constant 1 : i32
    %while3A_14 = scf.for %while3A_212 = %while3A_10 to %while3A_6 step %while3A_13 iter_args(%while3A_213 = %while3A_12) -> (i64)  : i32 {
      %broadcast_in_dim3A = arith.constant 0.000000e+00 : f32
      %broadcast_in_dim3A_214 = vector.broadcast %broadcast_in_dim3A : f32 to vector<16xf32>
      %mul3A_215 = arith.constant 16 : i32
      %mul3A_216 = arith.muli %while3A_212, %mul3A_215 : i32
      %swap3A = arith.index_cast %mul3A_216 : i32 to index
      %swap3A_217 = tpu.vector_load %arg16[%swap3A] {strides = array<i32>} : memref<4096xf32, #tpu.memory_space<vmem>>, vector<16xf32>,
      tpu.vector_store %arg16[%swap3A], %broadcast_in_dim3A_214 {strides = array<i32>} : memref<4096xf32, #tpu.memory_space<vmem>>, vector<16xf32>,
      %while3A_218 = arith.constant 0 : i64
      scf.yield %while3A_218 : i64
    }
    %mul3A_15 = arith.constant 4096 : i32
    %mul3A_16 = arith.muli %arg1, %mul3A_15 : i32
    %mul3A_17 = arith.constant 25024 : i32
    %mul3A_18 = arith.muli %arg1, %mul3A_17 : i32
    %multiple_of3A_19 = tpu.assume_multiple %mul3A_18, 8 : i32
    %multiple_of3A_20 = tpu.assume_multiple %multiple_of3A_19, 8 : i32
    %add3A_21 = arith.constant 12512 : i32
    %add3A_22 = arith.addi %multiple_of3A_19, %add3A_21 : i32
    %multiple_of3A_23 = tpu.assume_multiple %add3A_22, 8 : i32
    %dma_start3A = tpu.memref_slice %arg18[%mul3A_16] : memref<65536xf32, #tpu.memory_space<vmem_shared>> -> memref<4096xf32, #tpu.memory_space<vmem_shared>>
    %dma_start3A_24 = tpu.memref_slice %arg18[%mul3A_16] : memref<65536xf32, #tpu.memory_space<vmem_shared>> -> memref<4096xf32, #tpu.memory_space<vmem_shared>>
    tpu.enqueue_dma source(%arg16 : memref<4096xf32, #tpu.memory_space<vmem>>) target(%dma_start3A_24 : memref<4096xf32, #tpu.memory_space<vmem_shared>>) target_semaphore(%arg23 : memref<!tpu.dma_semaphore, #tpu.memory_space<semaphore_mem>>)
    %dma_start3A_25 = tpu.memref_slice %arg19[%mul3A_16] : memref<65536xf32, #tpu.memory_space<vmem_shared>> -> memref<4096xf32, #tpu.memory_space<vmem_shared>>
    %dma_start3A_26 = tpu.memref_slice %arg19[%mul3A_16] : memref<65536xf32, #tpu.memory_space<vmem_shared>> -> memref<4096xf32, #tpu.memory_space<vmem_shared>>
    tpu.enqueue_dma source(%arg16 : memref<4096xf32, #tpu.memory_space<vmem>>) target(%dma_start3A_26 : memref<4096xf32, #tpu.memory_space<vmem_shared>>) target_semaphore(%arg23 : memref<!tpu.dma_semaphore, #tpu.memory_space<semaphore_mem>>)
    %dma_start3A_27 = tpu.memref_slice %arg20[%mul3A_16] : memref<65536xf32, #tpu.memory_space<vmem_shared>> -> memref<4096xf32, #tpu.memory_space<vmem_shared>>
    %dma_start3A_28 = tpu.memref_slice %arg20[%mul3A_16] : memref<65536xf32, #tpu.memory_space<vmem_shared>> -> memref<4096xf32, #tpu.memory_space<vmem_shared>>
    tpu.enqueue_dma source(%arg16 : memref<4096xf32, #tpu.memory_space<vmem>>) target(%dma_start3A_28 : memref<4096xf32, #tpu.memory_space<vmem_shared>>) target_semaphore(%arg23 : memref<!tpu.dma_semaphore, #tpu.memory_space<semaphore_mem>>)
    %dma_start3A_29 = tpu.memref_slice %arg21[%mul3A_16] : memref<65536xf32, #tpu.memory_space<vmem_shared>> -> memref<4096xf32, #tpu.memory_space<vmem_shared>>
    %dma_start3A_30 = tpu.memref_slice %arg21[%mul3A_16] : memref<65536xf32, #tpu.memory_space<vmem_shared>> -> memref<4096xf32, #tpu.memory_space<vmem_shared>>
    tpu.enqueue_dma source(%arg16 : memref<4096xf32, #tpu.memory_space<vmem>>) target(%dma_start3A_30 : memref<4096xf32, #tpu.memory_space<vmem_shared>>) target_semaphore(%arg23 : memref<!tpu.dma_semaphore, #tpu.memory_space<semaphore_mem>>)
    %dma_start3A_31 = arith.constant 0 : i32
    %dma_start3A_32 = tpu.memref_slice %arg11[%dma_start3A_31] : memref<16384xf32, #tpu.memory_space<vmem>> -> memref<12512xf32, #tpu.memory_space<vmem>>
    %dma_start3A_33 = tpu.memref_slice %arg2[%multiple_of3A_20] : memref<400384xf32, #tpu.memory_space<hbm>> -> memref<12512xf32, #tpu.memory_space<hbm>>
    %dma_start3A_34 = arith.constant 0 : i32
    %dma_start3A_35 = tpu.memref_slice %arg11[%dma_start3A_34] : memref<16384xf32, #tpu.memory_space<vmem>> -> memref<12512xf32, #tpu.memory_space<vmem>>
    %dma_start3A_36 = tpu.memref_slice %arg2[%multiple_of3A_20] : memref<400384xf32, #tpu.memory_space<hbm>> -> memref<12512xf32, #tpu.memory_space<hbm>>
    tpu.enqueue_dma source(%dma_start3A_36 : memref<12512xf32, #tpu.memory_space<hbm>>) target(%dma_start3A_35 : memref<12512xf32, #tpu.memory_space<vmem>>) target_semaphore(%arg24 : memref<!tpu.dma_semaphore, #tpu.memory_space<semaphore_mem>>)
    %dma_start3A_37 = arith.constant 0 : i32
    %dma_start3A_38 = tpu.memref_slice %arg12[%dma_start3A_37] : memref<16384xf32, #tpu.memory_space<vmem>> -> memref<12512xf32, #tpu.memory_space<vmem>>
    %dma_start3A_39 = tpu.memref_slice %arg2[%multiple_of3A_23] : memref<400384xf32, #tpu.memory_space<hbm>> -> memref<12512xf32, #tpu.memory_space<hbm>>
    %dma_start3A_40 = arith.constant 0 : i32
    %dma_start3A_41 = tpu.memref_slice %arg12[%dma_start3A_40] : memref<16384xf32, #tpu.memory_space<vmem>> -> memref<12512xf32, #tpu.memory_space<vmem>>
    %dma_start3A_42 = tpu.memref_slice %arg2[%multiple_of3A_23] : memref<400384xf32, #tpu.memory_space<hbm>> -> memref<12512xf32, #tpu.memory_space<hbm>>
    tpu.enqueue_dma source(%dma_start3A_42 : memref<12512xf32, #tpu.memory_space<hbm>>) target(%dma_start3A_41 : memref<12512xf32, #tpu.memory_space<vmem>>) target_semaphore(%arg24 : memref<!tpu.dma_semaphore, #tpu.memory_space<semaphore_mem>>)
    "tpu.region"() ({
      %run_scoped3A_212 = tpu.sem_alloc : memref<!tpu.dma_semaphore, #tpu.memory_space<semaphore_mem>>
      %dma_start3A_213 = tpu.memref_slice %arg3[%multiple_of3A] : memref<50192xi32, #tpu.memory_space<hbm>> -> memref<1584xi32, #tpu.memory_space<hbm>>
      %dma_start3A_214 = tpu.memref_slice %arg3[%multiple_of3A] : memref<50192xi32, #tpu.memory_space<hbm>> -> memref<1584xi32, #tpu.memory_space<hbm>>
      tpu.enqueue_dma source(%dma_start3A_214 : memref<1584xi32, #tpu.memory_space<hbm>>) target(%arg7 : memref<1584xi32, #tpu.memory_space<vmem>>) target_semaphore(%run_scoped3A_212 : memref<!tpu.dma_semaphore, #tpu.memory_space<semaphore_mem>>)
      %dma_wait3A_215 = tpu.memref_slice %arg3[%multiple_of3A] : memref<50192xi32, #tpu.memory_space<hbm>> -> memref<1584xi32, #tpu.memory_space<hbm>>
      %dma_wait3A_216 = tpu.memref_slice %arg3[%multiple_of3A] : memref<50192xi32, #tpu.memory_space<hbm>> -> memref<1584xi32, #tpu.memory_space<hbm>>
      tpu.wait_dma2 semaphore(%run_scoped3A_212 : memref<!tpu.dma_semaphore, #tpu.memory_space<semaphore_mem>>) src(%dma_wait3A_216 : memref<1584xi32, #tpu.memory_space<hbm>>) dst(%arg7 : memref<1584xi32, #tpu.memory_space<vmem>>)
      tpu.yield
    }) : () -> ()
    "tpu.region"() ({
      %run_scoped3A_212 = tpu.sem_alloc : memref<!tpu.dma_semaphore, #tpu.memory_space<semaphore_mem>>
      %dma_start3A_213 = tpu.memref_slice %arg5[%multiple_of3A] : memref<50176xf32, #tpu.memory_space<hbm>> -> memref<1568xf32, #tpu.memory_space<hbm>>
      %dma_start3A_214 = tpu.memref_slice %arg5[%multiple_of3A] : memref<50176xf32, #tpu.memory_space<hbm>> -> memref<1568xf32, #tpu.memory_space<hbm>>
      tpu.enqueue_dma source(%dma_start3A_214 : memref<1568xf32, #tpu.memory_space<hbm>>) target(%arg8 : memref<1568xf32, #tpu.memory_space<vmem>>) target_semaphore(%run_scoped3A_212 : memref<!tpu.dma_semaphore, #tpu.memory_space<semaphore_mem>>)
      %dma_wait3A_215 = tpu.memref_slice %arg5[%multiple_of3A] : memref<50176xf32, #tpu.memory_space<hbm>> -> memref<1568xf32, #tpu.memory_space<hbm>>
      %dma_wait3A_216 = tpu.memref_slice %arg5[%multiple_of3A] : memref<50176xf32, #tpu.memory_space<hbm>> -> memref<1568xf32, #tpu.memory_space<hbm>>
      tpu.wait_dma2 semaphore(%run_scoped3A_212 : memref<!tpu.dma_semaphore, #tpu.memory_space<semaphore_mem>>) src(%dma_wait3A_216 : memref<1568xf32, #tpu.memory_space<hbm>>) dst(%arg8 : memref<1568xf32, #tpu.memory_space<vmem>>)
      tpu.yield
    }) : () -> ()
    %dma_wait3A = arith.constant 0 : i32
    %dma_wait3A_43 = tpu.memref_slice %arg11[%dma_wait3A] : memref<16384xf32, #tpu.memory_space<vmem>> -> memref<12512xf32, #tpu.memory_space<vmem>>
    %dma_wait3A_44 = tpu.memref_slice %arg2[%multiple_of3A_20] : memref<400384xf32, #tpu.memory_space<hbm>> -> memref<12512xf32, #tpu.memory_space<hbm>>
    %dma_wait3A_45 = arith.constant 0 : i32
    %dma_wait3A_46 = tpu.memref_slice %arg11[%dma_wait3A_45] : memref<16384xf32, #tpu.memory_space<vmem>> -> memref<12512xf32, #tpu.memory_space<vmem>>
    %dma_wait3A_47 = tpu.memref_slice %arg2[%multiple_of3A_20] : memref<400384xf32, #tpu.memory_space<hbm>> -> memref<12512xf32, #tpu.memory_space<hbm>>
    tpu.wait_dma2 semaphore(%arg24 : memref<!tpu.dma_semaphore, #tpu.memory_space<semaphore_mem>>) src(%dma_wait3A_47 : memref<12512xf32, #tpu.memory_space<hbm>>) dst(%dma_wait3A_46 : memref<12512xf32, #tpu.memory_space<vmem>>)
    %dma_wait3A_48 = arith.constant 0 : i32
    %dma_wait3A_49 = tpu.memref_slice %arg12[%dma_wait3A_48] : memref<16384xf32, #tpu.memory_space<vmem>> -> memref<12512xf32, #tpu.memory_space<vmem>>
    %dma_wait3A_50 = tpu.memref_slice %arg2[%multiple_of3A_23] : memref<400384xf32, #tpu.memory_space<hbm>> -> memref<12512xf32, #tpu.memory_space<hbm>>
    %dma_wait3A_51 = arith.constant 0 : i32
    %dma_wait3A_52 = tpu.memref_slice %arg12[%dma_wait3A_51] : memref<16384xf32, #tpu.memory_space<vmem>> -> memref<12512xf32, #tpu.memory_space<vmem>>
    %dma_wait3A_53 = tpu.memref_slice %arg2[%multiple_of3A_23] : memref<400384xf32, #tpu.memory_space<hbm>> -> memref<12512xf32, #tpu.memory_space<hbm>>
    tpu.wait_dma2 semaphore(%arg24 : memref<!tpu.dma_semaphore, #tpu.memory_space<semaphore_mem>>) src(%dma_wait3A_53 : memref<12512xf32, #tpu.memory_space<hbm>>) dst(%dma_wait3A_52 : memref<12512xf32, #tpu.memory_space<vmem>>)
    %dma_start3A_54 = arith.constant 0 : i32
    %dma_start3A_55 = tpu.memref_slice %arg11[%dma_start3A_54] : memref<16384xf32, #tpu.memory_space<vmem>> -> memref<12512xf32, #tpu.memory_space<vmem>>
    %dma_start3A_56 = tpu.memref_slice %arg17[%multiple_of3A_20] : memref<400384xf32, #tpu.memory_space<vmem_shared>> -> memref<12512xf32, #tpu.memory_space<vmem_shared>>
    %dma_start3A_57 = tpu.memref_slice %arg17[%multiple_of3A_20] : memref<400384xf32, #tpu.memory_space<vmem_shared>> -> memref<12512xf32, #tpu.memory_space<vmem_shared>>
    %dma_start3A_58 = arith.constant 0 : i32
    %dma_start3A_59 = tpu.memref_slice %arg11[%dma_start3A_58] : memref<16384xf32, #tpu.memory_space<vmem>> -> memref<12512xf32, #tpu.memory_space<vmem>>
    tpu.enqueue_dma source(%dma_start3A_59 : memref<12512xf32, #tpu.memory_space<vmem>>) target(%dma_start3A_57 : memref<12512xf32, #tpu.memory_space<vmem_shared>>) target_semaphore(%arg24 : memref<!tpu.dma_semaphore, #tpu.memory_space<semaphore_mem>>)
    %dma_start3A_60 = arith.constant 0 : i32
    %dma_start3A_61 = tpu.memref_slice %arg12[%dma_start3A_60] : memref<16384xf32, #tpu.memory_space<vmem>> -> memref<12512xf32, #tpu.memory_space<vmem>>
    %dma_start3A_62 = tpu.memref_slice %arg17[%multiple_of3A_23] : memref<400384xf32, #tpu.memory_space<vmem_shared>> -> memref<12512xf32, #tpu.memory_space<vmem_shared>>
    %dma_start3A_63 = tpu.memref_slice %arg17[%multiple_of3A_23] : memref<400384xf32, #tpu.memory_space<vmem_shared>> -> memref<12512xf32, #tpu.memory_space<vmem_shared>>
    %dma_start3A_64 = arith.constant 0 : i32
    %dma_start3A_65 = tpu.memref_slice %arg12[%dma_start3A_64] : memref<16384xf32, #tpu.memory_space<vmem>> -> memref<12512xf32, #tpu.memory_space<vmem>>
    tpu.enqueue_dma source(%dma_start3A_65 : memref<12512xf32, #tpu.memory_space<vmem>>) target(%dma_start3A_63 : memref<12512xf32, #tpu.memory_space<vmem_shared>>) target_semaphore(%arg24 : memref<!tpu.dma_semaphore, #tpu.memory_space<semaphore_mem>>)
    %get3A = arith.constant 0 : index
    %get3A_66 = tpu.vector_load %arg7[%get3A] {strides = array<i32>} : memref<1584xi32, #tpu.memory_space<vmem>>, vector<16xi32>,
    %slice3A = vector.extract_strided_slice %get3A_66 {offsets = [0], sizes = [1], strides = [1]} : vector<16xi32> to vector<1xi32>
    %squeeze3A = vector.extract %slice3A[0] : i32 from vector<1xi32>
    %get3A_67 = arith.constant 1568 : index
    %get3A_68 = tpu.vector_load %arg7[%get3A_67] {strides = array<i32>} : memref<1584xi32, #tpu.memory_space<vmem>>, vector<16xi32>,
    %slice3A_69 = vector.extract_strided_slice %get3A_68 {offsets = [0], sizes = [1], strides = [1]} : vector<16xi32> to vector<1xi32>
    %squeeze3A_70 = vector.extract %slice3A_69[0] : i32 from vector<1xi32>
    %jit3A = arith.constant 8 : i32
    %div3A = arith.divsi %squeeze3A, %jit3A : i32
    %sign3A = arith.constant 0 : i32
    %sign3A_71 = arith.cmpi sgt, %squeeze3A, %sign3A : i32
    %sign3A_72 = arith.extui %sign3A_71 : i1 to i32
    %sign3A_73 = arith.constant 0 : i32
    %sign3A_74 = arith.cmpi slt, %squeeze3A, %sign3A_73 : i32
    %sign3A_75 = arith.extui %sign3A_74 : i1 to i32
    %sign3A_76 = arith.subi %sign3A_72, %sign3A_75 : i32
    %sign3A_77 = arith.constant 0 : i32
    %sign3A_78 = arith.cmpi sgt, %jit3A, %sign3A_77 : i32
    %sign3A_79 = arith.extui %sign3A_78 : i1 to i32
    %sign3A_80 = arith.constant 0 : i32
    %sign3A_81 = arith.cmpi slt, %jit3A, %sign3A_80 : i32
    %sign3A_82 = arith.extui %sign3A_81 : i1 to i32
    %sign3A_83 = arith.subi %sign3A_79, %sign3A_82 : i32
    %ne3A = arith.cmpi ne, %sign3A_76, %sign3A_83 : i32
    %rem3A = arith.remsi %squeeze3A, %jit3A : i32
    %ne3A_84 = arith.constant 0 : i32
    %ne3A_85 = arith.cmpi ne, %rem3A, %ne3A_84 : i32
    %and3A = arith.andi %ne3A, %ne3A_85 : i1
    %sub3A = arith.constant 1 : i32
    %sub3A_86 = arith.subi %div3A, %sub3A : i32
    %select_n3A = arith.select %and3A, %sub3A_86, %div3A : i32
    %mul3A_87 = arith.constant 8 : i32
    %mul3A_88 = arith.muli %select_n3A, %mul3A_87 : i32
    %multiple_of3A_89 = tpu.assume_multiple %mul3A_88, 8 : i32
    %sub3A_90 = arith.subi %squeeze3A, %multiple_of3A_89 : i32
    %sub3A_91 = arith.subi %squeeze3A_70, %squeeze3A : i32
    "tpu.region"() ({
      %run_scoped3A_212 = tpu.sem_alloc : memref<!tpu.dma_semaphore, #tpu.memory_space<semaphore_mem>>
      %dma_start3A_213 = tpu.memref_slice %arg4[%multiple_of3A_89] : memref<216392xi32, #tpu.memory_space<hbm>> -> memref<16384xi32, #tpu.memory_space<hbm>>
      %dma_start3A_214 = tpu.memref_slice %arg4[%multiple_of3A_89] : memref<216392xi32, #tpu.memory_space<hbm>> -> memref<16384xi32, #tpu.memory_space<hbm>>
      tpu.enqueue_dma source(%dma_start3A_214 : memref<16384xi32, #tpu.memory_space<hbm>>) target(%arg9 : memref<16384xi32, #tpu.memory_space<vmem>>) target_semaphore(%run_scoped3A_212 : memref<!tpu.dma_semaphore, #tpu.memory_space<semaphore_mem>>)
      %dma_wait3A_215 = tpu.memref_slice %arg4[%multiple_of3A_89] : memref<216392xi32, #tpu.memory_space<hbm>> -> memref<16384xi32, #tpu.memory_space<hbm>>
      %dma_wait3A_216 = tpu.memref_slice %arg4[%multiple_of3A_89] : memref<216392xi32, #tpu.memory_space<hbm>> -> memref<16384xi32, #tpu.memory_space<hbm>>
      tpu.wait_dma2 semaphore(%run_scoped3A_212 : memref<!tpu.dma_semaphore, #tpu.memory_space<semaphore_mem>>) src(%dma_wait3A_216 : memref<16384xi32, #tpu.memory_space<hbm>>) dst(%arg9 : memref<16384xi32, #tpu.memory_space<vmem>>)
      tpu.yield
    }) : () -> ()
    %add3A_92 = arith.addi %sub3A_90, %sub3A_91 : i32
    %add3A_93 = arith.constant 127 : i32
    %add3A_94 = arith.addi %add3A_92, %add3A_93 : i32
    %div3A_95 = arith.constant 128 : i32
    %div3A_96 = arith.divsi %add3A_94, %div3A_95 : i32
    %min3A = arith.constant 128 : i32
    %min3A_97 = arith.minsi %div3A_96, %min3A : i32
    %mul3A_98 = arith.constant 8 : i32
    %mul3A_99 = arith.muli %min3A_97, %mul3A_98 : i32
    %while3A_100 = arith.constant 0 : i32
    %while3A_101 = arith.constant 0 : i64
    %while3A_102 = arith.subi %mul3A_99, %while3A_100 : i32
    %while3A_103 = arith.addi %while3A_100, %while3A_102 : i32
    %while3A_104 = arith.constant 1 : i32
    %while3A_105 = arith.divsi %while3A_102, %while3A_104 : i32
    %while3A_106 = arith.muli %while3A_105, %while3A_104 : i32
    %while3A_107 = arith.addi %while3A_100, %while3A_106 : i32
    %while3A_108 = arith.constant 1 : i32
    %while3A_109 = scf.for %while3A_212 = %while3A_100 to %while3A_107 step %while3A_108 iter_args(%while3A_213 = %while3A_101) -> (i64)  : i32 {
      %mul3A_214 = arith.constant 16 : i32
      %mul3A_215 = arith.muli %while3A_212, %mul3A_214 : i32
      %get3A_216 = arith.index_cast %mul3A_215 : i32 to index
      %get3A_217 = tpu.vector_load %arg9[%get3A_216] {strides = array<i32>} : memref<16384xi32, #tpu.memory_space<vmem>>, vector<16xi32>,
      %mul3A_218 = arith.constant 2 : i32
      %mul3A_219 = vector.broadcast %mul3A_218 : i32 to vector<16xi32>
      %mul3A_220 = arith.muli %get3A_217, %mul3A_219 : vector<16xi32>
      %add3A_221 = arith.constant 1 : i32
      %add3A_222 = vector.broadcast %add3A_221 : i32 to vector<16xi32>
      %add3A_223 = arith.addi %mul3A_220, %add3A_222 : vector<16xi32>
      %swap3A = arith.index_cast %mul3A_215 : i32 to index
      %swap3A_224 = tpu.vector_load %arg10[%swap3A] {strides = array<i32>} : memref<16384xi32, #tpu.memory_space<vmem>>, vector<16xi32>,
      tpu.vector_store %arg10[%swap3A], %add3A_223 {strides = array<i32>} : memref<16384xi32, #tpu.memory_space<vmem>>, vector<16xi32>,
      %swap3A_225 = arith.index_cast %mul3A_215 : i32 to index
      %swap3A_226 = tpu.vector_load %arg9[%swap3A_225] {strides = array<i32>} : memref<16384xi32, #tpu.memory_space<vmem>>, vector<16xi32>,
      tpu.vector_store %arg9[%swap3A_225], %mul3A_220 {strides = array<i32>} : memref<16384xi32, #tpu.memory_space<vmem>>, vector<16xi32>,
      %while3A_227 = arith.constant 0 : i64
      scf.yield %while3A_227 : i64
    }
    %while3A_110 = arith.constant 1 : i32
    %while3A_111 = scf.for %while3A_212 = %while3A_107 to %while3A_103 step %while3A_110 iter_args(%while3A_213 = %while3A_109) -> (i64)  : i32 {
      %mul3A_214 = arith.constant 16 : i32
      %mul3A_215 = arith.muli %while3A_212, %mul3A_214 : i32
      %get3A_216 = arith.index_cast %mul3A_215 : i32 to index
      %get3A_217 = tpu.vector_load %arg9[%get3A_216] {strides = array<i32>} : memref<16384xi32, #tpu.memory_space<vmem>>, vector<16xi32>,
      %mul3A_218 = arith.constant 2 : i32
      %mul3A_219 = vector.broadcast %mul3A_218 : i32 to vector<16xi32>
      %mul3A_220 = arith.muli %get3A_217, %mul3A_219 : vector<16xi32>
      %add3A_221 = arith.constant 1 : i32
      %add3A_222 = vector.broadcast %add3A_221 : i32 to vector<16xi32>
      %add3A_223 = arith.addi %mul3A_220, %add3A_222 : vector<16xi32>
      %swap3A = arith.index_cast %mul3A_215 : i32 to index
      %swap3A_224 = tpu.vector_load %arg10[%swap3A] {strides = array<i32>} : memref<16384xi32, #tpu.memory_space<vmem>>, vector<16xi32>,
      tpu.vector_store %arg10[%swap3A], %add3A_223 {strides = array<i32>} : memref<16384xi32, #tpu.memory_space<vmem>>, vector<16xi32>,
      %swap3A_225 = arith.index_cast %mul3A_215 : i32 to index
      %swap3A_226 = tpu.vector_load %arg9[%swap3A_225] {strides = array<i32>} : memref<16384xi32, #tpu.memory_space<vmem>>, vector<16xi32>,
      tpu.vector_store %arg9[%swap3A_225], %mul3A_220 {strides = array<i32>} : memref<16384xi32, #tpu.memory_space<vmem>>, vector<16xi32>,
      %while3A_227 = arith.constant 0 : i64
      scf.yield %while3A_227 : i64
    }
    %dma_wait3A_112 = tpu.memref_slice %arg18[%mul3A_16] : memref<65536xf32, #tpu.memory_space<vmem_shared>> -> memref<4096xf32, #tpu.memory_space<vmem_shared>>
    %dma_wait3A_113 = tpu.memref_slice %arg18[%mul3A_16] : memref<65536xf32, #tpu.memory_space<vmem_shared>> -> memref<4096xf32, #tpu.memory_space<vmem_shared>>
    tpu.wait_dma2 semaphore(%arg23 : memref<!tpu.dma_semaphore, #tpu.memory_space<semaphore_mem>>) src(%arg16 : memref<4096xf32, #tpu.memory_space<vmem>>) dst(%dma_wait3A_113 : memref<4096xf32, #tpu.memory_space<vmem_shared>>)
    %dma_wait3A_114 = tpu.memref_slice %arg19[%mul3A_16] : memref<65536xf32, #tpu.memory_space<vmem_shared>> -> memref<4096xf32, #tpu.memory_space<vmem_shared>>
    %dma_wait3A_115 = tpu.memref_slice %arg19[%mul3A_16] : memref<65536xf32, #tpu.memory_space<vmem_shared>> -> memref<4096xf32, #tpu.memory_space<vmem_shared>>
    tpu.wait_dma2 semaphore(%arg23 : memref<!tpu.dma_semaphore, #tpu.memory_space<semaphore_mem>>) src(%arg16 : memref<4096xf32, #tpu.memory_space<vmem>>) dst(%dma_wait3A_115 : memref<4096xf32, #tpu.memory_space<vmem_shared>>)
    %dma_wait3A_116 = tpu.memref_slice %arg20[%mul3A_16] : memref<65536xf32, #tpu.memory_space<vmem_shared>> -> memref<4096xf32, #tpu.memory_space<vmem_shared>>
    %dma_wait3A_117 = tpu.memref_slice %arg20[%mul3A_16] : memref<65536xf32, #tpu.memory_space<vmem_shared>> -> memref<4096xf32, #tpu.memory_space<vmem_shared>>
    tpu.wait_dma2 semaphore(%arg23 : memref<!tpu.dma_semaphore, #tpu.memory_space<semaphore_mem>>) src(%arg16 : memref<4096xf32, #tpu.memory_space<vmem>>) dst(%dma_wait3A_117 : memref<4096xf32, #tpu.memory_space<vmem_shared>>)
    %dma_wait3A_118 = tpu.memref_slice %arg21[%mul3A_16] : memref<65536xf32, #tpu.memory_space<vmem_shared>> -> memref<4096xf32, #tpu.memory_space<vmem_shared>>
    %dma_wait3A_119 = tpu.memref_slice %arg21[%mul3A_16] : memref<65536xf32, #tpu.memory_space<vmem_shared>> -> memref<4096xf32, #tpu.memory_space<vmem_shared>>
    tpu.wait_dma2 semaphore(%arg23 : memref<!tpu.dma_semaphore, #tpu.memory_space<semaphore_mem>>) src(%arg16 : memref<4096xf32, #tpu.memory_space<vmem>>) dst(%dma_wait3A_119 : memref<4096xf32, #tpu.memory_space<vmem_shared>>)
    %dma_wait3A_120 = arith.constant 0 : i32
    %dma_wait3A_121 = tpu.memref_slice %arg11[%dma_wait3A_120] : memref<16384xf32, #tpu.memory_space<vmem>> -> memref<12512xf32, #tpu.memory_space<vmem>>
    %dma_wait3A_122 = tpu.memref_slice %arg17[%multiple_of3A_20] : memref<400384xf32, #tpu.memory_space<vmem_shared>> -> memref<12512xf32, #tpu.memory_space<vmem_shared>>
    %dma_wait3A_123 = tpu.memref_slice %arg17[%multiple_of3A_20] : memref<400384xf32, #tpu.memory_space<vmem_shared>> -> memref<12512xf32, #tpu.memory_space<vmem_shared>>
    %dma_wait3A_124 = arith.constant 0 : i32
    %dma_wait3A_125 = tpu.memref_slice %arg11[%dma_wait3A_124] : memref<16384xf32, #tpu.memory_space<vmem>> -> memref<12512xf32, #tpu.memory_space<vmem>>
    tpu.wait_dma2 semaphore(%arg24 : memref<!tpu.dma_semaphore, #tpu.memory_space<semaphore_mem>>) src(%dma_wait3A_125 : memref<12512xf32, #tpu.memory_space<vmem>>) dst(%dma_wait3A_123 : memref<12512xf32, #tpu.memory_space<vmem_shared>>)
    %dma_wait3A_126 = arith.constant 0 : i32
    %dma_wait3A_127 = tpu.memref_slice %arg12[%dma_wait3A_126] : memref<16384xf32, #tpu.memory_space<vmem>> -> memref<12512xf32, #tpu.memory_space<vmem>>
    %dma_wait3A_128 = tpu.memref_slice %arg17[%multiple_of3A_23] : memref<400384xf32, #tpu.memory_space<vmem_shared>> -> memref<12512xf32, #tpu.memory_space<vmem_shared>>
    %dma_wait3A_129 = tpu.memref_slice %arg17[%multiple_of3A_23] : memref<400384xf32, #tpu.memory_space<vmem_shared>> -> memref<12512xf32, #tpu.memory_space<vmem_shared>>
    %dma_wait3A_130 = arith.constant 0 : i32
    %dma_wait3A_131 = tpu.memref_slice %arg12[%dma_wait3A_130] : memref<16384xf32, #tpu.memory_space<vmem>> -> memref<12512xf32, #tpu.memory_space<vmem>>
    tpu.wait_dma2 semaphore(%arg24 : memref<!tpu.dma_semaphore, #tpu.memory_space<semaphore_mem>>) src(%dma_wait3A_131 : memref<12512xf32, #tpu.memory_space<vmem>>) dst(%dma_wait3A_129 : memref<12512xf32, #tpu.memory_space<vmem_shared>>)
    %barrier3A = arith.constant 0 : index
    tpu.barrier barrier_id(%barrier3A)
    %while3A_132 = arith.constant 0 : i32
    %while3A_133 = arith.constant 0 : i64
    %while3A_134 = arith.subi %min3A_97, %while3A_132 : i32
    %while3A_135 = arith.addi %while3A_132, %while3A_134 : i32
    %while3A_136 = arith.constant 1 : i32
    %while3A_137 = arith.divsi %while3A_134, %while3A_136 : i32
    %while3A_138 = arith.muli %while3A_137, %while3A_136 : i32
    %while3A_139 = arith.addi %while3A_132, %while3A_138 : i32
    %while3A_140 = arith.constant 1 : i32
    %while3A_141 = scf.for %while3A_212 = %while3A_132 to %while3A_139 step %while3A_140 iter_args(%while3A_213 = %while3A_133) -> (i64)  : i32 {
      %mul3A_214 = arith.constant 128 : i32
      %mul3A_215 = arith.muli %while3A_212, %mul3A_214 : i32
      %dma_start3A_216 = tpu.memref_slice %arg11[%mul3A_215] : memref<16384xf32, #tpu.memory_space<vmem>> -> memref<128xf32, #tpu.memory_space<vmem>>
      %dma_start3A_217 = tpu.memref_slice %arg9[%mul3A_215] : memref<16384xi32, #tpu.memory_space<vmem>> -> memref<128xi32, #tpu.memory_space<vmem>>
      %dma_start3A_218 = arith.constant 0 : i32
      %dma_start3A_219 = tpu.memref_slice %arg17[%dma_start3A_218] : memref<400384xf32, #tpu.memory_space<vmem_shared>> -> memref<400384xf32, #tpu.memory_space<vmem_shared>>
      tpu.enqueue_indirect_dma source(%dma_start3A_219 : memref<400384xf32, #tpu.memory_space<vmem_shared>>) target(%dma_start3A_216 : memref<128xf32, #tpu.memory_space<vmem>>) offsets(%dma_start3A_217 : memref<128xi32, #tpu.memory_space<vmem>>) semaphore(%arg22 : memref<!tpu.dma_semaphore, #tpu.memory_space<semaphore_mem>>)
      %dma_start3A_220 = tpu.memref_slice %arg12[%mul3A_215] : memref<16384xf32, #tpu.memory_space<vmem>> -> memref<128xf32, #tpu.memory_space<vmem>>
      %dma_start3A_221 = tpu.memref_slice %arg10[%mul3A_215] : memref<16384xi32, #tpu.memory_space<vmem>> -> memref<128xi32, #tpu.memory_space<vmem>>
      %dma_start3A_222 = arith.constant 0 : i32
      %dma_start3A_223 = tpu.memref_slice %arg17[%dma_start3A_222] : memref<400384xf32, #tpu.memory_space<vmem_shared>> -> memref<400384xf32, #tpu.memory_space<vmem_shared>>
      tpu.enqueue_indirect_dma source(%dma_start3A_223 : memref<400384xf32, #tpu.memory_space<vmem_shared>>) target(%dma_start3A_220 : memref<128xf32, #tpu.memory_space<vmem>>) offsets(%dma_start3A_221 : memref<128xi32, #tpu.memory_space<vmem>>) semaphore(%arg22 : memref<!tpu.dma_semaphore, #tpu.memory_space<semaphore_mem>>)
      %ge3A = arith.constant 8 : i32
      %ge3A_224 = arith.cmpi sge, %while3A_212, %ge3A : i32
      %convert_element_type3A = arith.extui %ge3A_224 : i1 to i32
      %cond3A = arith.constant 0 : i32
      %cond3A_225 = arith.cmpi ne, %convert_element_type3A, %cond3A : i32
      scf.if %cond3A_225 {
        %sub3A_227 = arith.constant 8 : i32
        %sub3A_228 = arith.subi %while3A_212, %sub3A_227 : i32
        %mul3A_229 = arith.constant 128 : i32
        %mul3A_230 = arith.muli %sub3A_228, %mul3A_229 : i32
        %dma_wait3A_231 = tpu.memref_slice %arg11[%mul3A_230] : memref<16384xf32, #tpu.memory_space<vmem>> -> memref<128xf32, #tpu.memory_space<vmem>>
        %dma_wait3A_232 = tpu.memref_slice %arg9[%mul3A_230] : memref<16384xi32, #tpu.memory_space<vmem>> -> memref<128xi32, #tpu.memory_space<vmem>>
        %dma_wait3A_233 = arith.constant 0 : i32
        %dma_wait3A_234 = tpu.memref_slice %arg17[%dma_wait3A_233] : memref<400384xf32, #tpu.memory_space<vmem_shared>> -> memref<400384xf32, #tpu.memory_space<vmem_shared>>
        tpu.wait_indirect_dma semaphore(%arg22 : memref<!tpu.dma_semaphore, #tpu.memory_space<semaphore_mem>>) src(%dma_wait3A_234 : memref<400384xf32, #tpu.memory_space<vmem_shared>>) dst(%dma_wait3A_231 : memref<128xf32, #tpu.memory_space<vmem>>)
        %dma_wait3A_235 = tpu.memref_slice %arg12[%mul3A_230] : memref<16384xf32, #tpu.memory_space<vmem>> -> memref<128xf32, #tpu.memory_space<vmem>>
        %dma_wait3A_236 = tpu.memref_slice %arg10[%mul3A_230] : memref<16384xi32, #tpu.memory_space<vmem>> -> memref<128xi32, #tpu.memory_space<vmem>>
        %dma_wait3A_237 = arith.constant 0 : i32
        %dma_wait3A_238 = tpu.memref_slice %arg17[%dma_wait3A_237] : memref<400384xf32, #tpu.memory_space<vmem_shared>> -> memref<400384xf32, #tpu.memory_space<vmem_shared>>
        tpu.wait_indirect_dma semaphore(%arg22 : memref<!tpu.dma_semaphore, #tpu.memory_space<semaphore_mem>>) src(%dma_wait3A_238 : memref<400384xf32, #tpu.memory_space<vmem_shared>>) dst(%dma_wait3A_235 : memref<128xf32, #tpu.memory_space<vmem>>)
      } else {
      }
      %while3A_226 = arith.constant 0 : i64
      scf.yield %while3A_226 : i64
    }
    %while3A_142 = arith.constant 1 : i32
    %while3A_143 = scf.for %while3A_212 = %while3A_139 to %while3A_135 step %while3A_142 iter_args(%while3A_213 = %while3A_141) -> (i64)  : i32 {
      %mul3A_214 = arith.constant 128 : i32
      %mul3A_215 = arith.muli %while3A_212, %mul3A_214 : i32
      %dma_start3A_216 = tpu.memref_slice %arg11[%mul3A_215] : memref<16384xf32, #tpu.memory_space<vmem>> -> memref<128xf32, #tpu.memory_space<vmem>>
      %dma_start3A_217 = tpu.memref_slice %arg9[%mul3A_215] : memref<16384xi32, #tpu.memory_space<vmem>> -> memref<128xi32, #tpu.memory_space<vmem>>
      %dma_start3A_218 = arith.constant 0 : i32
      %dma_start3A_219 = tpu.memref_slice %arg17[%dma_start3A_218] : memref<400384xf32, #tpu.memory_space<vmem_shared>> -> memref<400384xf32, #tpu.memory_space<vmem_shared>>
      tpu.enqueue_indirect_dma source(%dma_start3A_219 : memref<400384xf32, #tpu.memory_space<vmem_shared>>) target(%dma_start3A_216 : memref<128xf32, #tpu.memory_space<vmem>>) offsets(%dma_start3A_217 : memref<128xi32, #tpu.memory_space<vmem>>) semaphore(%arg22 : memref<!tpu.dma_semaphore, #tpu.memory_space<semaphore_mem>>)
      %dma_start3A_220 = tpu.memref_slice %arg12[%mul3A_215] : memref<16384xf32, #tpu.memory_space<vmem>> -> memref<128xf32, #tpu.memory_space<vmem>>
      %dma_start3A_221 = tpu.memref_slice %arg10[%mul3A_215] : memref<16384xi32, #tpu.memory_space<vmem>> -> memref<128xi32, #tpu.memory_space<vmem>>
      %dma_start3A_222 = arith.constant 0 : i32
      %dma_start3A_223 = tpu.memref_slice %arg17[%dma_start3A_222] : memref<400384xf32, #tpu.memory_space<vmem_shared>> -> memref<400384xf32, #tpu.memory_space<vmem_shared>>
      tpu.enqueue_indirect_dma source(%dma_start3A_223 : memref<400384xf32, #tpu.memory_space<vmem_shared>>) target(%dma_start3A_220 : memref<128xf32, #tpu.memory_space<vmem>>) offsets(%dma_start3A_221 : memref<128xi32, #tpu.memory_space<vmem>>) semaphore(%arg22 : memref<!tpu.dma_semaphore, #tpu.memory_space<semaphore_mem>>)
      %ge3A = arith.constant 8 : i32
      %ge3A_224 = arith.cmpi sge, %while3A_212, %ge3A : i32
      %convert_element_type3A = arith.extui %ge3A_224 : i1 to i32
      %cond3A = arith.constant 0 : i32
      %cond3A_225 = arith.cmpi ne, %convert_element_type3A, %cond3A : i32
      scf.if %cond3A_225 {
        %sub3A_227 = arith.constant 8 : i32
        %sub3A_228 = arith.subi %while3A_212, %sub3A_227 : i32
        %mul3A_229 = arith.constant 128 : i32
        %mul3A_230 = arith.muli %sub3A_228, %mul3A_229 : i32
        %dma_wait3A_231 = tpu.memref_slice %arg11[%mul3A_230] : memref<16384xf32, #tpu.memory_space<vmem>> -> memref<128xf32, #tpu.memory_space<vmem>>
        %dma_wait3A_232 = tpu.memref_slice %arg9[%mul3A_230] : memref<16384xi32, #tpu.memory_space<vmem>> -> memref<128xi32, #tpu.memory_space<vmem>>
        %dma_wait3A_233 = arith.constant 0 : i32
        %dma_wait3A_234 = tpu.memref_slice %arg17[%dma_wait3A_233] : memref<400384xf32, #tpu.memory_space<vmem_shared>> -> memref<400384xf32, #tpu.memory_space<vmem_shared>>
        tpu.wait_indirect_dma semaphore(%arg22 : memref<!tpu.dma_semaphore, #tpu.memory_space<semaphore_mem>>) src(%dma_wait3A_234 : memref<400384xf32, #tpu.memory_space<vmem_shared>>) dst(%dma_wait3A_231 : memref<128xf32, #tpu.memory_space<vmem>>)
        %dma_wait3A_235 = tpu.memref_slice %arg12[%mul3A_230] : memref<16384xf32, #tpu.memory_space<vmem>> -> memref<128xf32, #tpu.memory_space<vmem>>
        %dma_wait3A_236 = tpu.memref_slice %arg10[%mul3A_230] : memref<16384xi32, #tpu.memory_space<vmem>> -> memref<128xi32, #tpu.memory_space<vmem>>
        %dma_wait3A_237 = arith.constant 0 : i32
        %dma_wait3A_238 = tpu.memref_slice %arg17[%dma_wait3A_237] : memref<400384xf32, #tpu.memory_space<vmem_shared>> -> memref<400384xf32, #tpu.memory_space<vmem_shared>>
        tpu.wait_indirect_dma semaphore(%arg22 : memref<!tpu.dma_semaphore, #tpu.memory_space<semaphore_mem>>) src(%dma_wait3A_238 : memref<400384xf32, #tpu.memory_space<vmem_shared>>) dst(%dma_wait3A_235 : memref<128xf32, #tpu.memory_space<vmem>>)
      } else {
      }
      %while3A_226 = arith.constant 0 : i64
      scf.yield %while3A_226 : i64
    }
    %sub3A_144 = arith.constant 8 : i32
    %sub3A_145 = arith.subi %min3A_97, %sub3A_144 : i32
    %max3A = arith.constant 0 : i32
    %max3A_146 = arith.maxsi %sub3A_145, %max3A : i32
    %while3A_147 = arith.constant 0 : i64
    %while3A_148 = arith.subi %min3A_97, %max3A_146 : i32
    %while3A_149 = arith.addi %max3A_146, %while3A_148 : i32
    %while3A_150 = arith.constant 1 : i32
    %while3A_151 = arith.divsi %while3A_148, %while3A_150 : i32
    %while3A_152 = arith.muli %while3A_151, %while3A_150 : i32
    %while3A_153 = arith.addi %max3A_146, %while3A_152 : i32
    %while3A_154 = arith.constant 1 : i32
    %while3A_155 = scf.for %while3A_212 = %max3A_146 to %while3A_153 step %while3A_154 iter_args(%while3A_213 = %while3A_147) -> (i64)  : i32 {
      %mul3A_214 = arith.constant 128 : i32
      %mul3A_215 = arith.muli %while3A_212, %mul3A_214 : i32
      %dma_wait3A_216 = tpu.memref_slice %arg11[%mul3A_215] : memref<16384xf32, #tpu.memory_space<vmem>> -> memref<128xf32, #tpu.memory_space<vmem>>
      %dma_wait3A_217 = tpu.memref_slice %arg9[%mul3A_215] : memref<16384xi32, #tpu.memory_space<vmem>> -> memref<128xi32, #tpu.memory_space<vmem>>
      %dma_wait3A_218 = arith.constant 0 : i32
      %dma_wait3A_219 = tpu.memref_slice %arg17[%dma_wait3A_218] : memref<400384xf32, #tpu.memory_space<vmem_shared>> -> memref<400384xf32, #tpu.memory_space<vmem_shared>>
      tpu.wait_indirect_dma semaphore(%arg22 : memref<!tpu.dma_semaphore, #tpu.memory_space<semaphore_mem>>) src(%dma_wait3A_219 : memref<400384xf32, #tpu.memory_space<vmem_shared>>) dst(%dma_wait3A_216 : memref<128xf32, #tpu.memory_space<vmem>>)
      %dma_wait3A_220 = tpu.memref_slice %arg12[%mul3A_215] : memref<16384xf32, #tpu.memory_space<vmem>> -> memref<128xf32, #tpu.memory_space<vmem>>
      %dma_wait3A_221 = tpu.memref_slice %arg10[%mul3A_215] : memref<16384xi32, #tpu.memory_space<vmem>> -> memref<128xi32, #tpu.memory_space<vmem>>
      %dma_wait3A_222 = arith.constant 0 : i32
      %dma_wait3A_223 = tpu.memref_slice %arg17[%dma_wait3A_222] : memref<400384xf32, #tpu.memory_space<vmem_shared>> -> memref<400384xf32, #tpu.memory_space<vmem_shared>>
      tpu.wait_indirect_dma semaphore(%arg22 : memref<!tpu.dma_semaphore, #tpu.memory_space<semaphore_mem>>) src(%dma_wait3A_223 : memref<400384xf32, #tpu.memory_space<vmem_shared>>) dst(%dma_wait3A_220 : memref<128xf32, #tpu.memory_space<vmem>>)
      %while3A_224 = arith.constant 0 : i64
      scf.yield %while3A_224 : i64
    }
    %while3A_156 = arith.constant 1 : i32
    %while3A_157 = scf.for %while3A_212 = %while3A_153 to %while3A_149 step %while3A_156 iter_args(%while3A_213 = %while3A_155) -> (i64)  : i32 {
      %mul3A_214 = arith.constant 128 : i32
      %mul3A_215 = arith.muli %while3A_212, %mul3A_214 : i32
      %dma_wait3A_216 = tpu.memref_slice %arg11[%mul3A_215] : memref<16384xf32, #tpu.memory_space<vmem>> -> memref<128xf32, #tpu.memory_space<vmem>>
      %dma_wait3A_217 = tpu.memref_slice %arg9[%mul3A_215] : memref<16384xi32, #tpu.memory_space<vmem>> -> memref<128xi32, #tpu.memory_space<vmem>>
      %dma_wait3A_218 = arith.constant 0 : i32
      %dma_wait3A_219 = tpu.memref_slice %arg17[%dma_wait3A_218] : memref<400384xf32, #tpu.memory_space<vmem_shared>> -> memref<400384xf32, #tpu.memory_space<vmem_shared>>
      tpu.wait_indirect_dma semaphore(%arg22 : memref<!tpu.dma_semaphore, #tpu.memory_space<semaphore_mem>>) src(%dma_wait3A_219 : memref<400384xf32, #tpu.memory_space<vmem_shared>>) dst(%dma_wait3A_216 : memref<128xf32, #tpu.memory_space<vmem>>)
      %dma_wait3A_220 = tpu.memref_slice %arg12[%mul3A_215] : memref<16384xf32, #tpu.memory_space<vmem>> -> memref<128xf32, #tpu.memory_space<vmem>>
      %dma_wait3A_221 = tpu.memref_slice %arg10[%mul3A_215] : memref<16384xi32, #tpu.memory_space<vmem>> -> memref<128xi32, #tpu.memory_space<vmem>>
      %dma_wait3A_222 = arith.constant 0 : i32
      %dma_wait3A_223 = tpu.memref_slice %arg17[%dma_wait3A_222] : memref<400384xf32, #tpu.memory_space<vmem_shared>> -> memref<400384xf32, #tpu.memory_space<vmem_shared>>
      tpu.wait_indirect_dma semaphore(%arg22 : memref<!tpu.dma_semaphore, #tpu.memory_space<semaphore_mem>>) src(%dma_wait3A_223 : memref<400384xf32, #tpu.memory_space<vmem_shared>>) dst(%dma_wait3A_220 : memref<128xf32, #tpu.memory_space<vmem>>)
      %while3A_224 = arith.constant 0 : i64
      scf.yield %while3A_224 : i64
    }
    %iota3A = tpu.iota {dimensions = array<i32: 0>} : vector<16xi32>
    %while3A_158 = arith.constant 0 : i32
    %while3A_159 = arith.constant 98 : i32
    %while3A_160 = arith.constant 0 : i64
    %while3A_161 = arith.subi %while3A_159, %while3A_158 : i32
    %while3A_162 = arith.addi %while3A_158, %while3A_161 : i32
    %while3A_163 = arith.constant 1 : i32
    %while3A_164 = arith.divsi %while3A_161, %while3A_163 : i32
    %while3A_165 = arith.muli %while3A_164, %while3A_163 : i32
    %while3A_166 = arith.addi %while3A_158, %while3A_165 : i32
    %while3A_167 = arith.constant 1 : i32
    %while3A_168 = scf.for %while3A_212 = %while3A_158 to %while3A_166 step %while3A_167 iter_args(%while3A_213 = %while3A_160) -> (i64)  : i32 {
      %mul3A_214 = arith.constant 16 : i32
      %mul3A_215 = arith.muli %while3A_212, %mul3A_214 : i32
      %get3A_216 = arith.index_cast %mul3A_215 : i32 to index
      %get3A_217 = tpu.vector_load %arg7[%get3A_216] {strides = array<i32>} : memref<1584xi32, #tpu.memory_space<vmem>>, vector<16xi32>,
      %add3A_218 = arith.constant 1 : i32
      %add3A_219 = arith.addi %mul3A_215, %add3A_218 : i32
      %get3A_220 = arith.index_cast %add3A_219 : i32 to index
      %get3A_221 = tpu.vector_load %arg7[%get3A_220] {strides = array<i32>} : memref<1584xi32, #tpu.memory_space<vmem>>, vector<16xi32>,
      %sub3A_222 = arith.subi %get3A_221, %get3A_217 : vector<16xi32>
      %sub3A_223 = vector.broadcast %squeeze3A : i32 to vector<16xi32>
      %sub3A_224 = arith.subi %get3A_217, %sub3A_223 : vector<16xi32>
      %add3A_225 = vector.broadcast %sub3A_90 : i32 to vector<16xi32>
      %add3A_226 = arith.addi %sub3A_224, %add3A_225 : vector<16xi32>
      %convert_element_type3A = arith.sitofp %sub3A_222 : vector<16xi32> to vector<16xf32>
      %xor3A = arith.constant 1 : i32
      %xor3A_227 = vector.broadcast %xor3A : i32 to vector<16xi32>
      %xor3A_228 = arith.xori %iota3A, %xor3A_227 : vector<16xi32>
      %lt3A = arith.constant 0 : i32
      %lt3A_229 = vector.broadcast %lt3A : i32 to vector<16xi32>
      %lt3A_230 = arith.cmpi slt, %xor3A_228, %lt3A_229 : vector<16xi32>
      %add3A_231 = arith.constant 16 : i32
      %add3A_232 = vector.broadcast %add3A_231 : i32 to vector<16xi32>
      %add3A_233 = arith.addi %xor3A_228, %add3A_232 : vector<16xi32>
      %select_n3A_234 = arith.select %lt3A_230, %add3A_233, %xor3A_228 : vector<16xi1>, vector<16xi32>
      %broadcast_in_dim3A = vector.shape_cast %select_n3A_234 : vector<16xi32> to vector<16x1xi32>
      %gather3A = vector.shape_cast %broadcast_in_dim3A : vector<16x1xi32> to vector<16xi32>
      %gather3A_235 = tpu.dynamic_gather %convert_element_type3A[%gather3A] in [0] : vector<16xf32>, vector<16xi32> -> vector<16xf32>
      %max3A_236 = arith.maximumf %convert_element_type3A, %gather3A_235 : vector<16xf32>
      %xor3A_237 = arith.constant 2 : i32
      %xor3A_238 = vector.broadcast %xor3A_237 : i32 to vector<16xi32>
      %xor3A_239 = arith.xori %iota3A, %xor3A_238 : vector<16xi32>
      %lt3A_240 = arith.constant 0 : i32
      %lt3A_241 = vector.broadcast %lt3A_240 : i32 to vector<16xi32>
      %lt3A_242 = arith.cmpi slt, %xor3A_239, %lt3A_241 : vector<16xi32>
      %add3A_243 = arith.constant 16 : i32
      %add3A_244 = vector.broadcast %add3A_243 : i32 to vector<16xi32>
      %add3A_245 = arith.addi %xor3A_239, %add3A_244 : vector<16xi32>
      %select_n3A_246 = arith.select %lt3A_242, %add3A_245, %xor3A_239 : vector<16xi1>, vector<16xi32>
      %broadcast_in_dim3A_247 = vector.shape_cast %select_n3A_246 : vector<16xi32> to vector<16x1xi32>
      %gather3A_248 = vector.shape_cast %broadcast_in_dim3A_247 : vector<16x1xi32> to vector<16xi32>
      %gather3A_249 = tpu.dynamic_gather %max3A_236[%gather3A_248] in [0] : vector<16xf32>, vector<16xi32> -> vector<16xf32>
      %max3A_250 = arith.maximumf %max3A_236, %gather3A_249 : vector<16xf32>
      %xor3A_251 = arith.constant 4 : i32
      %xor3A_252 = vector.broadcast %xor3A_251 : i32 to vector<16xi32>
      %xor3A_253 = arith.xori %iota3A, %xor3A_252 : vector<16xi32>
      %lt3A_254 = arith.constant 0 : i32
      %lt3A_255 = vector.broadcast %lt3A_254 : i32 to vector<16xi32>
      %lt3A_256 = arith.cmpi slt, %xor3A_253, %lt3A_255 : vector<16xi32>
      %add3A_257 = arith.constant 16 : i32
      %add3A_258 = vector.broadcast %add3A_257 : i32 to vector<16xi32>
      %add3A_259 = arith.addi %xor3A_253, %add3A_258 : vector<16xi32>
      %select_n3A_260 = arith.select %lt3A_256, %add3A_259, %xor3A_253 : vector<16xi1>, vector<16xi32>
      %broadcast_in_dim3A_261 = vector.shape_cast %select_n3A_260 : vector<16xi32> to vector<16x1xi32>
      %gather3A_262 = vector.shape_cast %broadcast_in_dim3A_261 : vector<16x1xi32> to vector<16xi32>
      %gather3A_263 = tpu.dynamic_gather %max3A_250[%gather3A_262] in [0] : vector<16xf32>, vector<16xi32> -> vector<16xf32>
      %max3A_264 = arith.maximumf %max3A_250, %gather3A_263 : vector<16xf32>
      %xor3A_265 = arith.constant 8 : i32
      %xor3A_266 = vector.broadcast %xor3A_265 : i32 to vector<16xi32>
      %xor3A_267 = arith.xori %iota3A, %xor3A_266 : vector<16xi32>
      %lt3A_268 = arith.constant 0 : i32
      %lt3A_269 = vector.broadcast %lt3A_268 : i32 to vector<16xi32>
      %lt3A_270 = arith.cmpi slt, %xor3A_267, %lt3A_269 : vector<16xi32>
      %add3A_271 = arith.constant 16 : i32
      %add3A_272 = vector.broadcast %add3A_271 : i32 to vector<16xi32>
      %add3A_273 = arith.addi %xor3A_267, %add3A_272 : vector<16xi32>
      %select_n3A_274 = arith.select %lt3A_270, %add3A_273, %xor3A_267 : vector<16xi1>, vector<16xi32>
      %broadcast_in_dim3A_275 = vector.shape_cast %select_n3A_274 : vector<16xi32> to vector<16x1xi32>
      %gather3A_276 = vector.shape_cast %broadcast_in_dim3A_275 : vector<16x1xi32> to vector<16xi32>
      %gather3A_277 = tpu.dynamic_gather %max3A_264[%gather3A_276] in [0] : vector<16xf32>, vector<16xi32> -> vector<16xf32>
      %max3A_278 = arith.maximumf %max3A_264, %gather3A_277 : vector<16xf32>
      %slice3A_279 = vector.extract_strided_slice %max3A_278 {offsets = [0], sizes = [1], strides = [1]} : vector<16xf32> to vector<1xf32>
      %squeeze3A_280 = vector.extract %slice3A_279[0] : f32 from vector<1xf32>
      %convert_element_type3A_281 = arith.fptosi %squeeze3A_280 : f32 to i32
      %broadcast_in_dim3A_282 = arith.constant 3.000000e+38 : f32
      %broadcast_in_dim3A_283 = vector.broadcast %broadcast_in_dim3A_282 : f32 to vector<16xf32>
      %neg3A = arith.constant 0.000000e+00 : f32
      %neg3A_284 = vector.broadcast %neg3A : f32 to vector<16xf32>
      %neg3A_285 = arith.subf %neg3A_284, %broadcast_in_dim3A_283 : vector<16xf32>
      %neg3A_286 = arith.constant 0.000000e+00 : f32
      %neg3A_287 = vector.broadcast %neg3A_286 : f32 to vector<16xf32>
      %neg3A_288 = arith.subf %neg3A_287, %broadcast_in_dim3A_283 : vector<16xf32>
      %while3A_289 = arith.constant 0 : i32
      %while3A_290 = arith.subi %convert_element_type3A_281, %while3A_289 : i32
      %while3A_291 = arith.addi %while3A_289, %while3A_290 : i32
      %while3A_292 = arith.constant 1 : i32
      %while3A_293 = arith.divsi %while3A_290, %while3A_292 : i32
      %while3A_294 = arith.muli %while3A_293, %while3A_292 : i32
      %while3A_295 = arith.addi %while3A_289, %while3A_294 : i32
      %while3A_296 = arith.constant 1 : i32
      %while3A_297:4 = scf.for %while3A_1069 = %while3A_289 to %while3A_295 step %while3A_296 iter_args(%while3A_1070 = %broadcast_in_dim3A_283, %while3A_1071 = %neg3A_285, %while3A_1072 = %broadcast_in_dim3A_283, %while3A_1073 = %neg3A_288) -> (vector<16xf32>, vector<16xf32>, vector<16xf32>, vector<16xf32>)  : i32 {
        %add3A_1074 = vector.broadcast %while3A_1069 : i32 to vector<16xi32>
        %add3A_1075 = arith.addi %add3A_226, %add3A_1074 : vector<16xi32>
        %lt3A_1076 = vector.broadcast %while3A_1069 : i32 to vector<16xi32>
        %lt3A_1077 = arith.cmpi slt, %lt3A_1076, %sub3A_222 : vector<16xi32>
        %jit3A_1078 = arith.constant 0 : i32
        %jit3A_1079 = arith.constant 16383 : i32
        %max3A_1080 = vector.broadcast %jit3A_1078 : i32 to vector<16xi32>
        %max3A_1081 = arith.maxsi %max3A_1080, %add3A_1075 : vector<16xi32>
        %min3A_1082 = vector.broadcast %jit3A_1079 : i32 to vector<16xi32>
        %min3A_1083 = arith.minsi %min3A_1082, %max3A_1081 : vector<16xi32>
        %gather3A_1084 = tpu.vector_load_idx %arg11[%min3A_1083] : memref<16384xf32, #tpu.memory_space<vmem>>[vector<16xi32>], vector<16xf32>,
        %gather3A_1085 = tpu.vector_load_idx %arg12[%min3A_1083] : memref<16384xf32, #tpu.memory_space<vmem>>[vector<16xi32>], vector<16xf32>,
        %jit3A_1086 = arith.constant 3.000000e+38 : f32
        %broadcast_in_dim3A_1087 = vector.broadcast %jit3A_1086 : f32 to vector<16xf32>
        %select_n3A_1088 = arith.select %lt3A_1077, %gather3A_1084, %broadcast_in_dim3A_1087 : vector<16xi1>, vector<16xf32>
        %min3A_1089 = arith.minimumf %while3A_1070, %select_n3A_1088 : vector<16xf32>
        %jit3A_1090 = arith.constant -3.000000e+38 : f32
        %broadcast_in_dim3A_1091 = vector.broadcast %jit3A_1090 : f32 to vector<16xf32>
        %select_n3A_1092 = arith.select %lt3A_1077, %gather3A_1084, %broadcast_in_dim3A_1091 : vector<16xi1>, vector<16xf32>
        %max3A_1093 = arith.maximumf %while3A_1071, %select_n3A_1092 : vector<16xf32>
        %jit3A_1094 = arith.constant 3.000000e+38 : f32
        %broadcast_in_dim3A_1095 = vector.broadcast %jit3A_1094 : f32 to vector<16xf32>
        %select_n3A_1096 = arith.select %lt3A_1077, %gather3A_1085, %broadcast_in_dim3A_1095 : vector<16xi1>, vector<16xf32>
        %min3A_1097 = arith.minimumf %while3A_1072, %select_n3A_1096 : vector<16xf32>
        %jit3A_1098 = arith.constant -3.000000e+38 : f32
        %broadcast_in_dim3A_1099 = vector.broadcast %jit3A_1098 : f32 to vector<16xf32>
        %select_n3A_1100 = arith.select %lt3A_1077, %gather3A_1085, %broadcast_in_dim3A_1099 : vector<16xi1>, vector<16xf32>
        %max3A_1101 = arith.maximumf %while3A_1073, %select_n3A_1100 : vector<16xf32>
        scf.yield %min3A_1089, %max3A_1093, %min3A_1097, %max3A_1101 : vector<16xf32>, vector<16xf32>, vector<16xf32>, vector<16xf32>
      }
      %while3A_298 = arith.constant 1 : i32
      %while3A_299:4 = scf.for %while3A_1069 = %while3A_295 to %while3A_291 step %while3A_298 iter_args(%while3A_1070 = %while3A_297#0, %while3A_1071 = %while3A_297#1, %while3A_1072 = %while3A_297#2, %while3A_1073 = %while3A_297#3) -> (vector<16xf32>, vector<16xf32>, vector<16xf32>, vector<16xf32>)  : i32 {
        %add3A_1074 = vector.broadcast %while3A_1069 : i32 to vector<16xi32>
        %add3A_1075 = arith.addi %add3A_226, %add3A_1074 : vector<16xi32>
        %lt3A_1076 = vector.broadcast %while3A_1069 : i32 to vector<16xi32>
        %lt3A_1077 = arith.cmpi slt, %lt3A_1076, %sub3A_222 : vector<16xi32>
        %jit3A_1078 = arith.constant 0 : i32
        %jit3A_1079 = arith.constant 16383 : i32
        %max3A_1080 = vector.broadcast %jit3A_1078 : i32 to vector<16xi32>
        %max3A_1081 = arith.maxsi %max3A_1080, %add3A_1075 : vector<16xi32>
        %min3A_1082 = vector.broadcast %jit3A_1079 : i32 to vector<16xi32>
        %min3A_1083 = arith.minsi %min3A_1082, %max3A_1081 : vector<16xi32>
        %gather3A_1084 = tpu.vector_load_idx %arg11[%min3A_1083] : memref<16384xf32, #tpu.memory_space<vmem>>[vector<16xi32>], vector<16xf32>,
        %gather3A_1085 = tpu.vector_load_idx %arg12[%min3A_1083] : memref<16384xf32, #tpu.memory_space<vmem>>[vector<16xi32>], vector<16xf32>,
        %jit3A_1086 = arith.constant 3.000000e+38 : f32
        %broadcast_in_dim3A_1087 = vector.broadcast %jit3A_1086 : f32 to vector<16xf32>
        %select_n3A_1088 = arith.select %lt3A_1077, %gather3A_1084, %broadcast_in_dim3A_1087 : vector<16xi1>, vector<16xf32>
        %min3A_1089 = arith.minimumf %while3A_1070, %select_n3A_1088 : vector<16xf32>
        %jit3A_1090 = arith.constant -3.000000e+38 : f32
        %broadcast_in_dim3A_1091 = vector.broadcast %jit3A_1090 : f32 to vector<16xf32>
        %select_n3A_1092 = arith.select %lt3A_1077, %gather3A_1084, %broadcast_in_dim3A_1091 : vector<16xi1>, vector<16xf32>
        %max3A_1093 = arith.maximumf %while3A_1071, %select_n3A_1092 : vector<16xf32>
        %jit3A_1094 = arith.constant 3.000000e+38 : f32
        %broadcast_in_dim3A_1095 = vector.broadcast %jit3A_1094 : f32 to vector<16xf32>
        %select_n3A_1096 = arith.select %lt3A_1077, %gather3A_1085, %broadcast_in_dim3A_1095 : vector<16xi1>, vector<16xf32>
        %min3A_1097 = arith.minimumf %while3A_1072, %select_n3A_1096 : vector<16xf32>
        %jit3A_1098 = arith.constant -3.000000e+38 : f32
        %broadcast_in_dim3A_1099 = vector.broadcast %jit3A_1098 : f32 to vector<16xf32>
        %select_n3A_1100 = arith.select %lt3A_1077, %gather3A_1085, %broadcast_in_dim3A_1099 : vector<16xi1>, vector<16xf32>
        %max3A_1101 = arith.maximumf %while3A_1073, %select_n3A_1100 : vector<16xf32>
        scf.yield %min3A_1089, %max3A_1093, %min3A_1097, %max3A_1101 : vector<16xf32>, vector<16xf32>, vector<16xf32>, vector<16xf32>
      }
      %jit3A_300 = arith.constant 0.000000e+00 : f32
      %jit3A_301 = arith.constant 1.000000e+00 : f32
      %max3A_302 = vector.broadcast %jit3A_300 : f32 to vector<16xf32>
      %max3A_303 = arith.maximumf %max3A_302, %while3A_299#0 : vector<16xf32>
      %min3A_304 = vector.broadcast %jit3A_301 : f32 to vector<16xf32>
      %min3A_305 = arith.minimumf %min3A_304, %max3A_303 : vector<16xf32>
      %jit3A_306 = arith.constant 0.000000e+00 : f32
      %jit3A_307 = arith.constant 1.000000e+00 : f32
      %max3A_308 = vector.broadcast %jit3A_306 : f32 to vector<16xf32>
      %max3A_309 = arith.maximumf %max3A_308, %while3A_299#1 : vector<16xf32>
      %min3A_310 = vector.broadcast %jit3A_307 : f32 to vector<16xf32>
      %min3A_311 = arith.minimumf %min3A_310, %max3A_309 : vector<16xf32>
      %jit3A_312 = arith.constant 0.000000e+00 : f32
      %jit3A_313 = arith.constant 1.000000e+00 : f32
      %max3A_314 = vector.broadcast %jit3A_312 : f32 to vector<16xf32>
      %max3A_315 = arith.maximumf %max3A_314, %while3A_299#2 : vector<16xf32>
      %min3A_316 = vector.broadcast %jit3A_313 : f32 to vector<16xf32>
      %min3A_317 = arith.minimumf %min3A_316, %max3A_315 : vector<16xf32>
      %jit3A_318 = arith.constant 0.000000e+00 : f32
      %jit3A_319 = arith.constant 1.000000e+00 : f32
      %max3A_320 = vector.broadcast %jit3A_318 : f32 to vector<16xf32>
      %max3A_321 = arith.maximumf %max3A_320, %while3A_299#3 : vector<16xf32>
      %min3A_322 = vector.broadcast %jit3A_319 : f32 to vector<16xf32>
      %min3A_323 = arith.minimumf %min3A_322, %max3A_321 : vector<16xf32>
      %broadcast_in_dim3A_324 = arith.constant 1.000000e+00 : f32
      %broadcast_in_dim3A_325 = vector.broadcast %broadcast_in_dim3A_324 : f32 to vector<16xf32>
      %eq3A = arith.constant 4 : i32
      %eq3A_326 = vector.broadcast %eq3A : i32 to vector<16xi32>
      %eq3A_327 = arith.cmpi eq, %sub3A_222, %eq3A_326 : vector<16xi32>
      %jit3A_328 = arith.constant 1.082800e+00 : f32
      %broadcast_in_dim3A_329 = vector.broadcast %jit3A_328 : f32 to vector<16xf32>
      %select_n3A_330 = arith.select %eq3A_327, %broadcast_in_dim3A_329, %broadcast_in_dim3A_325 : vector<16xi1>, vector<16xf32>
      %eq3A_331 = arith.constant 5 : i32
      %eq3A_332 = vector.broadcast %eq3A_331 : i32 to vector<16xi32>
      %eq3A_333 = arith.cmpi eq, %sub3A_222, %eq3A_332 : vector<16xi32>
      %jit3A_334 = arith.constant 1.153600e+00 : f32
      %broadcast_in_dim3A_335 = vector.broadcast %jit3A_334 : f32 to vector<16xf32>
      %select_n3A_336 = arith.select %eq3A_333, %broadcast_in_dim3A_335, %select_n3A_330 : vector<16xi1>, vector<16xf32>
      %eq3A_337 = arith.constant 6 : i32
      %eq3A_338 = vector.broadcast %eq3A_337 : i32 to vector<16xi32>
      %eq3A_339 = arith.cmpi eq, %sub3A_222, %eq3A_338 : vector<16xi32>
      %jit3A_340 = arith.constant 1.220600e+00 : f32
      %broadcast_in_dim3A_341 = vector.broadcast %jit3A_340 : f32 to vector<16xf32>
      %select_n3A_342 = arith.select %eq3A_339, %broadcast_in_dim3A_341, %select_n3A_336 : vector<16xi1>, vector<16xf32>
      %eq3A_343 = arith.constant 7 : i32
      %eq3A_344 = vector.broadcast %eq3A_343 : i32 to vector<16xi32>
      %eq3A_345 = arith.cmpi eq, %sub3A_222, %eq3A_344 : vector<16xi32>
      %jit3A_346 = arith.constant 1.282300e+00 : f32
      %broadcast_in_dim3A_347 = vector.broadcast %jit3A_346 : f32 to vector<16xf32>
      %select_n3A_348 = arith.select %eq3A_345, %broadcast_in_dim3A_347, %select_n3A_342 : vector<16xi1>, vector<16xf32>
      %eq3A_349 = arith.constant 8 : i32
      %eq3A_350 = vector.broadcast %eq3A_349 : i32 to vector<16xi32>
      %eq3A_351 = arith.cmpi eq, %sub3A_222, %eq3A_350 : vector<16xi32>
      %jit3A_352 = arith.constant 1.338500e+00 : f32
      %broadcast_in_dim3A_353 = vector.broadcast %jit3A_352 : f32 to vector<16xf32>
      %select_n3A_354 = arith.select %eq3A_351, %broadcast_in_dim3A_353, %select_n3A_348 : vector<16xi1>, vector<16xf32>
      %eq3A_355 = arith.constant 9 : i32
      %eq3A_356 = vector.broadcast %eq3A_355 : i32 to vector<16xi32>
      %eq3A_357 = arith.cmpi eq, %sub3A_222, %eq3A_356 : vector<16xi32>
      %jit3A_358 = arith.constant 1.399100e+00 : f32
      %broadcast_in_dim3A_359 = vector.broadcast %jit3A_358 : f32 to vector<16xf32>
      %select_n3A_360 = arith.select %eq3A_357, %broadcast_in_dim3A_359, %select_n3A_354 : vector<16xi1>, vector<16xf32>
      %eq3A_361 = arith.constant 10 : i32
      %eq3A_362 = vector.broadcast %eq3A_361 : i32 to vector<16xi32>
      %eq3A_363 = arith.cmpi eq, %sub3A_222, %eq3A_362 : vector<16xi32>
      %jit3A_364 = arith.constant 1.449300e+00 : f32
      %broadcast_in_dim3A_365 = vector.broadcast %jit3A_364 : f32 to vector<16xf32>
      %select_n3A_366 = arith.select %eq3A_363, %broadcast_in_dim3A_365, %select_n3A_360 : vector<16xi1>, vector<16xf32>
      %ge3A = arith.constant 11 : i32
      %ge3A_367 = vector.broadcast %ge3A : i32 to vector<16xi32>
      %ge3A_368 = arith.cmpi sge, %sub3A_222, %ge3A_367 : vector<16xi32>
      %le3A = arith.constant 15 : i32
      %le3A_369 = vector.broadcast %le3A : i32 to vector<16xi32>
      %le3A_370 = arith.cmpi sle, %sub3A_222, %le3A_369 : vector<16xi32>
      %and3A_371 = arith.andi %ge3A_368, %le3A_370 : vector<16xi1>
      %jit3A_372 = arith.constant 1.689900e+00 : f32
      %broadcast_in_dim3A_373 = vector.broadcast %jit3A_372 : f32 to vector<16xf32>
      %select_n3A_374 = arith.select %and3A_371, %broadcast_in_dim3A_373, %select_n3A_366 : vector<16xi1>, vector<16xf32>
      %ge3A_375 = arith.constant 16 : i32
      %ge3A_376 = vector.broadcast %ge3A_375 : i32 to vector<16xi32>
      %ge3A_377 = arith.cmpi sge, %sub3A_222, %ge3A_376 : vector<16xi32>
      %le3A_378 = arith.constant 20 : i32
      %le3A_379 = vector.broadcast %le3A_378 : i32 to vector<16xi32>
      %le3A_380 = arith.cmpi sle, %sub3A_222, %le3A_379 : vector<16xi32>
      %and3A_381 = arith.andi %ge3A_377, %le3A_380 : vector<16xi1>
      %jit3A_382 = arith.constant 1.892400e+00 : f32
      %broadcast_in_dim3A_383 = vector.broadcast %jit3A_382 : f32 to vector<16xf32>
      %select_n3A_384 = arith.select %and3A_381, %broadcast_in_dim3A_383, %select_n3A_374 : vector<16xi1>, vector<16xf32>
      %ge3A_385 = arith.constant 21 : i32
      %ge3A_386 = vector.broadcast %ge3A_385 : i32 to vector<16xi32>
      %ge3A_387 = arith.cmpi sge, %sub3A_222, %ge3A_386 : vector<16xi32>
      %le3A_388 = arith.constant 25 : i32
      %le3A_389 = vector.broadcast %le3A_388 : i32 to vector<16xi32>
      %le3A_390 = arith.cmpi sle, %sub3A_222, %le3A_389 : vector<16xi32>
      %and3A_391 = arith.andi %ge3A_387, %le3A_390 : vector<16xi1>
      %jit3A_392 = arith.constant 2.074300e+00 : f32
      %broadcast_in_dim3A_393 = vector.broadcast %jit3A_392 : f32 to vector<16xf32>
      %select_n3A_394 = arith.select %and3A_391, %broadcast_in_dim3A_393, %select_n3A_384 : vector<16xi1>, vector<16xf32>
      %ge3A_395 = arith.constant 26 : i32
      %ge3A_396 = vector.broadcast %ge3A_395 : i32 to vector<16xi32>
      %ge3A_397 = arith.cmpi sge, %sub3A_222, %ge3A_396 : vector<16xi32>
      %le3A_398 = arith.constant 30 : i32
      %le3A_399 = vector.broadcast %le3A_398 : i32 to vector<16xi32>
      %le3A_400 = arith.cmpi sle, %sub3A_222, %le3A_399 : vector<16xi32>
      %and3A_401 = arith.andi %ge3A_397, %le3A_400 : vector<16xi1>
      %jit3A_402 = arith.constant 2.233400e+00 : f32
      %broadcast_in_dim3A_403 = vector.broadcast %jit3A_402 : f32 to vector<16xf32>
      %select_n3A_404 = arith.select %and3A_401, %broadcast_in_dim3A_403, %select_n3A_394 : vector<16xi1>, vector<16xf32>
      %ge3A_405 = arith.constant 31 : i32
      %ge3A_406 = vector.broadcast %ge3A_405 : i32 to vector<16xi32>
      %ge3A_407 = arith.cmpi sge, %sub3A_222, %ge3A_406 : vector<16xi32>
      %jit3A_408 = arith.constant 2.389200e+00 : f32
      %broadcast_in_dim3A_409 = vector.broadcast %jit3A_408 : f32 to vector<16xf32>
      %select_n3A_410 = arith.select %ge3A_407, %broadcast_in_dim3A_409, %select_n3A_404 : vector<16xi1>, vector<16xf32>
      %get3A_411 = arith.index_cast %mul3A_215 : i32 to index
      %get3A_412 = tpu.vector_load %arg8[%get3A_411] {strides = array<i32>} : memref<1568xf32, #tpu.memory_space<vmem>>, vector<16xf32>,
      %mul3A_413 = arith.mulf %select_n3A_410, %get3A_412 : vector<16xf32>
      %gt3A = arith.constant 0 : i32
      %gt3A_414 = vector.broadcast %gt3A : i32 to vector<16xi32>
      %gt3A_415 = arith.cmpi sgt, %sub3A_222, %gt3A_414 : vector<16xi32>
      %jit3A_416 = arith.constant 0.000000e+00 : f32
      %broadcast_in_dim3A_417 = vector.broadcast %jit3A_416 : f32 to vector<16xf32>
      %select_n3A_418 = arith.select %gt3A_415, %mul3A_413, %broadcast_in_dim3A_417 : vector<16xi1>, vector<16xf32>
      %sub3A_419 = arith.subf %min3A_311, %min3A_305 : vector<16xf32>
      %sub3A_420 = arith.subf %min3A_323, %min3A_317 : vector<16xf32>
      %gt3A_421 = arith.constant 0.000000e+00 : f32
      %gt3A_422 = vector.broadcast %gt3A_421 : f32 to vector<16xf32>
      %gt3A_423 = arith.cmpf ogt, %sub3A_420, %gt3A_422 : vector<16xf32>
      %mul3A_424 = arith.constant 1.52587891E-5 : f32
      %mul3A_425 = vector.broadcast %mul3A_424 : f32 to vector<16xf32>
      %mul3A_426 = arith.mulf %select_n3A_418, %mul3A_425 : vector<16xf32>
      %gt3A_427 = arith.constant 0.000000e+00 : f32
      %gt3A_428 = vector.broadcast %gt3A_427 : f32 to vector<16xf32>
      %gt3A_429 = arith.cmpf ogt, %sub3A_420, %gt3A_428 : vector<16xf32>
      %jit3A_430 = arith.constant 1.000000e+00 : f32
      %broadcast_in_dim3A_431 = vector.broadcast %jit3A_430 : f32 to vector<16xf32>
      %select_n3A_432 = arith.select %gt3A_429, %sub3A_420, %broadcast_in_dim3A_431 : vector<16xi1>, vector<16xf32>
      %div3A_433 = arith.divf %mul3A_426, %select_n3A_432 : vector<16xf32>
      %jit3A_434 = arith.constant 0.000000e+00 : f32
      %broadcast_in_dim3A_435 = vector.broadcast %jit3A_434 : f32 to vector<16xf32>
      %select_n3A_436 = arith.select %gt3A_423, %div3A_433, %broadcast_in_dim3A_435 : vector<16xi1>, vector<16xf32>
      %gt3A_437 = arith.constant 0.000000e+00 : f32
      %gt3A_438 = vector.broadcast %gt3A_437 : f32 to vector<16xf32>
      %gt3A_439 = arith.cmpf ogt, %sub3A_419, %gt3A_438 : vector<16xf32>
      %mul3A_440 = arith.constant 1.52587891E-5 : f32
      %mul3A_441 = vector.broadcast %mul3A_440 : f32 to vector<16xf32>
      %mul3A_442 = arith.mulf %select_n3A_418, %mul3A_441 : vector<16xf32>
      %gt3A_443 = arith.constant 0.000000e+00 : f32
      %gt3A_444 = vector.broadcast %gt3A_443 : f32 to vector<16xf32>
      %gt3A_445 = arith.cmpf ogt, %sub3A_419, %gt3A_444 : vector<16xf32>
      %jit3A_446 = arith.constant 1.000000e+00 : f32
      %broadcast_in_dim3A_447 = vector.broadcast %jit3A_446 : f32 to vector<16xf32>
      %select_n3A_448 = arith.select %gt3A_445, %sub3A_419, %broadcast_in_dim3A_447 : vector<16xi1>, vector<16xf32>
      %div3A_449 = arith.divf %mul3A_442, %select_n3A_448 : vector<16xf32>
      %jit3A_450 = arith.constant 0.000000e+00 : f32
      %broadcast_in_dim3A_451 = vector.broadcast %jit3A_450 : f32 to vector<16xf32>
      %select_n3A_452 = arith.select %gt3A_439, %div3A_449, %broadcast_in_dim3A_451 : vector<16xi1>, vector<16xf32>
      %mul3A_453 = arith.constant 2.560000e+02 : f32
      %mul3A_454 = vector.broadcast %mul3A_453 : f32 to vector<16xf32>
      %mul3A_455 = arith.mulf %min3A_305, %mul3A_454 : vector<16xf32>
      %mul3A_456 = arith.constant 2.560000e+02 : f32
      %mul3A_457 = vector.broadcast %mul3A_456 : f32 to vector<16xf32>
      %mul3A_458 = arith.mulf %min3A_311, %mul3A_457 : vector<16xf32>
      %convert_element_type3A_459 = arith.fptosi %mul3A_455 : vector<16xf32> to vector<16xi32>
      %convert_element_type3A_460 = arith.fptosi %mul3A_458 : vector<16xf32> to vector<16xi32>
      %convert_element_type3A_461 = arith.sitofp %convert_element_type3A_459 : vector<16xi32> to vector<16xf32>
      %sub3A_462 = arith.subf %mul3A_455, %convert_element_type3A_461 : vector<16xf32>
      %convert_element_type3A_463 = arith.sitofp %convert_element_type3A_460 : vector<16xi32> to vector<16xf32>
      %sub3A_464 = arith.subf %mul3A_458, %convert_element_type3A_463 : vector<16xf32>
      %mul3A_465 = arith.constant 2.560000e+02 : f32
      %mul3A_466 = vector.broadcast %mul3A_465 : f32 to vector<16xf32>
      %mul3A_467 = arith.mulf %min3A_317, %mul3A_466 : vector<16xf32>
      %mul3A_468 = arith.constant 2.560000e+02 : f32
      %mul3A_469 = vector.broadcast %mul3A_468 : f32 to vector<16xf32>
      %mul3A_470 = arith.mulf %min3A_323, %mul3A_469 : vector<16xf32>
      %convert_element_type3A_471 = arith.fptosi %mul3A_467 : vector<16xf32> to vector<16xi32>
      %convert_element_type3A_472 = arith.fptosi %mul3A_470 : vector<16xf32> to vector<16xi32>
      %convert_element_type3A_473 = arith.sitofp %convert_element_type3A_471 : vector<16xi32> to vector<16xf32>
      %sub3A_474 = arith.subf %mul3A_467, %convert_element_type3A_473 : vector<16xf32>
      %convert_element_type3A_475 = arith.sitofp %convert_element_type3A_472 : vector<16xi32> to vector<16xf32>
      %sub3A_476 = arith.subf %mul3A_470, %convert_element_type3A_475 : vector<16xf32>
      %add3A_477 = arith.constant 1 : i32
      %add3A_478 = vector.broadcast %add3A_477 : i32 to vector<16xi32>
      %add3A_479 = arith.addi %convert_element_type3A_459, %add3A_478 : vector<16xi32>
      %add3A_480 = arith.constant 1 : i32
      %add3A_481 = vector.broadcast %add3A_480 : i32 to vector<16xi32>
      %add3A_482 = arith.addi %convert_element_type3A_460, %add3A_481 : vector<16xi32>
      %sub3A_483 = arith.constant 1.000000e+00 : f32
      %sub3A_484 = vector.broadcast %sub3A_483 : f32 to vector<16xf32>
      %sub3A_485 = arith.subf %sub3A_484, %sub3A_462 : vector<16xf32>
      %sub3A_486 = arith.constant 1.000000e+00 : f32
      %sub3A_487 = vector.broadcast %sub3A_486 : f32 to vector<16xf32>
      %sub3A_488 = arith.subf %sub3A_464, %sub3A_487 : vector<16xf32>
      %neg3A_489 = arith.constant 0.000000e+00 : f32
      %neg3A_490 = vector.broadcast %neg3A_489 : f32 to vector<16xf32>
      %neg3A_491 = arith.subf %neg3A_490, %sub3A_464 : vector<16xf32>
      %add3A_492 = arith.constant 1 : i32
      %add3A_493 = vector.broadcast %add3A_492 : i32 to vector<16xi32>
      %add3A_494 = arith.addi %convert_element_type3A_471, %add3A_493 : vector<16xi32>
      %add3A_495 = arith.constant 1 : i32
      %add3A_496 = vector.broadcast %add3A_495 : i32 to vector<16xi32>
      %add3A_497 = arith.addi %convert_element_type3A_472, %add3A_496 : vector<16xi32>
      %sub3A_498 = arith.constant 1.000000e+00 : f32
      %sub3A_499 = vector.broadcast %sub3A_498 : f32 to vector<16xf32>
      %sub3A_500 = arith.subf %sub3A_499, %sub3A_474 : vector<16xf32>
      %sub3A_501 = arith.constant 1.000000e+00 : f32
      %sub3A_502 = vector.broadcast %sub3A_501 : f32 to vector<16xf32>
      %sub3A_503 = arith.subf %sub3A_476, %sub3A_502 : vector<16xf32>
      %neg3A_504 = arith.constant 0.000000e+00 : f32
      %neg3A_505 = vector.broadcast %neg3A_504 : f32 to vector<16xf32>
      %neg3A_506 = arith.subf %neg3A_505, %sub3A_476 : vector<16xf32>
      %and3A_507 = arith.constant 7 : i32
      %and3A_508 = arith.andi %while3A_212, %and3A_507 : i32
      %mul3A_509 = arith.constant 2 : i32
      %mul3A_510 = arith.muli %and3A_508, %mul3A_509 : i32
      %ge3A_511 = arith.constant 8 : i32
      %ge3A_512 = arith.cmpi sge, %while3A_212, %ge3A_511 : i32
      %convert_element_type3A_513 = arith.extui %ge3A_512 : i1 to i32
      %cond3A = arith.constant 0 : i32
      %cond3A_514 = arith.cmpi ne, %convert_element_type3A_513, %cond3A : i32
      scf.if %cond3A_514 {
        %dma_wait3A_1069 = arith.constant 0 : i32
        %dma_wait3A_1070 = tpu.memref_slice %arg16[%dma_wait3A_1069] : memref<4096xf32, #tpu.memory_space<vmem>> -> memref<512xf32, #tpu.memory_space<vmem>>
        %dma_wait3A_1071 = arith.constant 0 : i32
        %dma_wait3A_1072 = tpu.memref_slice %arg2[%dma_wait3A_1071] : memref<400384xf32, #tpu.memory_space<hbm>> -> memref<512xf32, #tpu.memory_space<hbm>>
        %dma_wait3A_1073 = arith.constant 0 : i32
        %dma_wait3A_1074 = tpu.memref_slice %arg16[%dma_wait3A_1073] : memref<4096xf32, #tpu.memory_space<vmem>> -> memref<512xf32, #tpu.memory_space<vmem>>
        %dma_wait3A_1075 = arith.constant 0 : i32
        %dma_wait3A_1076 = tpu.memref_slice %arg2[%dma_wait3A_1075] : memref<400384xf32, #tpu.memory_space<hbm>> -> memref<512xf32, #tpu.memory_space<hbm>>
        tpu.wait_dma2 semaphore(%arg22 : memref<!tpu.dma_semaphore, #tpu.memory_space<semaphore_mem>>) src(%dma_wait3A_1076 : memref<512xf32, #tpu.memory_space<hbm>>) dst(%dma_wait3A_1074 : memref<512xf32, #tpu.memory_space<vmem>>)
      } else {
      }
      %lt3A_515 = arith.constant 256 : i32
      %lt3A_516 = vector.broadcast %lt3A_515 : i32 to vector<16xi32>
      %lt3A_517 = arith.cmpi slt, %convert_element_type3A_459, %lt3A_516 : vector<16xi32>
      %lt3A_518 = arith.constant 256 : i32
      %lt3A_519 = vector.broadcast %lt3A_518 : i32 to vector<16xi32>
      %lt3A_520 = arith.cmpi slt, %convert_element_type3A_471, %lt3A_519 : vector<16xi32>
      %and3A_521 = arith.andi %lt3A_517, %lt3A_520 : vector<16xi1>
      %mul3A_522 = arith.mulf %sub3A_485, %sub3A_500 : vector<16xf32>
      %jit3A_523 = arith.constant 0.000000e+00 : f32
      %broadcast_in_dim3A_524 = vector.broadcast %jit3A_523 : f32 to vector<16xf32>
      %select_n3A_525 = arith.select %and3A_521, %mul3A_522, %broadcast_in_dim3A_524 : vector<16xi1>, vector<16xf32>
      %mul3A_526 = arith.constant 256 : i32
      %mul3A_527 = vector.broadcast %mul3A_526 : i32 to vector<16xi32>
      %mul3A_528 = arith.muli %convert_element_type3A_459, %mul3A_527 : vector<16xi32>
      %add3A_529 = arith.addi %mul3A_528, %convert_element_type3A_471 : vector<16xi32>
      %jit3A_530 = arith.constant 0 : i32
      %jit3A_531 = arith.constant 65535 : i32
      %max3A_532 = vector.broadcast %jit3A_530 : i32 to vector<16xi32>
      %max3A_533 = arith.maxsi %max3A_532, %add3A_529 : vector<16xi32>
      %min3A_534 = vector.broadcast %jit3A_531 : i32 to vector<16xi32>
      %min3A_535 = arith.minsi %min3A_534, %max3A_533 : vector<16xi32>
      %add3A_536 = arith.constant 0 : i32
      %add3A_537 = arith.addi %mul3A_510, %add3A_536 : i32
      %swap3A = arith.index_cast %add3A_537 : i32 to index
      %swap3A_538 = arith.constant 0 : index
      %swap3A_539 = tpu.vector_load %arg13[%swap3A, %swap3A_538] {strides = array<i32>} : memref<16x128xi32, #tpu.memory_space<vmem>>, vector<16xi32>,
      tpu.vector_store %arg13[%swap3A, %swap3A_538], %min3A_535 {strides = array<i32>} : memref<16x128xi32, #tpu.memory_space<vmem>>, vector<16xi32>,
      %mul3A_540 = arith.mulf %select_n3A_436, %select_n3A_525 : vector<16xf32>
      %swap3A_541 = arith.index_cast %add3A_537 : i32 to index
      %swap3A_542 = arith.constant 0 : index
      %swap3A_543 = tpu.vector_load %arg14[%swap3A_541, %swap3A_542] {strides = array<i32>} : memref<16x128xf32, #tpu.memory_space<vmem>>, vector<16xf32>,
      tpu.vector_store %arg14[%swap3A_541, %swap3A_542], %mul3A_540 {strides = array<i32>} : memref<16x128xf32, #tpu.memory_space<vmem>>, vector<16xf32>,
      %mul3A_544 = arith.mulf %select_n3A_452, %select_n3A_525 : vector<16xf32>
      %swap3A_545 = arith.index_cast %add3A_537 : i32 to index
      %swap3A_546 = arith.constant 0 : index
      %swap3A_547 = tpu.vector_load %arg15[%swap3A_545, %swap3A_546] {strides = array<i32>} : memref<16x128xf32, #tpu.memory_space<vmem>>, vector<16xf32>,
      tpu.vector_store %arg15[%swap3A_545, %swap3A_546], %mul3A_544 {strides = array<i32>} : memref<16x128xf32, #tpu.memory_space<vmem>>, vector<16xf32>,
      %lt3A_548 = arith.constant 256 : i32
      %lt3A_549 = vector.broadcast %lt3A_548 : i32 to vector<16xi32>
      %lt3A_550 = arith.cmpi slt, %convert_element_type3A_459, %lt3A_549 : vector<16xi32>
      %lt3A_551 = arith.constant 256 : i32
      %lt3A_552 = vector.broadcast %lt3A_551 : i32 to vector<16xi32>
      %lt3A_553 = arith.cmpi slt, %add3A_494, %lt3A_552 : vector<16xi32>
      %and3A_554 = arith.andi %lt3A_550, %lt3A_553 : vector<16xi1>
      %mul3A_555 = arith.mulf %sub3A_485, %sub3A_474 : vector<16xf32>
      %jit3A_556 = arith.constant 0.000000e+00 : f32
      %broadcast_in_dim3A_557 = vector.broadcast %jit3A_556 : f32 to vector<16xf32>
      %select_n3A_558 = arith.select %and3A_554, %mul3A_555, %broadcast_in_dim3A_557 : vector<16xi1>, vector<16xf32>
      %mul3A_559 = arith.constant 256 : i32
      %mul3A_560 = vector.broadcast %mul3A_559 : i32 to vector<16xi32>
      %mul3A_561 = arith.muli %convert_element_type3A_459, %mul3A_560 : vector<16xi32>
      %add3A_562 = arith.addi %mul3A_561, %add3A_494 : vector<16xi32>
      %jit3A_563 = arith.constant 0 : i32
      %jit3A_564 = arith.constant 65535 : i32
      %max3A_565 = vector.broadcast %jit3A_563 : i32 to vector<16xi32>
      %max3A_566 = arith.maxsi %max3A_565, %add3A_562 : vector<16xi32>
      %min3A_567 = vector.broadcast %jit3A_564 : i32 to vector<16xi32>
      %min3A_568 = arith.minsi %min3A_567, %max3A_566 : vector<16xi32>
      %add3A_569 = arith.constant 0 : i32
      %add3A_570 = arith.addi %mul3A_510, %add3A_569 : i32
      %swap3A_571 = arith.index_cast %add3A_570 : i32 to index
      %swap3A_572 = arith.constant 16 : index
      %swap3A_573 = tpu.vector_load %arg13[%swap3A_571, %swap3A_572] {strides = array<i32>} : memref<16x128xi32, #tpu.memory_space<vmem>>, vector<16xi32>,
      tpu.vector_store %arg13[%swap3A_571, %swap3A_572], %min3A_568 {strides = array<i32>} : memref<16x128xi32, #tpu.memory_space<vmem>>, vector<16xi32>,
      %mul3A_574 = arith.mulf %select_n3A_436, %select_n3A_558 : vector<16xf32>
      %swap3A_575 = arith.index_cast %add3A_570 : i32 to index
      %swap3A_576 = arith.constant 16 : index
      %swap3A_577 = tpu.vector_load %arg14[%swap3A_575, %swap3A_576] {strides = array<i32>} : memref<16x128xf32, #tpu.memory_space<vmem>>, vector<16xf32>,
      tpu.vector_store %arg14[%swap3A_575, %swap3A_576], %mul3A_574 {strides = array<i32>} : memref<16x128xf32, #tpu.memory_space<vmem>>, vector<16xf32>,
      %mul3A_578 = arith.mulf %select_n3A_452, %select_n3A_558 : vector<16xf32>
      %swap3A_579 = arith.index_cast %add3A_570 : i32 to index
      %swap3A_580 = arith.constant 16 : index
      %swap3A_581 = tpu.vector_load %arg15[%swap3A_579, %swap3A_580] {strides = array<i32>} : memref<16x128xf32, #tpu.memory_space<vmem>>, vector<16xf32>,
      tpu.vector_store %arg15[%swap3A_579, %swap3A_580], %mul3A_578 {strides = array<i32>} : memref<16x128xf32, #tpu.memory_space<vmem>>, vector<16xf32>,
      %lt3A_582 = arith.constant 256 : i32
      %lt3A_583 = vector.broadcast %lt3A_582 : i32 to vector<16xi32>
      %lt3A_584 = arith.cmpi slt, %convert_element_type3A_459, %lt3A_583 : vector<16xi32>
      %lt3A_585 = arith.constant 256 : i32
      %lt3A_586 = vector.broadcast %lt3A_585 : i32 to vector<16xi32>
      %lt3A_587 = arith.cmpi slt, %convert_element_type3A_472, %lt3A_586 : vector<16xi32>
      %and3A_588 = arith.andi %lt3A_584, %lt3A_587 : vector<16xi1>
      %mul3A_589 = arith.mulf %sub3A_485, %sub3A_503 : vector<16xf32>
      %jit3A_590 = arith.constant 0.000000e+00 : f32
      %broadcast_in_dim3A_591 = vector.broadcast %jit3A_590 : f32 to vector<16xf32>
      %select_n3A_592 = arith.select %and3A_588, %mul3A_589, %broadcast_in_dim3A_591 : vector<16xi1>, vector<16xf32>
      %mul3A_593 = arith.constant 256 : i32
      %mul3A_594 = vector.broadcast %mul3A_593 : i32 to vector<16xi32>
      %mul3A_595 = arith.muli %convert_element_type3A_459, %mul3A_594 : vector<16xi32>
      %add3A_596 = arith.addi %mul3A_595, %convert_element_type3A_472 : vector<16xi32>
      %jit3A_597 = arith.constant 0 : i32
      %jit3A_598 = arith.constant 65535 : i32
      %max3A_599 = vector.broadcast %jit3A_597 : i32 to vector<16xi32>
      %max3A_600 = arith.maxsi %max3A_599, %add3A_596 : vector<16xi32>
      %min3A_601 = vector.broadcast %jit3A_598 : i32 to vector<16xi32>
      %min3A_602 = arith.minsi %min3A_601, %max3A_600 : vector<16xi32>
      %add3A_603 = arith.constant 0 : i32
      %add3A_604 = arith.addi %mul3A_510, %add3A_603 : i32
      %swap3A_605 = arith.index_cast %add3A_604 : i32 to index
      %swap3A_606 = arith.constant 32 : index
      %swap3A_607 = tpu.vector_load %arg13[%swap3A_605, %swap3A_606] {strides = array<i32>} : memref<16x128xi32, #tpu.memory_space<vmem>>, vector<16xi32>,
      tpu.vector_store %arg13[%swap3A_605, %swap3A_606], %min3A_602 {strides = array<i32>} : memref<16x128xi32, #tpu.memory_space<vmem>>, vector<16xi32>,
      %mul3A_608 = arith.mulf %select_n3A_436, %select_n3A_592 : vector<16xf32>
      %swap3A_609 = arith.index_cast %add3A_604 : i32 to index
      %swap3A_610 = arith.constant 32 : index
      %swap3A_611 = tpu.vector_load %arg14[%swap3A_609, %swap3A_610] {strides = array<i32>} : memref<16x128xf32, #tpu.memory_space<vmem>>, vector<16xf32>,
      tpu.vector_store %arg14[%swap3A_609, %swap3A_610], %mul3A_608 {strides = array<i32>} : memref<16x128xf32, #tpu.memory_space<vmem>>, vector<16xf32>,
      %mul3A_612 = arith.mulf %select_n3A_452, %select_n3A_592 : vector<16xf32>
      %swap3A_613 = arith.index_cast %add3A_604 : i32 to index
      %swap3A_614 = arith.constant 32 : index
      %swap3A_615 = tpu.vector_load %arg15[%swap3A_613, %swap3A_614] {strides = array<i32>} : memref<16x128xf32, #tpu.memory_space<vmem>>, vector<16xf32>,
      tpu.vector_store %arg15[%swap3A_613, %swap3A_614], %mul3A_612 {strides = array<i32>} : memref<16x128xf32, #tpu.memory_space<vmem>>, vector<16xf32>,
      %lt3A_616 = arith.constant 256 : i32
      %lt3A_617 = vector.broadcast %lt3A_616 : i32 to vector<16xi32>
      %lt3A_618 = arith.cmpi slt, %convert_element_type3A_459, %lt3A_617 : vector<16xi32>
      %lt3A_619 = arith.constant 256 : i32
      %lt3A_620 = vector.broadcast %lt3A_619 : i32 to vector<16xi32>
      %lt3A_621 = arith.cmpi slt, %add3A_497, %lt3A_620 : vector<16xi32>
      %and3A_622 = arith.andi %lt3A_618, %lt3A_621 : vector<16xi1>
      %mul3A_623 = arith.mulf %sub3A_485, %neg3A_506 : vector<16xf32>
      %jit3A_624 = arith.constant 0.000000e+00 : f32
      %broadcast_in_dim3A_625 = vector.broadcast %jit3A_624 : f32 to vector<16xf32>
      %select_n3A_626 = arith.select %and3A_622, %mul3A_623, %broadcast_in_dim3A_625 : vector<16xi1>, vector<16xf32>
      %mul3A_627 = arith.constant 256 : i32
      %mul3A_628 = vector.broadcast %mul3A_627 : i32 to vector<16xi32>
      %mul3A_629 = arith.muli %convert_element_type3A_459, %mul3A_628 : vector<16xi32>
      %add3A_630 = arith.addi %mul3A_629, %add3A_497 : vector<16xi32>
      %jit3A_631 = arith.constant 0 : i32
      %jit3A_632 = arith.constant 65535 : i32
      %max3A_633 = vector.broadcast %jit3A_631 : i32 to vector<16xi32>
      %max3A_634 = arith.maxsi %max3A_633, %add3A_630 : vector<16xi32>
      %min3A_635 = vector.broadcast %jit3A_632 : i32 to vector<16xi32>
      %min3A_636 = arith.minsi %min3A_635, %max3A_634 : vector<16xi32>
      %add3A_637 = arith.constant 0 : i32
      %add3A_638 = arith.addi %mul3A_510, %add3A_637 : i32
      %swap3A_639 = arith.index_cast %add3A_638 : i32 to index
      %swap3A_640 = arith.constant 48 : index
      %swap3A_641 = tpu.vector_load %arg13[%swap3A_639, %swap3A_640] {strides = array<i32>} : memref<16x128xi32, #tpu.memory_space<vmem>>, vector<16xi32>,
      tpu.vector_store %arg13[%swap3A_639, %swap3A_640], %min3A_636 {strides = array<i32>} : memref<16x128xi32, #tpu.memory_space<vmem>>, vector<16xi32>,
      %mul3A_642 = arith.mulf %select_n3A_436, %select_n3A_626 : vector<16xf32>
      %swap3A_643 = arith.index_cast %add3A_638 : i32 to index
      %swap3A_644 = arith.constant 48 : index
      %swap3A_645 = tpu.vector_load %arg14[%swap3A_643, %swap3A_644] {strides = array<i32>} : memref<16x128xf32, #tpu.memory_space<vmem>>, vector<16xf32>,
      tpu.vector_store %arg14[%swap3A_643, %swap3A_644], %mul3A_642 {strides = array<i32>} : memref<16x128xf32, #tpu.memory_space<vmem>>, vector<16xf32>,
      %mul3A_646 = arith.mulf %select_n3A_452, %select_n3A_626 : vector<16xf32>
      %swap3A_647 = arith.index_cast %add3A_638 : i32 to index
      %swap3A_648 = arith.constant 48 : index
      %swap3A_649 = tpu.vector_load %arg15[%swap3A_647, %swap3A_648] {strides = array<i32>} : memref<16x128xf32, #tpu.memory_space<vmem>>, vector<16xf32>,
      tpu.vector_store %arg15[%swap3A_647, %swap3A_648], %mul3A_646 {strides = array<i32>} : memref<16x128xf32, #tpu.memory_space<vmem>>, vector<16xf32>,
      %lt3A_650 = arith.constant 256 : i32
      %lt3A_651 = vector.broadcast %lt3A_650 : i32 to vector<16xi32>
      %lt3A_652 = arith.cmpi slt, %add3A_479, %lt3A_651 : vector<16xi32>
      %lt3A_653 = arith.constant 256 : i32
      %lt3A_654 = vector.broadcast %lt3A_653 : i32 to vector<16xi32>
      %lt3A_655 = arith.cmpi slt, %convert_element_type3A_471, %lt3A_654 : vector<16xi32>
      %and3A_656 = arith.andi %lt3A_652, %lt3A_655 : vector<16xi1>
      %mul3A_657 = arith.mulf %sub3A_462, %sub3A_500 : vector<16xf32>
      %jit3A_658 = arith.constant 0.000000e+00 : f32
      %broadcast_in_dim3A_659 = vector.broadcast %jit3A_658 : f32 to vector<16xf32>
      %select_n3A_660 = arith.select %and3A_656, %mul3A_657, %broadcast_in_dim3A_659 : vector<16xi1>, vector<16xf32>
      %mul3A_661 = arith.constant 256 : i32
      %mul3A_662 = vector.broadcast %mul3A_661 : i32 to vector<16xi32>
      %mul3A_663 = arith.muli %add3A_479, %mul3A_662 : vector<16xi32>
      %add3A_664 = arith.addi %mul3A_663, %convert_element_type3A_471 : vector<16xi32>
      %jit3A_665 = arith.constant 0 : i32
      %jit3A_666 = arith.constant 65535 : i32
      %max3A_667 = vector.broadcast %jit3A_665 : i32 to vector<16xi32>
      %max3A_668 = arith.maxsi %max3A_667, %add3A_664 : vector<16xi32>
      %min3A_669 = vector.broadcast %jit3A_666 : i32 to vector<16xi32>
      %min3A_670 = arith.minsi %min3A_669, %max3A_668 : vector<16xi32>
      %add3A_671 = arith.constant 0 : i32
      %add3A_672 = arith.addi %mul3A_510, %add3A_671 : i32
      %swap3A_673 = arith.index_cast %add3A_672 : i32 to index
      %swap3A_674 = arith.constant 64 : index
      %swap3A_675 = tpu.vector_load %arg13[%swap3A_673, %swap3A_674] {strides = array<i32>} : memref<16x128xi32, #tpu.memory_space<vmem>>, vector<16xi32>,
      tpu.vector_store %arg13[%swap3A_673, %swap3A_674], %min3A_670 {strides = array<i32>} : memref<16x128xi32, #tpu.memory_space<vmem>>, vector<16xi32>,
      %mul3A_676 = arith.mulf %select_n3A_436, %select_n3A_660 : vector<16xf32>
      %swap3A_677 = arith.index_cast %add3A_672 : i32 to index
      %swap3A_678 = arith.constant 64 : index
      %swap3A_679 = tpu.vector_load %arg14[%swap3A_677, %swap3A_678] {strides = array<i32>} : memref<16x128xf32, #tpu.memory_space<vmem>>, vector<16xf32>,
      tpu.vector_store %arg14[%swap3A_677, %swap3A_678], %mul3A_676 {strides = array<i32>} : memref<16x128xf32, #tpu.memory_space<vmem>>, vector<16xf32>,
      %mul3A_680 = arith.mulf %select_n3A_452, %select_n3A_660 : vector<16xf32>
      %swap3A_681 = arith.index_cast %add3A_672 : i32 to index
      %swap3A_682 = arith.constant 64 : index
      %swap3A_683 = tpu.vector_load %arg15[%swap3A_681, %swap3A_682] {strides = array<i32>} : memref<16x128xf32, #tpu.memory_space<vmem>>, vector<16xf32>,
      tpu.vector_store %arg15[%swap3A_681, %swap3A_682], %mul3A_680 {strides = array<i32>} : memref<16x128xf32, #tpu.memory_space<vmem>>, vector<16xf32>,
      %lt3A_684 = arith.constant 256 : i32
      %lt3A_685 = vector.broadcast %lt3A_684 : i32 to vector<16xi32>
      %lt3A_686 = arith.cmpi slt, %add3A_479, %lt3A_685 : vector<16xi32>
      %lt3A_687 = arith.constant 256 : i32
      %lt3A_688 = vector.broadcast %lt3A_687 : i32 to vector<16xi32>
      %lt3A_689 = arith.cmpi slt, %add3A_494, %lt3A_688 : vector<16xi32>
      %and3A_690 = arith.andi %lt3A_686, %lt3A_689 : vector<16xi1>
      %mul3A_691 = arith.mulf %sub3A_462, %sub3A_474 : vector<16xf32>
      %jit3A_692 = arith.constant 0.000000e+00 : f32
      %broadcast_in_dim3A_693 = vector.broadcast %jit3A_692 : f32 to vector<16xf32>
      %select_n3A_694 = arith.select %and3A_690, %mul3A_691, %broadcast_in_dim3A_693 : vector<16xi1>, vector<16xf32>
      %mul3A_695 = arith.constant 256 : i32
      %mul3A_696 = vector.broadcast %mul3A_695 : i32 to vector<16xi32>
      %mul3A_697 = arith.muli %add3A_479, %mul3A_696 : vector<16xi32>
      %add3A_698 = arith.addi %mul3A_697, %add3A_494 : vector<16xi32>
      %jit3A_699 = arith.constant 0 : i32
      %jit3A_700 = arith.constant 65535 : i32
      %max3A_701 = vector.broadcast %jit3A_699 : i32 to vector<16xi32>
      %max3A_702 = arith.maxsi %max3A_701, %add3A_698 : vector<16xi32>
      %min3A_703 = vector.broadcast %jit3A_700 : i32 to vector<16xi32>
      %min3A_704 = arith.minsi %min3A_703, %max3A_702 : vector<16xi32>
      %add3A_705 = arith.constant 0 : i32
      %add3A_706 = arith.addi %mul3A_510, %add3A_705 : i32
      %swap3A_707 = arith.index_cast %add3A_706 : i32 to index
      %swap3A_708 = arith.constant 80 : index
      %swap3A_709 = tpu.vector_load %arg13[%swap3A_707, %swap3A_708] {strides = array<i32>} : memref<16x128xi32, #tpu.memory_space<vmem>>, vector<16xi32>,
      tpu.vector_store %arg13[%swap3A_707, %swap3A_708], %min3A_704 {strides = array<i32>} : memref<16x128xi32, #tpu.memory_space<vmem>>, vector<16xi32>,
      %mul3A_710 = arith.mulf %select_n3A_436, %select_n3A_694 : vector<16xf32>
      %swap3A_711 = arith.index_cast %add3A_706 : i32 to index
      %swap3A_712 = arith.constant 80 : index
      %swap3A_713 = tpu.vector_load %arg14[%swap3A_711, %swap3A_712] {strides = array<i32>} : memref<16x128xf32, #tpu.memory_space<vmem>>, vector<16xf32>,
      tpu.vector_store %arg14[%swap3A_711, %swap3A_712], %mul3A_710 {strides = array<i32>} : memref<16x128xf32, #tpu.memory_space<vmem>>, vector<16xf32>,
      %mul3A_714 = arith.mulf %select_n3A_452, %select_n3A_694 : vector<16xf32>
      %swap3A_715 = arith.index_cast %add3A_706 : i32 to index
      %swap3A_716 = arith.constant 80 : index
      %swap3A_717 = tpu.vector_load %arg15[%swap3A_715, %swap3A_716] {strides = array<i32>} : memref<16x128xf32, #tpu.memory_space<vmem>>, vector<16xf32>,
      tpu.vector_store %arg15[%swap3A_715, %swap3A_716], %mul3A_714 {strides = array<i32>} : memref<16x128xf32, #tpu.memory_space<vmem>>, vector<16xf32>,
      %lt3A_718 = arith.constant 256 : i32
      %lt3A_719 = vector.broadcast %lt3A_718 : i32 to vector<16xi32>
      %lt3A_720 = arith.cmpi slt, %add3A_479, %lt3A_719 : vector<16xi32>
      %lt3A_721 = arith.constant 256 : i32
      %lt3A_722 = vector.broadcast %lt3A_721 : i32 to vector<16xi32>
      %lt3A_723 = arith.cmpi slt, %convert_element_type3A_472, %lt3A_722 : vector<16xi32>
      %and3A_724 = arith.andi %lt3A_720, %lt3A_723 : vector<16xi1>
      %mul3A_725 = arith.mulf %sub3A_462, %sub3A_503 : vector<16xf32>
      %jit3A_726 = arith.constant 0.000000e+00 : f32
      %broadcast_in_dim3A_727 = vector.broadcast %jit3A_726 : f32 to vector<16xf32>
      %select_n3A_728 = arith.select %and3A_724, %mul3A_725, %broadcast_in_dim3A_727 : vector<16xi1>, vector<16xf32>
      %mul3A_729 = arith.constant 256 : i32
      %mul3A_730 = vector.broadcast %mul3A_729 : i32 to vector<16xi32>
      %mul3A_731 = arith.muli %add3A_479, %mul3A_730 : vector<16xi32>
      %add3A_732 = arith.addi %mul3A_731, %convert_element_type3A_472 : vector<16xi32>
      %jit3A_733 = arith.constant 0 : i32
      %jit3A_734 = arith.constant 65535 : i32
      %max3A_735 = vector.broadcast %jit3A_733 : i32 to vector<16xi32>
      %max3A_736 = arith.maxsi %max3A_735, %add3A_732 : vector<16xi32>
      %min3A_737 = vector.broadcast %jit3A_734 : i32 to vector<16xi32>
      %min3A_738 = arith.minsi %min3A_737, %max3A_736 : vector<16xi32>
      %add3A_739 = arith.constant 0 : i32
      %add3A_740 = arith.addi %mul3A_510, %add3A_739 : i32
      %swap3A_741 = arith.index_cast %add3A_740 : i32 to index
      %swap3A_742 = arith.constant 96 : index
      %swap3A_743 = tpu.vector_load %arg13[%swap3A_741, %swap3A_742] {strides = array<i32>} : memref<16x128xi32, #tpu.memory_space<vmem>>, vector<16xi32>,
      tpu.vector_store %arg13[%swap3A_741, %swap3A_742], %min3A_738 {strides = array<i32>} : memref<16x128xi32, #tpu.memory_space<vmem>>, vector<16xi32>,
      %mul3A_744 = arith.mulf %select_n3A_436, %select_n3A_728 : vector<16xf32>
      %swap3A_745 = arith.index_cast %add3A_740 : i32 to index
      %swap3A_746 = arith.constant 96 : index
      %swap3A_747 = tpu.vector_load %arg14[%swap3A_745, %swap3A_746] {strides = array<i32>} : memref<16x128xf32, #tpu.memory_space<vmem>>, vector<16xf32>,
      tpu.vector_store %arg14[%swap3A_745, %swap3A_746], %mul3A_744 {strides = array<i32>} : memref<16x128xf32, #tpu.memory_space<vmem>>, vector<16xf32>,
      %mul3A_748 = arith.mulf %select_n3A_452, %select_n3A_728 : vector<16xf32>
      %swap3A_749 = arith.index_cast %add3A_740 : i32 to index
      %swap3A_750 = arith.constant 96 : index
      %swap3A_751 = tpu.vector_load %arg15[%swap3A_749, %swap3A_750] {strides = array<i32>} : memref<16x128xf32, #tpu.memory_space<vmem>>, vector<16xf32>,
      tpu.vector_store %arg15[%swap3A_749, %swap3A_750], %mul3A_748 {strides = array<i32>} : memref<16x128xf32, #tpu.memory_space<vmem>>, vector<16xf32>,
      %lt3A_752 = arith.constant 256 : i32
      %lt3A_753 = vector.broadcast %lt3A_752 : i32 to vector<16xi32>
      %lt3A_754 = arith.cmpi slt, %add3A_479, %lt3A_753 : vector<16xi32>
      %lt3A_755 = arith.constant 256 : i32
      %lt3A_756 = vector.broadcast %lt3A_755 : i32 to vector<16xi32>
      %lt3A_757 = arith.cmpi slt, %add3A_497, %lt3A_756 : vector<16xi32>
      %and3A_758 = arith.andi %lt3A_754, %lt3A_757 : vector<16xi1>
      %mul3A_759 = arith.mulf %sub3A_462, %neg3A_506 : vector<16xf32>
      %jit3A_760 = arith.constant 0.000000e+00 : f32
      %broadcast_in_dim3A_761 = vector.broadcast %jit3A_760 : f32 to vector<16xf32>
      %select_n3A_762 = arith.select %and3A_758, %mul3A_759, %broadcast_in_dim3A_761 : vector<16xi1>, vector<16xf32>
      %mul3A_763 = arith.constant 256 : i32
      %mul3A_764 = vector.broadcast %mul3A_763 : i32 to vector<16xi32>
      %mul3A_765 = arith.muli %add3A_479, %mul3A_764 : vector<16xi32>
      %add3A_766 = arith.addi %mul3A_765, %add3A_497 : vector<16xi32>
      %jit3A_767 = arith.constant 0 : i32
      %jit3A_768 = arith.constant 65535 : i32
      %max3A_769 = vector.broadcast %jit3A_767 : i32 to vector<16xi32>
      %max3A_770 = arith.maxsi %max3A_769, %add3A_766 : vector<16xi32>
      %min3A_771 = vector.broadcast %jit3A_768 : i32 to vector<16xi32>
      %min3A_772 = arith.minsi %min3A_771, %max3A_770 : vector<16xi32>
      %add3A_773 = arith.constant 0 : i32
      %add3A_774 = arith.addi %mul3A_510, %add3A_773 : i32
      %swap3A_775 = arith.index_cast %add3A_774 : i32 to index
      %swap3A_776 = arith.constant 112 : index
      %swap3A_777 = tpu.vector_load %arg13[%swap3A_775, %swap3A_776] {strides = array<i32>} : memref<16x128xi32, #tpu.memory_space<vmem>>, vector<16xi32>,
      tpu.vector_store %arg13[%swap3A_775, %swap3A_776], %min3A_772 {strides = array<i32>} : memref<16x128xi32, #tpu.memory_space<vmem>>, vector<16xi32>,
      %mul3A_778 = arith.mulf %select_n3A_436, %select_n3A_762 : vector<16xf32>
      %swap3A_779 = arith.index_cast %add3A_774 : i32 to index
      %swap3A_780 = arith.constant 112 : index
      %swap3A_781 = tpu.vector_load %arg14[%swap3A_779, %swap3A_780] {strides = array<i32>} : memref<16x128xf32, #tpu.memory_space<vmem>>, vector<16xf32>,
      tpu.vector_store %arg14[%swap3A_779, %swap3A_780], %mul3A_778 {strides = array<i32>} : memref<16x128xf32, #tpu.memory_space<vmem>>, vector<16xf32>,
      %mul3A_782 = arith.mulf %select_n3A_452, %select_n3A_762 : vector<16xf32>
      %swap3A_783 = arith.index_cast %add3A_774 : i32 to index
      %swap3A_784 = arith.constant 112 : index
      %swap3A_785 = tpu.vector_load %arg15[%swap3A_783, %swap3A_784] {strides = array<i32>} : memref<16x128xf32, #tpu.memory_space<vmem>>, vector<16xf32>,
      tpu.vector_store %arg15[%swap3A_783, %swap3A_784], %mul3A_782 {strides = array<i32>} : memref<16x128xf32, #tpu.memory_space<vmem>>, vector<16xf32>,
      %lt3A_786 = arith.constant 256 : i32
      %lt3A_787 = vector.broadcast %lt3A_786 : i32 to vector<16xi32>
      %lt3A_788 = arith.cmpi slt, %convert_element_type3A_460, %lt3A_787 : vector<16xi32>
      %lt3A_789 = arith.constant 256 : i32
      %lt3A_790 = vector.broadcast %lt3A_789 : i32 to vector<16xi32>
      %lt3A_791 = arith.cmpi slt, %convert_element_type3A_471, %lt3A_790 : vector<16xi32>
      %and3A_792 = arith.andi %lt3A_788, %lt3A_791 : vector<16xi1>
      %mul3A_793 = arith.mulf %sub3A_488, %sub3A_500 : vector<16xf32>
      %jit3A_794 = arith.constant 0.000000e+00 : f32
      %broadcast_in_dim3A_795 = vector.broadcast %jit3A_794 : f32 to vector<16xf32>
      %select_n3A_796 = arith.select %and3A_792, %mul3A_793, %broadcast_in_dim3A_795 : vector<16xi1>, vector<16xf32>
      %mul3A_797 = arith.constant 256 : i32
      %mul3A_798 = vector.broadcast %mul3A_797 : i32 to vector<16xi32>
      %mul3A_799 = arith.muli %convert_element_type3A_460, %mul3A_798 : vector<16xi32>
      %add3A_800 = arith.addi %mul3A_799, %convert_element_type3A_471 : vector<16xi32>
      %jit3A_801 = arith.constant 0 : i32
      %jit3A_802 = arith.constant 65535 : i32
      %max3A_803 = vector.broadcast %jit3A_801 : i32 to vector<16xi32>
      %max3A_804 = arith.maxsi %max3A_803, %add3A_800 : vector<16xi32>
      %min3A_805 = vector.broadcast %jit3A_802 : i32 to vector<16xi32>
      %min3A_806 = arith.minsi %min3A_805, %max3A_804 : vector<16xi32>
      %add3A_807 = arith.constant 1 : i32
      %add3A_808 = arith.addi %mul3A_510, %add3A_807 : i32
      %swap3A_809 = arith.index_cast %add3A_808 : i32 to index
      %swap3A_810 = arith.constant 0 : index
      %swap3A_811 = tpu.vector_load %arg13[%swap3A_809, %swap3A_810] {strides = array<i32>} : memref<16x128xi32, #tpu.memory_space<vmem>>, vector<16xi32>,
      tpu.vector_store %arg13[%swap3A_809, %swap3A_810], %min3A_806 {strides = array<i32>} : memref<16x128xi32, #tpu.memory_space<vmem>>, vector<16xi32>,
      %mul3A_812 = arith.mulf %select_n3A_436, %select_n3A_796 : vector<16xf32>
      %swap3A_813 = arith.index_cast %add3A_808 : i32 to index
      %swap3A_814 = arith.constant 0 : index
      %swap3A_815 = tpu.vector_load %arg14[%swap3A_813, %swap3A_814] {strides = array<i32>} : memref<16x128xf32, #tpu.memory_space<vmem>>, vector<16xf32>,
      tpu.vector_store %arg14[%swap3A_813, %swap3A_814], %mul3A_812 {strides = array<i32>} : memref<16x128xf32, #tpu.memory_space<vmem>>, vector<16xf32>,
      %mul3A_816 = arith.mulf %select_n3A_452, %select_n3A_796 : vector<16xf32>
      %swap3A_817 = arith.index_cast %add3A_808 : i32 to index
      %swap3A_818 = arith.constant 0 : index
      %swap3A_819 = tpu.vector_load %arg15[%swap3A_817, %swap3A_818] {strides = array<i32>} : memref<16x128xf32, #tpu.memory_space<vmem>>, vector<16xf32>,
      tpu.vector_store %arg15[%swap3A_817, %swap3A_818], %mul3A_816 {strides = array<i32>} : memref<16x128xf32, #tpu.memory_space<vmem>>, vector<16xf32>,
      %lt3A_820 = arith.constant 256 : i32
      %lt3A_821 = vector.broadcast %lt3A_820 : i32 to vector<16xi32>
      %lt3A_822 = arith.cmpi slt, %convert_element_type3A_460, %lt3A_821 : vector<16xi32>
      %lt3A_823 = arith.constant 256 : i32
      %lt3A_824 = vector.broadcast %lt3A_823 : i32 to vector<16xi32>
      %lt3A_825 = arith.cmpi slt, %add3A_494, %lt3A_824 : vector<16xi32>
      %and3A_826 = arith.andi %lt3A_822, %lt3A_825 : vector<16xi1>
      %mul3A_827 = arith.mulf %sub3A_488, %sub3A_474 : vector<16xf32>
      %jit3A_828 = arith.constant 0.000000e+00 : f32
      %broadcast_in_dim3A_829 = vector.broadcast %jit3A_828 : f32 to vector<16xf32>
      %select_n3A_830 = arith.select %and3A_826, %mul3A_827, %broadcast_in_dim3A_829 : vector<16xi1>, vector<16xf32>
      %mul3A_831 = arith.constant 256 : i32
      %mul3A_832 = vector.broadcast %mul3A_831 : i32 to vector<16xi32>
      %mul3A_833 = arith.muli %convert_element_type3A_460, %mul3A_832 : vector<16xi32>
      %add3A_834 = arith.addi %mul3A_833, %add3A_494 : vector<16xi32>
      %jit3A_835 = arith.constant 0 : i32
      %jit3A_836 = arith.constant 65535 : i32
      %max3A_837 = vector.broadcast %jit3A_835 : i32 to vector<16xi32>
      %max3A_838 = arith.maxsi %max3A_837, %add3A_834 : vector<16xi32>
      %min3A_839 = vector.broadcast %jit3A_836 : i32 to vector<16xi32>
      %min3A_840 = arith.minsi %min3A_839, %max3A_838 : vector<16xi32>
      %add3A_841 = arith.constant 1 : i32
      %add3A_842 = arith.addi %mul3A_510, %add3A_841 : i32
      %swap3A_843 = arith.index_cast %add3A_842 : i32 to index
      %swap3A_844 = arith.constant 16 : index
      %swap3A_845 = tpu.vector_load %arg13[%swap3A_843, %swap3A_844] {strides = array<i32>} : memref<16x128xi32, #tpu.memory_space<vmem>>, vector<16xi32>,
      tpu.vector_store %arg13[%swap3A_843, %swap3A_844], %min3A_840 {strides = array<i32>} : memref<16x128xi32, #tpu.memory_space<vmem>>, vector<16xi32>,
      %mul3A_846 = arith.mulf %select_n3A_436, %select_n3A_830 : vector<16xf32>
      %swap3A_847 = arith.index_cast %add3A_842 : i32 to index
      %swap3A_848 = arith.constant 16 : index
      %swap3A_849 = tpu.vector_load %arg14[%swap3A_847, %swap3A_848] {strides = array<i32>} : memref<16x128xf32, #tpu.memory_space<vmem>>, vector<16xf32>,
      tpu.vector_store %arg14[%swap3A_847, %swap3A_848], %mul3A_846 {strides = array<i32>} : memref<16x128xf32, #tpu.memory_space<vmem>>, vector<16xf32>,
      %mul3A_850 = arith.mulf %select_n3A_452, %select_n3A_830 : vector<16xf32>
      %swap3A_851 = arith.index_cast %add3A_842 : i32 to index
      %swap3A_852 = arith.constant 16 : index
      %swap3A_853 = tpu.vector_load %arg15[%swap3A_851, %swap3A_852] {strides = array<i32>} : memref<16x128xf32, #tpu.memory_space<vmem>>, vector<16xf32>,
      tpu.vector_store %arg15[%swap3A_851, %swap3A_852], %mul3A_850 {strides = array<i32>} : memref<16x128xf32, #tpu.memory_space<vmem>>, vector<16xf32>,
      %lt3A_854 = arith.constant 256 : i32
      %lt3A_855 = vector.broadcast %lt3A_854 : i32 to vector<16xi32>
      %lt3A_856 = arith.cmpi slt, %convert_element_type3A_460, %lt3A_855 : vector<16xi32>
      %lt3A_857 = arith.constant 256 : i32
      %lt3A_858 = vector.broadcast %lt3A_857 : i32 to vector<16xi32>
      %lt3A_859 = arith.cmpi slt, %convert_element_type3A_472, %lt3A_858 : vector<16xi32>
      %and3A_860 = arith.andi %lt3A_856, %lt3A_859 : vector<16xi1>
      %mul3A_861 = arith.mulf %sub3A_488, %sub3A_503 : vector<16xf32>
      %jit3A_862 = arith.constant 0.000000e+00 : f32
      %broadcast_in_dim3A_863 = vector.broadcast %jit3A_862 : f32 to vector<16xf32>
      %select_n3A_864 = arith.select %and3A_860, %mul3A_861, %broadcast_in_dim3A_863 : vector<16xi1>, vector<16xf32>
      %mul3A_865 = arith.constant 256 : i32
      %mul3A_866 = vector.broadcast %mul3A_865 : i32 to vector<16xi32>
      %mul3A_867 = arith.muli %convert_element_type3A_460, %mul3A_866 : vector<16xi32>
      %add3A_868 = arith.addi %mul3A_867, %convert_element_type3A_472 : vector<16xi32>
      %jit3A_869 = arith.constant 0 : i32
      %jit3A_870 = arith.constant 65535 : i32
      %max3A_871 = vector.broadcast %jit3A_869 : i32 to vector<16xi32>
      %max3A_872 = arith.maxsi %max3A_871, %add3A_868 : vector<16xi32>
      %min3A_873 = vector.broadcast %jit3A_870 : i32 to vector<16xi32>
      %min3A_874 = arith.minsi %min3A_873, %max3A_872 : vector<16xi32>
      %add3A_875 = arith.constant 1 : i32
      %add3A_876 = arith.addi %mul3A_510, %add3A_875 : i32
      %swap3A_877 = arith.index_cast %add3A_876 : i32 to index
      %swap3A_878 = arith.constant 32 : index
      %swap3A_879 = tpu.vector_load %arg13[%swap3A_877, %swap3A_878] {strides = array<i32>} : memref<16x128xi32, #tpu.memory_space<vmem>>, vector<16xi32>,
      tpu.vector_store %arg13[%swap3A_877, %swap3A_878], %min3A_874 {strides = array<i32>} : memref<16x128xi32, #tpu.memory_space<vmem>>, vector<16xi32>,
      %mul3A_880 = arith.mulf %select_n3A_436, %select_n3A_864 : vector<16xf32>
      %swap3A_881 = arith.index_cast %add3A_876 : i32 to index
      %swap3A_882 = arith.constant 32 : index
      %swap3A_883 = tpu.vector_load %arg14[%swap3A_881, %swap3A_882] {strides = array<i32>} : memref<16x128xf32, #tpu.memory_space<vmem>>, vector<16xf32>,
      tpu.vector_store %arg14[%swap3A_881, %swap3A_882], %mul3A_880 {strides = array<i32>} : memref<16x128xf32, #tpu.memory_space<vmem>>, vector<16xf32>,
      %mul3A_884 = arith.mulf %select_n3A_452, %select_n3A_864 : vector<16xf32>
      %swap3A_885 = arith.index_cast %add3A_876 : i32 to index
      %swap3A_886 = arith.constant 32 : index
      %swap3A_887 = tpu.vector_load %arg15[%swap3A_885, %swap3A_886] {strides = array<i32>} : memref<16x128xf32, #tpu.memory_space<vmem>>, vector<16xf32>,
      tpu.vector_store %arg15[%swap3A_885, %swap3A_886], %mul3A_884 {strides = array<i32>} : memref<16x128xf32, #tpu.memory_space<vmem>>, vector<16xf32>,
      %lt3A_888 = arith.constant 256 : i32
      %lt3A_889 = vector.broadcast %lt3A_888 : i32 to vector<16xi32>
      %lt3A_890 = arith.cmpi slt, %convert_element_type3A_460, %lt3A_889 : vector<16xi32>
      %lt3A_891 = arith.constant 256 : i32
      %lt3A_892 = vector.broadcast %lt3A_891 : i32 to vector<16xi32>
      %lt3A_893 = arith.cmpi slt, %add3A_497, %lt3A_892 : vector<16xi32>
      %and3A_894 = arith.andi %lt3A_890, %lt3A_893 : vector<16xi1>
      %mul3A_895 = arith.mulf %sub3A_488, %neg3A_506 : vector<16xf32>
      %jit3A_896 = arith.constant 0.000000e+00 : f32
      %broadcast_in_dim3A_897 = vector.broadcast %jit3A_896 : f32 to vector<16xf32>
      %select_n3A_898 = arith.select %and3A_894, %mul3A_895, %broadcast_in_dim3A_897 : vector<16xi1>, vector<16xf32>
      %mul3A_899 = arith.constant 256 : i32
      %mul3A_900 = vector.broadcast %mul3A_899 : i32 to vector<16xi32>
      %mul3A_901 = arith.muli %convert_element_type3A_460, %mul3A_900 : vector<16xi32>
      %add3A_902 = arith.addi %mul3A_901, %add3A_497 : vector<16xi32>
      %jit3A_903 = arith.constant 0 : i32
      %jit3A_904 = arith.constant 65535 : i32
      %max3A_905 = vector.broadcast %jit3A_903 : i32 to vector<16xi32>
      %max3A_906 = arith.maxsi %max3A_905, %add3A_902 : vector<16xi32>
      %min3A_907 = vector.broadcast %jit3A_904 : i32 to vector<16xi32>
      %min3A_908 = arith.minsi %min3A_907, %max3A_906 : vector<16xi32>
      %add3A_909 = arith.constant 1 : i32
      %add3A_910 = arith.addi %mul3A_510, %add3A_909 : i32
      %swap3A_911 = arith.index_cast %add3A_910 : i32 to index
      %swap3A_912 = arith.constant 48 : index
      %swap3A_913 = tpu.vector_load %arg13[%swap3A_911, %swap3A_912] {strides = array<i32>} : memref<16x128xi32, #tpu.memory_space<vmem>>, vector<16xi32>,
      tpu.vector_store %arg13[%swap3A_911, %swap3A_912], %min3A_908 {strides = array<i32>} : memref<16x128xi32, #tpu.memory_space<vmem>>, vector<16xi32>,
      %mul3A_914 = arith.mulf %select_n3A_436, %select_n3A_898 : vector<16xf32>
      %swap3A_915 = arith.index_cast %add3A_910 : i32 to index
      %swap3A_916 = arith.constant 48 : index
      %swap3A_917 = tpu.vector_load %arg14[%swap3A_915, %swap3A_916] {strides = array<i32>} : memref<16x128xf32, #tpu.memory_space<vmem>>, vector<16xf32>,
      tpu.vector_store %arg14[%swap3A_915, %swap3A_916], %mul3A_914 {strides = array<i32>} : memref<16x128xf32, #tpu.memory_space<vmem>>, vector<16xf32>,
      %mul3A_918 = arith.mulf %select_n3A_452, %select_n3A_898 : vector<16xf32>
      %swap3A_919 = arith.index_cast %add3A_910 : i32 to index
      %swap3A_920 = arith.constant 48 : index
      %swap3A_921 = tpu.vector_load %arg15[%swap3A_919, %swap3A_920] {strides = array<i32>} : memref<16x128xf32, #tpu.memory_space<vmem>>, vector<16xf32>,
      tpu.vector_store %arg15[%swap3A_919, %swap3A_920], %mul3A_918 {strides = array<i32>} : memref<16x128xf32, #tpu.memory_space<vmem>>, vector<16xf32>,
      %lt3A_922 = arith.constant 256 : i32
      %lt3A_923 = vector.broadcast %lt3A_922 : i32 to vector<16xi32>
      %lt3A_924 = arith.cmpi slt, %add3A_482, %lt3A_923 : vector<16xi32>
      %lt3A_925 = arith.constant 256 : i32
      %lt3A_926 = vector.broadcast %lt3A_925 : i32 to vector<16xi32>
      %lt3A_927 = arith.cmpi slt, %convert_element_type3A_471, %lt3A_926 : vector<16xi32>
      %and3A_928 = arith.andi %lt3A_924, %lt3A_927 : vector<16xi1>
      %mul3A_929 = arith.mulf %neg3A_491, %sub3A_500 : vector<16xf32>
      %jit3A_930 = arith.constant 0.000000e+00 : f32
      %broadcast_in_dim3A_931 = vector.broadcast %jit3A_930 : f32 to vector<16xf32>
      %select_n3A_932 = arith.select %and3A_928, %mul3A_929, %broadcast_in_dim3A_931 : vector<16xi1>, vector<16xf32>
      %mul3A_933 = arith.constant 256 : i32
      %mul3A_934 = vector.broadcast %mul3A_933 : i32 to vector<16xi32>
      %mul3A_935 = arith.muli %add3A_482, %mul3A_934 : vector<16xi32>
      %add3A_936 = arith.addi %mul3A_935, %convert_element_type3A_471 : vector<16xi32>
      %jit3A_937 = arith.constant 0 : i32
      %jit3A_938 = arith.constant 65535 : i32
      %max3A_939 = vector.broadcast %jit3A_937 : i32 to vector<16xi32>
      %max3A_940 = arith.maxsi %max3A_939, %add3A_936 : vector<16xi32>
      %min3A_941 = vector.broadcast %jit3A_938 : i32 to vector<16xi32>
      %min3A_942 = arith.minsi %min3A_941, %max3A_940 : vector<16xi32>
      %add3A_943 = arith.constant 1 : i32
      %add3A_944 = arith.addi %mul3A_510, %add3A_943 : i32
      %swap3A_945 = arith.index_cast %add3A_944 : i32 to index
      %swap3A_946 = arith.constant 64 : index
      %swap3A_947 = tpu.vector_load %arg13[%swap3A_945, %swap3A_946] {strides = array<i32>} : memref<16x128xi32, #tpu.memory_space<vmem>>, vector<16xi32>,
      tpu.vector_store %arg13[%swap3A_945, %swap3A_946], %min3A_942 {strides = array<i32>} : memref<16x128xi32, #tpu.memory_space<vmem>>, vector<16xi32>,
      %mul3A_948 = arith.mulf %select_n3A_436, %select_n3A_932 : vector<16xf32>
      %swap3A_949 = arith.index_cast %add3A_944 : i32 to index
      %swap3A_950 = arith.constant 64 : index
      %swap3A_951 = tpu.vector_load %arg14[%swap3A_949, %swap3A_950] {strides = array<i32>} : memref<16x128xf32, #tpu.memory_space<vmem>>, vector<16xf32>,
      tpu.vector_store %arg14[%swap3A_949, %swap3A_950], %mul3A_948 {strides = array<i32>} : memref<16x128xf32, #tpu.memory_space<vmem>>, vector<16xf32>,
      %mul3A_952 = arith.mulf %select_n3A_452, %select_n3A_932 : vector<16xf32>
      %swap3A_953 = arith.index_cast %add3A_944 : i32 to index
      %swap3A_954 = arith.constant 64 : index
      %swap3A_955 = tpu.vector_load %arg15[%swap3A_953, %swap3A_954] {strides = array<i32>} : memref<16x128xf32, #tpu.memory_space<vmem>>, vector<16xf32>,
      tpu.vector_store %arg15[%swap3A_953, %swap3A_954], %mul3A_952 {strides = array<i32>} : memref<16x128xf32, #tpu.memory_space<vmem>>, vector<16xf32>,
      %lt3A_956 = arith.constant 256 : i32
      %lt3A_957 = vector.broadcast %lt3A_956 : i32 to vector<16xi32>
      %lt3A_958 = arith.cmpi slt, %add3A_482, %lt3A_957 : vector<16xi32>
      %lt3A_959 = arith.constant 256 : i32
      %lt3A_960 = vector.broadcast %lt3A_959 : i32 to vector<16xi32>
      %lt3A_961 = arith.cmpi slt, %add3A_494, %lt3A_960 : vector<16xi32>
      %and3A_962 = arith.andi %lt3A_958, %lt3A_961 : vector<16xi1>
      %mul3A_963 = arith.mulf %neg3A_491, %sub3A_474 : vector<16xf32>
      %jit3A_964 = arith.constant 0.000000e+00 : f32
      %broadcast_in_dim3A_965 = vector.broadcast %jit3A_964 : f32 to vector<16xf32>
      %select_n3A_966 = arith.select %and3A_962, %mul3A_963, %broadcast_in_dim3A_965 : vector<16xi1>, vector<16xf32>
      %mul3A_967 = arith.constant 256 : i32
      %mul3A_968 = vector.broadcast %mul3A_967 : i32 to vector<16xi32>
      %mul3A_969 = arith.muli %add3A_482, %mul3A_968 : vector<16xi32>
      %add3A_970 = arith.addi %mul3A_969, %add3A_494 : vector<16xi32>
      %jit3A_971 = arith.constant 0 : i32
      %jit3A_972 = arith.constant 65535 : i32
      %max3A_973 = vector.broadcast %jit3A_971 : i32 to vector<16xi32>
      %max3A_974 = arith.maxsi %max3A_973, %add3A_970 : vector<16xi32>
      %min3A_975 = vector.broadcast %jit3A_972 : i32 to vector<16xi32>
      %min3A_976 = arith.minsi %min3A_975, %max3A_974 : vector<16xi32>
      %add3A_977 = arith.constant 1 : i32
      %add3A_978 = arith.addi %mul3A_510, %add3A_977 : i32
      %swap3A_979 = arith.index_cast %add3A_978 : i32 to index
      %swap3A_980 = arith.constant 80 : index
      %swap3A_981 = tpu.vector_load %arg13[%swap3A_979, %swap3A_980] {strides = array<i32>} : memref<16x128xi32, #tpu.memory_space<vmem>>, vector<16xi32>,
      tpu.vector_store %arg13[%swap3A_979, %swap3A_980], %min3A_976 {strides = array<i32>} : memref<16x128xi32, #tpu.memory_space<vmem>>, vector<16xi32>,
      %mul3A_982 = arith.mulf %select_n3A_436, %select_n3A_966 : vector<16xf32>
      %swap3A_983 = arith.index_cast %add3A_978 : i32 to index
      %swap3A_984 = arith.constant 80 : index
      %swap3A_985 = tpu.vector_load %arg14[%swap3A_983, %swap3A_984] {strides = array<i32>} : memref<16x128xf32, #tpu.memory_space<vmem>>, vector<16xf32>,
      tpu.vector_store %arg14[%swap3A_983, %swap3A_984], %mul3A_982 {strides = array<i32>} : memref<16x128xf32, #tpu.memory_space<vmem>>, vector<16xf32>,
      %mul3A_986 = arith.mulf %select_n3A_452, %select_n3A_966 : vector<16xf32>
      %swap3A_987 = arith.index_cast %add3A_978 : i32 to index
      %swap3A_988 = arith.constant 80 : index
      %swap3A_989 = tpu.vector_load %arg15[%swap3A_987, %swap3A_988] {strides = array<i32>} : memref<16x128xf32, #tpu.memory_space<vmem>>, vector<16xf32>,
      tpu.vector_store %arg15[%swap3A_987, %swap3A_988], %mul3A_986 {strides = array<i32>} : memref<16x128xf32, #tpu.memory_space<vmem>>, vector<16xf32>,
      %lt3A_990 = arith.constant 256 : i32
      %lt3A_991 = vector.broadcast %lt3A_990 : i32 to vector<16xi32>
      %lt3A_992 = arith.cmpi slt, %add3A_482, %lt3A_991 : vector<16xi32>
      %lt3A_993 = arith.constant 256 : i32
      %lt3A_994 = vector.broadcast %lt3A_993 : i32 to vector<16xi32>
      %lt3A_995 = arith.cmpi slt, %convert_element_type3A_472, %lt3A_994 : vector<16xi32>
      %and3A_996 = arith.andi %lt3A_992, %lt3A_995 : vector<16xi1>
      %mul3A_997 = arith.mulf %neg3A_491, %sub3A_503 : vector<16xf32>
      %jit3A_998 = arith.constant 0.000000e+00 : f32
      %broadcast_in_dim3A_999 = vector.broadcast %jit3A_998 : f32 to vector<16xf32>
      %select_n3A_1000 = arith.select %and3A_996, %mul3A_997, %broadcast_in_dim3A_999 : vector<16xi1>, vector<16xf32>
      %mul3A_1001 = arith.constant 256 : i32
      %mul3A_1002 = vector.broadcast %mul3A_1001 : i32 to vector<16xi32>
      %mul3A_1003 = arith.muli %add3A_482, %mul3A_1002 : vector<16xi32>
      %add3A_1004 = arith.addi %mul3A_1003, %convert_element_type3A_472 : vector<16xi32>
      %jit3A_1005 = arith.constant 0 : i32
      %jit3A_1006 = arith.constant 65535 : i32
      %max3A_1007 = vector.broadcast %jit3A_1005 : i32 to vector<16xi32>
      %max3A_1008 = arith.maxsi %max3A_1007, %add3A_1004 : vector<16xi32>
      %min3A_1009 = vector.broadcast %jit3A_1006 : i32 to vector<16xi32>
      %min3A_1010 = arith.minsi %min3A_1009, %max3A_1008 : vector<16xi32>
      %add3A_1011 = arith.constant 1 : i32
      %add3A_1012 = arith.addi %mul3A_510, %add3A_1011 : i32
      %swap3A_1013 = arith.index_cast %add3A_1012 : i32 to index
      %swap3A_1014 = arith.constant 96 : index
      %swap3A_1015 = tpu.vector_load %arg13[%swap3A_1013, %swap3A_1014] {strides = array<i32>} : memref<16x128xi32, #tpu.memory_space<vmem>>, vector<16xi32>,
      tpu.vector_store %arg13[%swap3A_1013, %swap3A_1014], %min3A_1010 {strides = array<i32>} : memref<16x128xi32, #tpu.memory_space<vmem>>, vector<16xi32>,
      %mul3A_1016 = arith.mulf %select_n3A_436, %select_n3A_1000 : vector<16xf32>
      %swap3A_1017 = arith.index_cast %add3A_1012 : i32 to index
      %swap3A_1018 = arith.constant 96 : index
      %swap3A_1019 = tpu.vector_load %arg14[%swap3A_1017, %swap3A_1018] {strides = array<i32>} : memref<16x128xf32, #tpu.memory_space<vmem>>, vector<16xf32>,
      tpu.vector_store %arg14[%swap3A_1017, %swap3A_1018], %mul3A_1016 {strides = array<i32>} : memref<16x128xf32, #tpu.memory_space<vmem>>, vector<16xf32>,
      %mul3A_1020 = arith.mulf %select_n3A_452, %select_n3A_1000 : vector<16xf32>
      %swap3A_1021 = arith.index_cast %add3A_1012 : i32 to index
      %swap3A_1022 = arith.constant 96 : index
      %swap3A_1023 = tpu.vector_load %arg15[%swap3A_1021, %swap3A_1022] {strides = array<i32>} : memref<16x128xf32, #tpu.memory_space<vmem>>, vector<16xf32>,
      tpu.vector_store %arg15[%swap3A_1021, %swap3A_1022], %mul3A_1020 {strides = array<i32>} : memref<16x128xf32, #tpu.memory_space<vmem>>, vector<16xf32>,
      %lt3A_1024 = arith.constant 256 : i32
      %lt3A_1025 = vector.broadcast %lt3A_1024 : i32 to vector<16xi32>
      %lt3A_1026 = arith.cmpi slt, %add3A_482, %lt3A_1025 : vector<16xi32>
      %lt3A_1027 = arith.constant 256 : i32
      %lt3A_1028 = vector.broadcast %lt3A_1027 : i32 to vector<16xi32>
      %lt3A_1029 = arith.cmpi slt, %add3A_497, %lt3A_1028 : vector<16xi32>
      %and3A_1030 = arith.andi %lt3A_1026, %lt3A_1029 : vector<16xi1>
      %mul3A_1031 = arith.mulf %neg3A_491, %neg3A_506 : vector<16xf32>
      %jit3A_1032 = arith.constant 0.000000e+00 : f32
      %broadcast_in_dim3A_1033 = vector.broadcast %jit3A_1032 : f32 to vector<16xf32>
      %select_n3A_1034 = arith.select %and3A_1030, %mul3A_1031, %broadcast_in_dim3A_1033 : vector<16xi1>, vector<16xf32>
      %mul3A_1035 = arith.constant 256 : i32
      %mul3A_1036 = vector.broadcast %mul3A_1035 : i32 to vector<16xi32>
      %mul3A_1037 = arith.muli %add3A_482, %mul3A_1036 : vector<16xi32>
      %add3A_1038 = arith.addi %mul3A_1037, %add3A_497 : vector<16xi32>
      %jit3A_1039 = arith.constant 0 : i32
      %jit3A_1040 = arith.constant 65535 : i32
      %max3A_1041 = vector.broadcast %jit3A_1039 : i32 to vector<16xi32>
      %max3A_1042 = arith.maxsi %max3A_1041, %add3A_1038 : vector<16xi32>
      %min3A_1043 = vector.broadcast %jit3A_1040 : i32 to vector<16xi32>
      %min3A_1044 = arith.minsi %min3A_1043, %max3A_1042 : vector<16xi32>
      %add3A_1045 = arith.constant 1 : i32
      %add3A_1046 = arith.addi %mul3A_510, %add3A_1045 : i32
      %swap3A_1047 = arith.index_cast %add3A_1046 : i32 to index
      %swap3A_1048 = arith.constant 112 : index
      %swap3A_1049 = tpu.vector_load %arg13[%swap3A_1047, %swap3A_1048] {strides = array<i32>} : memref<16x128xi32, #tpu.memory_space<vmem>>, vector<16xi32>,
      tpu.vector_store %arg13[%swap3A_1047, %swap3A_1048], %min3A_1044 {strides = array<i32>} : memref<16x128xi32, #tpu.memory_space<vmem>>, vector<16xi32>,
      %mul3A_1050 = arith.mulf %select_n3A_436, %select_n3A_1034 : vector<16xf32>
      %swap3A_1051 = arith.index_cast %add3A_1046 : i32 to index
      %swap3A_1052 = arith.constant 112 : index
      %swap3A_1053 = tpu.vector_load %arg14[%swap3A_1051, %swap3A_1052] {strides = array<i32>} : memref<16x128xf32, #tpu.memory_space<vmem>>, vector<16xf32>,
      tpu.vector_store %arg14[%swap3A_1051, %swap3A_1052], %mul3A_1050 {strides = array<i32>} : memref<16x128xf32, #tpu.memory_space<vmem>>, vector<16xf32>,
      %mul3A_1054 = arith.mulf %select_n3A_452, %select_n3A_1034 : vector<16xf32>
      %swap3A_1055 = arith.index_cast %add3A_1046 : i32 to index
      %swap3A_1056 = arith.constant 112 : index
      %swap3A_1057 = tpu.vector_load %arg15[%swap3A_1055, %swap3A_1056] {strides = array<i32>} : memref<16x128xf32, #tpu.memory_space<vmem>>, vector<16xf32>,
      tpu.vector_store %arg15[%swap3A_1055, %swap3A_1056], %mul3A_1054 {strides = array<i32>} : memref<16x128xf32, #tpu.memory_space<vmem>>, vector<16xf32>,
      %lt3A_1058 = arith.constant 8 : i32
      %lt3A_1059 = arith.cmpi slt, %arg1, %lt3A_1058 : i32
      %convert_element_type3A_1060 = arith.extui %lt3A_1059 : i1 to i32
      %cond3A_1061 = arith.constant 0 : i32
      %cond3A_1062 = arith.cmpi ne, %convert_element_type3A_1060, %cond3A_1061 : i32
      scf.if %cond3A_1062 {
        %add3A_1069 = arith.constant 0 : i32
        %add3A_1070 = arith.addi %mul3A_510, %add3A_1069 : i32
        %dma_start3A_1071 = arith.constant 0 : i32
        %dma_start3A_1072 = tpu.memref_slice %arg14[%add3A_1070, %dma_start3A_1071] : memref<16x128xf32, #tpu.memory_space<vmem>> -> memref<1x128xf32, #tpu.memory_space<vmem>>
        %dma_start3A_1073 = tpu.memref_squeeze %dma_start3A_1072 : memref<1x128xf32, #tpu.memory_space<vmem>> -> memref<128xf32, #tpu.memory_space<vmem>>
        %dma_start3A_1074 = arith.constant 0 : i32
        %dma_start3A_1075 = tpu.memref_slice %arg13[%add3A_1070, %dma_start3A_1074] : memref<16x128xi32, #tpu.memory_space<vmem>> -> memref<1x128xi32, #tpu.memory_space<vmem>>
        %dma_start3A_1076 = tpu.memref_squeeze %dma_start3A_1075 : memref<1x128xi32, #tpu.memory_space<vmem>> -> memref<128xi32, #tpu.memory_space<vmem>>
        %dma_start3A_1077 = arith.constant 0 : i32
        %dma_start3A_1078 = tpu.memref_slice %arg18[%dma_start3A_1077] : memref<65536xf32, #tpu.memory_space<vmem_shared>> -> memref<65536xf32, #tpu.memory_space<vmem_shared>>
        tpu.enqueue_indirect_dma source(%dma_start3A_1073 : memref<128xf32, #tpu.memory_space<vmem>>) target(%dma_start3A_1078 : memref<65536xf32, #tpu.memory_space<vmem_shared>>) offsets(%dma_start3A_1076 : memref<128xi32, #tpu.memory_space<vmem>>) semaphore(%arg22 : memref<!tpu.dma_semaphore, #tpu.memory_space<semaphore_mem>>) {add = true}
        %dma_start3A_1079 = arith.constant 0 : i32
        %dma_start3A_1080 = tpu.memref_slice %arg15[%add3A_1070, %dma_start3A_1079] : memref<16x128xf32, #tpu.memory_space<vmem>> -> memref<1x128xf32, #tpu.memory_space<vmem>>
        %dma_start3A_1081 = tpu.memref_squeeze %dma_start3A_1080 : memref<1x128xf32, #tpu.memory_space<vmem>> -> memref<128xf32, #tpu.memory_space<vmem>>
        %dma_start3A_1082 = arith.constant 0 : i32
        %dma_start3A_1083 = tpu.memref_slice %arg13[%add3A_1070, %dma_start3A_1082] : memref<16x128xi32, #tpu.memory_space<vmem>> -> memref<1x128xi32, #tpu.memory_space<vmem>>
        %dma_start3A_1084 = tpu.memref_squeeze %dma_start3A_1083 : memref<1x128xi32, #tpu.memory_space<vmem>> -> memref<128xi32, #tpu.memory_space<vmem>>
        %dma_start3A_1085 = arith.constant 0 : i32
        %dma_start3A_1086 = tpu.memref_slice %arg19[%dma_start3A_1085] : memref<65536xf32, #tpu.memory_space<vmem_shared>> -> memref<65536xf32, #tpu.memory_space<vmem_shared>>
        tpu.enqueue_indirect_dma source(%dma_start3A_1081 : memref<128xf32, #tpu.memory_space<vmem>>) target(%dma_start3A_1086 : memref<65536xf32, #tpu.memory_space<vmem_shared>>) offsets(%dma_start3A_1084 : memref<128xi32, #tpu.memory_space<vmem>>) semaphore(%arg22 : memref<!tpu.dma_semaphore, #tpu.memory_space<semaphore_mem>>) {add = true}
        %add3A_1087 = arith.constant 1 : i32
        %add3A_1088 = arith.addi %mul3A_510, %add3A_1087 : i32
        %dma_start3A_1089 = arith.constant 0 : i32
        %dma_start3A_1090 = tpu.memref_slice %arg14[%add3A_1088, %dma_start3A_1089] : memref<16x128xf32, #tpu.memory_space<vmem>> -> memref<1x128xf32, #tpu.memory_space<vmem>>
        %dma_start3A_1091 = tpu.memref_squeeze %dma_start3A_1090 : memref<1x128xf32, #tpu.memory_space<vmem>> -> memref<128xf32, #tpu.memory_space<vmem>>
        %dma_start3A_1092 = arith.constant 0 : i32
        %dma_start3A_1093 = tpu.memref_slice %arg13[%add3A_1088, %dma_start3A_1092] : memref<16x128xi32, #tpu.memory_space<vmem>> -> memref<1x128xi32, #tpu.memory_space<vmem>>
        %dma_start3A_1094 = tpu.memref_squeeze %dma_start3A_1093 : memref<1x128xi32, #tpu.memory_space<vmem>> -> memref<128xi32, #tpu.memory_space<vmem>>
        %dma_start3A_1095 = arith.constant 0 : i32
        %dma_start3A_1096 = tpu.memref_slice %arg18[%dma_start3A_1095] : memref<65536xf32, #tpu.memory_space<vmem_shared>> -> memref<65536xf32, #tpu.memory_space<vmem_shared>>
        tpu.enqueue_indirect_dma source(%dma_start3A_1091 : memref<128xf32, #tpu.memory_space<vmem>>) target(%dma_start3A_1096 : memref<65536xf32, #tpu.memory_space<vmem_shared>>) offsets(%dma_start3A_1094 : memref<128xi32, #tpu.memory_space<vmem>>) semaphore(%arg22 : memref<!tpu.dma_semaphore, #tpu.memory_space<semaphore_mem>>) {add = true}
        %dma_start3A_1097 = arith.constant 0 : i32
        %dma_start3A_1098 = tpu.memref_slice %arg15[%add3A_1088, %dma_start3A_1097] : memref<16x128xf32, #tpu.memory_space<vmem>> -> memref<1x128xf32, #tpu.memory_space<vmem>>
        %dma_start3A_1099 = tpu.memref_squeeze %dma_start3A_1098 : memref<1x128xf32, #tpu.memory_space<vmem>> -> memref<128xf32, #tpu.memory_space<vmem>>
        %dma_start3A_1100 = arith.constant 0 : i32
        %dma_start3A_1101 = tpu.memref_slice %arg13[%add3A_1088, %dma_start3A_1100] : memref<16x128xi32, #tpu.memory_space<vmem>> -> memref<1x128xi32, #tpu.memory_space<vmem>>
        %dma_start3A_1102 = tpu.memref_squeeze %dma_start3A_1101 : memref<1x128xi32, #tpu.memory_space<vmem>> -> memref<128xi32, #tpu.memory_space<vmem>>
        %dma_start3A_1103 = arith.constant 0 : i32
        %dma_start3A_1104 = tpu.memref_slice %arg19[%dma_start3A_1103] : memref<65536xf32, #tpu.memory_space<vmem_shared>> -> memref<65536xf32, #tpu.memory_space<vmem_shared>>
        tpu.enqueue_indirect_dma source(%dma_start3A_1099 : memref<128xf32, #tpu.memory_space<vmem>>) target(%dma_start3A_1104 : memref<65536xf32, #tpu.memory_space<vmem_shared>>) offsets(%dma_start3A_1102 : memref<128xi32, #tpu.memory_space<vmem>>) semaphore(%arg22 : memref<!tpu.dma_semaphore, #tpu.memory_space<semaphore_mem>>) {add = true}
      } else {
      }
      %ge3A_1063 = arith.constant 8 : i32
      %ge3A_1064 = arith.cmpi sge, %arg1, %ge3A_1063 : i32
      %convert_element_type3A_1065 = arith.extui %ge3A_1064 : i1 to i32
      %cond3A_1066 = arith.constant 0 : i32
      %cond3A_1067 = arith.cmpi ne, %convert_element_type3A_1065, %cond3A_1066 : i32
      scf.if %cond3A_1067 {
        %add3A_1069 = arith.constant 0 : i32
        %add3A_1070 = arith.addi %mul3A_510, %add3A_1069 : i32
        %dma_start3A_1071 = arith.constant 0 : i32
        %dma_start3A_1072 = tpu.memref_slice %arg14[%add3A_1070, %dma_start3A_1071] : memref<16x128xf32, #tpu.memory_space<vmem>> -> memref<1x128xf32, #tpu.memory_space<vmem>>
        %dma_start3A_1073 = tpu.memref_squeeze %dma_start3A_1072 : memref<1x128xf32, #tpu.memory_space<vmem>> -> memref<128xf32, #tpu.memory_space<vmem>>
        %dma_start3A_1074 = arith.constant 0 : i32
        %dma_start3A_1075 = tpu.memref_slice %arg13[%add3A_1070, %dma_start3A_1074] : memref<16x128xi32, #tpu.memory_space<vmem>> -> memref<1x128xi32, #tpu.memory_space<vmem>>
        %dma_start3A_1076 = tpu.memref_squeeze %dma_start3A_1075 : memref<1x128xi32, #tpu.memory_space<vmem>> -> memref<128xi32, #tpu.memory_space<vmem>>
        %dma_start3A_1077 = arith.constant 0 : i32
        %dma_start3A_1078 = tpu.memref_slice %arg20[%dma_start3A_1077] : memref<65536xf32, #tpu.memory_space<vmem_shared>> -> memref<65536xf32, #tpu.memory_space<vmem_shared>>
        tpu.enqueue_indirect_dma source(%dma_start3A_1073 : memref<128xf32, #tpu.memory_space<vmem>>) target(%dma_start3A_1078 : memref<65536xf32, #tpu.memory_space<vmem_shared>>) offsets(%dma_start3A_1076 : memref<128xi32, #tpu.memory_space<vmem>>) semaphore(%arg22 : memref<!tpu.dma_semaphore, #tpu.memory_space<semaphore_mem>>) {add = true}
        %dma_start3A_1079 = arith.constant 0 : i32
        %dma_start3A_1080 = tpu.memref_slice %arg15[%add3A_1070, %dma_start3A_1079] : memref<16x128xf32, #tpu.memory_space<vmem>> -> memref<1x128xf32, #tpu.memory_space<vmem>>
        %dma_start3A_1081 = tpu.memref_squeeze %dma_start3A_1080 : memref<1x128xf32, #tpu.memory_space<vmem>> -> memref<128xf32, #tpu.memory_space<vmem>>
        %dma_start3A_1082 = arith.constant 0 : i32
        %dma_start3A_1083 = tpu.memref_slice %arg13[%add3A_1070, %dma_start3A_1082] : memref<16x128xi32, #tpu.memory_space<vmem>> -> memref<1x128xi32, #tpu.memory_space<vmem>>
        %dma_start3A_1084 = tpu.memref_squeeze %dma_start3A_1083 : memref<1x128xi32, #tpu.memory_space<vmem>> -> memref<128xi32, #tpu.memory_space<vmem>>
        %dma_start3A_1085 = arith.constant 0 : i32
        %dma_start3A_1086 = tpu.memref_slice %arg21[%dma_start3A_1085] : memref<65536xf32, #tpu.memory_space<vmem_shared>> -> memref<65536xf32, #tpu.memory_space<vmem_shared>>
        tpu.enqueue_indirect_dma source(%dma_start3A_1081 : memref<128xf32, #tpu.memory_space<vmem>>) target(%dma_start3A_1086 : memref<65536xf32, #tpu.memory_space<vmem_shared>>) offsets(%dma_start3A_1084 : memref<128xi32, #tpu.memory_space<vmem>>) semaphore(%arg22 : memref<!tpu.dma_semaphore, #tpu.memory_space<semaphore_mem>>) {add = true}
        %add3A_1087 = arith.constant 1 : i32
        %add3A_1088 = arith.addi %mul3A_510, %add3A_1087 : i32
        %dma_start3A_1089 = arith.constant 0 : i32
        %dma_start3A_1090 = tpu.memref_slice %arg14[%add3A_1088, %dma_start3A_1089] : memref<16x128xf32, #tpu.memory_space<vmem>> -> memref<1x128xf32, #tpu.memory_space<vmem>>
        %dma_start3A_1091 = tpu.memref_squeeze %dma_start3A_1090 : memref<1x128xf32, #tpu.memory_space<vmem>> -> memref<128xf32, #tpu.memory_space<vmem>>
        %dma_start3A_1092 = arith.constant 0 : i32
        %dma_start3A_1093 = tpu.memref_slice %arg13[%add3A_1088, %dma_start3A_1092] : memref<16x128xi32, #tpu.memory_space<vmem>> -> memref<1x128xi32, #tpu.memory_space<vmem>>
        %dma_start3A_1094 = tpu.memref_squeeze %dma_start3A_1093 : memref<1x128xi32, #tpu.memory_space<vmem>> -> memref<128xi32, #tpu.memory_space<vmem>>
        %dma_start3A_1095 = arith.constant 0 : i32
        %dma_start3A_1096 = tpu.memref_slice %arg20[%dma_start3A_1095] : memref<65536xf32, #tpu.memory_space<vmem_shared>> -> memref<65536xf32, #tpu.memory_space<vmem_shared>>
        tpu.enqueue_indirect_dma source(%dma_start3A_1091 : memref<128xf32, #tpu.memory_space<vmem>>) target(%dma_start3A_1096 : memref<65536xf32, #tpu.memory_space<vmem_shared>>) offsets(%dma_start3A_1094 : memref<128xi32, #tpu.memory_space<vmem>>) semaphore(%arg22 : memref<!tpu.dma_semaphore, #tpu.memory_space<semaphore_mem>>) {add = true}
        %dma_start3A_1097 = arith.constant 0 : i32
        %dma_start3A_1098 = tpu.memref_slice %arg15[%add3A_1088, %dma_start3A_1097] : memref<16x128xf32, #tpu.memory_space<vmem>> -> memref<1x128xf32, #tpu.memory_space<vmem>>
        %dma_start3A_1099 = tpu.memref_squeeze %dma_start3A_1098 : memref<1x128xf32, #tpu.memory_space<vmem>> -> memref<128xf32, #tpu.memory_space<vmem>>
        %dma_start3A_1100 = arith.constant 0 : i32
        %dma_start3A_1101 = tpu.memref_slice %arg13[%add3A_1088, %dma_start3A_1100] : memref<16x128xi32, #tpu.memory_space<vmem>> -> memref<1x128xi32, #tpu.memory_space<vmem>>
        %dma_start3A_1102 = tpu.memref_squeeze %dma_start3A_1101 : memref<1x128xi32, #tpu.memory_space<vmem>> -> memref<128xi32, #tpu.memory_space<vmem>>
        %dma_start3A_1103 = arith.constant 0 : i32
        %dma_start3A_1104 = tpu.memref_slice %arg21[%dma_start3A_1103] : memref<65536xf32, #tpu.memory_space<vmem_shared>> -> memref<65536xf32, #tpu.memory_space<vmem_shared>>
        tpu.enqueue_indirect_dma source(%dma_start3A_1099 : memref<128xf32, #tpu.memory_space<vmem>>) target(%dma_start3A_1104 : memref<65536xf32, #tpu.memory_space<vmem_shared>>) offsets(%dma_start3A_1102 : memref<128xi32, #tpu.memory_space<vmem>>) semaphore(%arg22 : memref<!tpu.dma_semaphore, #tpu.memory_space<semaphore_mem>>) {add = true}
      } else {
      }
      %while3A_1068 = arith.constant 0 : i64
      scf.yield %while3A_1068 : i64
    }
    %while3A_169 = arith.constant 1 : i32
    %while3A_170 = scf.for %while3A_212 = %while3A_166 to %while3A_162 step %while3A_169 iter_args(%while3A_213 = %while3A_168) -> (i64)  : i32 {
      %mul3A_214 = arith.constant 16 : i32
      %mul3A_215 = arith.muli %while3A_212, %mul3A_214 : i32
      %get3A_216 = arith.index_cast %mul3A_215 : i32 to index
      %get3A_217 = tpu.vector_load %arg7[%get3A_216] {strides = array<i32>} : memref<1584xi32, #tpu.memory_space<vmem>>, vector<16xi32>,
      %add3A_218 = arith.constant 1 : i32
      %add3A_219 = arith.addi %mul3A_215, %add3A_218 : i32
      %get3A_220 = arith.index_cast %add3A_219 : i32 to index
      %get3A_221 = tpu.vector_load %arg7[%get3A_220] {strides = array<i32>} : memref<1584xi32, #tpu.memory_space<vmem>>, vector<16xi32>,
      %sub3A_222 = arith.subi %get3A_221, %get3A_217 : vector<16xi32>
      %sub3A_223 = vector.broadcast %squeeze3A : i32 to vector<16xi32>
      %sub3A_224 = arith.subi %get3A_217, %sub3A_223 : vector<16xi32>
      %add3A_225 = vector.broadcast %sub3A_90 : i32 to vector<16xi32>
      %add3A_226 = arith.addi %sub3A_224, %add3A_225 : vector<16xi32>
      %convert_element_type3A = arith.sitofp %sub3A_222 : vector<16xi32> to vector<16xf32>
      %xor3A = arith.constant 1 : i32
      %xor3A_227 = vector.broadcast %xor3A : i32 to vector<16xi32>
      %xor3A_228 = arith.xori %iota3A, %xor3A_227 : vector<16xi32>
      %lt3A = arith.constant 0 : i32
      %lt3A_229 = vector.broadcast %lt3A : i32 to vector<16xi32>
      %lt3A_230 = arith.cmpi slt, %xor3A_228, %lt3A_229 : vector<16xi32>
      %add3A_231 = arith.constant 16 : i32
      %add3A_232 = vector.broadcast %add3A_231 : i32 to vector<16xi32>
      %add3A_233 = arith.addi %xor3A_228, %add3A_232 : vector<16xi32>
      %select_n3A_234 = arith.select %lt3A_230, %add3A_233, %xor3A_228 : vector<16xi1>, vector<16xi32>
      %broadcast_in_dim3A = vector.shape_cast %select_n3A_234 : vector<16xi32> to vector<16x1xi32>
      %gather3A = vector.shape_cast %broadcast_in_dim3A : vector<16x1xi32> to vector<16xi32>
      %gather3A_235 = tpu.dynamic_gather %convert_element_type3A[%gather3A] in [0] : vector<16xf32>, vector<16xi32> -> vector<16xf32>
      %max3A_236 = arith.maximumf %convert_element_type3A, %gather3A_235 : vector<16xf32>
      %xor3A_237 = arith.constant 2 : i32
      %xor3A_238 = vector.broadcast %xor3A_237 : i32 to vector<16xi32>
      %xor3A_239 = arith.xori %iota3A, %xor3A_238 : vector<16xi32>
      %lt3A_240 = arith.constant 0 : i32
      %lt3A_241 = vector.broadcast %lt3A_240 : i32 to vector<16xi32>
      %lt3A_242 = arith.cmpi slt, %xor3A_239, %lt3A_241 : vector<16xi32>
      %add3A_243 = arith.constant 16 : i32
      %add3A_244 = vector.broadcast %add3A_243 : i32 to vector<16xi32>
      %add3A_245 = arith.addi %xor3A_239, %add3A_244 : vector<16xi32>
      %select_n3A_246 = arith.select %lt3A_242, %add3A_245, %xor3A_239 : vector<16xi1>, vector<16xi32>
      %broadcast_in_dim3A_247 = vector.shape_cast %select_n3A_246 : vector<16xi32> to vector<16x1xi32>
      %gather3A_248 = vector.shape_cast %broadcast_in_dim3A_247 : vector<16x1xi32> to vector<16xi32>
      %gather3A_249 = tpu.dynamic_gather %max3A_236[%gather3A_248] in [0] : vector<16xf32>, vector<16xi32> -> vector<16xf32>
      %max3A_250 = arith.maximumf %max3A_236, %gather3A_249 : vector<16xf32>
      %xor3A_251 = arith.constant 4 : i32
      %xor3A_252 = vector.broadcast %xor3A_251 : i32 to vector<16xi32>
      %xor3A_253 = arith.xori %iota3A, %xor3A_252 : vector<16xi32>
      %lt3A_254 = arith.constant 0 : i32
      %lt3A_255 = vector.broadcast %lt3A_254 : i32 to vector<16xi32>
      %lt3A_256 = arith.cmpi slt, %xor3A_253, %lt3A_255 : vector<16xi32>
      %add3A_257 = arith.constant 16 : i32
      %add3A_258 = vector.broadcast %add3A_257 : i32 to vector<16xi32>
      %add3A_259 = arith.addi %xor3A_253, %add3A_258 : vector<16xi32>
      %select_n3A_260 = arith.select %lt3A_256, %add3A_259, %xor3A_253 : vector<16xi1>, vector<16xi32>
      %broadcast_in_dim3A_261 = vector.shape_cast %select_n3A_260 : vector<16xi32> to vector<16x1xi32>
      %gather3A_262 = vector.shape_cast %broadcast_in_dim3A_261 : vector<16x1xi32> to vector<16xi32>
      %gather3A_263 = tpu.dynamic_gather %max3A_250[%gather3A_262] in [0] : vector<16xf32>, vector<16xi32> -> vector<16xf32>
      %max3A_264 = arith.maximumf %max3A_250, %gather3A_263 : vector<16xf32>
      %xor3A_265 = arith.constant 8 : i32
      %xor3A_266 = vector.broadcast %xor3A_265 : i32 to vector<16xi32>
      %xor3A_267 = arith.xori %iota3A, %xor3A_266 : vector<16xi32>
      %lt3A_268 = arith.constant 0 : i32
      %lt3A_269 = vector.broadcast %lt3A_268 : i32 to vector<16xi32>
      %lt3A_270 = arith.cmpi slt, %xor3A_267, %lt3A_269 : vector<16xi32>
      %add3A_271 = arith.constant 16 : i32
      %add3A_272 = vector.broadcast %add3A_271 : i32 to vector<16xi32>
      %add3A_273 = arith.addi %xor3A_267, %add3A_272 : vector<16xi32>
      %select_n3A_274 = arith.select %lt3A_270, %add3A_273, %xor3A_267 : vector<16xi1>, vector<16xi32>
      %broadcast_in_dim3A_275 = vector.shape_cast %select_n3A_274 : vector<16xi32> to vector<16x1xi32>
      %gather3A_276 = vector.shape_cast %broadcast_in_dim3A_275 : vector<16x1xi32> to vector<16xi32>
      %gather3A_277 = tpu.dynamic_gather %max3A_264[%gather3A_276] in [0] : vector<16xf32>, vector<16xi32> -> vector<16xf32>
      %max3A_278 = arith.maximumf %max3A_264, %gather3A_277 : vector<16xf32>
      %slice3A_279 = vector.extract_strided_slice %max3A_278 {offsets = [0], sizes = [1], strides = [1]} : vector<16xf32> to vector<1xf32>
      %squeeze3A_280 = vector.extract %slice3A_279[0] : f32 from vector<1xf32>
      %convert_element_type3A_281 = arith.fptosi %squeeze3A_280 : f32 to i32
      %broadcast_in_dim3A_282 = arith.constant 3.000000e+38 : f32
      %broadcast_in_dim3A_283 = vector.broadcast %broadcast_in_dim3A_282 : f32 to vector<16xf32>
      %neg3A = arith.constant 0.000000e+00 : f32
      %neg3A_284 = vector.broadcast %neg3A : f32 to vector<16xf32>
      %neg3A_285 = arith.subf %neg3A_284, %broadcast_in_dim3A_283 : vector<16xf32>
      %neg3A_286 = arith.constant 0.000000e+00 : f32
      %neg3A_287 = vector.broadcast %neg3A_286 : f32 to vector<16xf32>
      %neg3A_288 = arith.subf %neg3A_287, %broadcast_in_dim3A_283 : vector<16xf32>
      %while3A_289 = arith.constant 0 : i32
      %while3A_290 = arith.subi %convert_element_type3A_281, %while3A_289 : i32
      %while3A_291 = arith.addi %while3A_289, %while3A_290 : i32
      %while3A_292 = arith.constant 1 : i32
      %while3A_293 = arith.divsi %while3A_290, %while3A_292 : i32
      %while3A_294 = arith.muli %while3A_293, %while3A_292 : i32
      %while3A_295 = arith.addi %while3A_289, %while3A_294 : i32
      %while3A_296 = arith.constant 1 : i32
      %while3A_297:4 = scf.for %while3A_1069 = %while3A_289 to %while3A_295 step %while3A_296 iter_args(%while3A_1070 = %broadcast_in_dim3A_283, %while3A_1071 = %neg3A_285, %while3A_1072 = %broadcast_in_dim3A_283, %while3A_1073 = %neg3A_288) -> (vector<16xf32>, vector<16xf32>, vector<16xf32>, vector<16xf32>)  : i32 {
        %add3A_1074 = vector.broadcast %while3A_1069 : i32 to vector<16xi32>
        %add3A_1075 = arith.addi %add3A_226, %add3A_1074 : vector<16xi32>
        %lt3A_1076 = vector.broadcast %while3A_1069 : i32 to vector<16xi32>
        %lt3A_1077 = arith.cmpi slt, %lt3A_1076, %sub3A_222 : vector<16xi32>
        %jit3A_1078 = arith.constant 0 : i32
        %jit3A_1079 = arith.constant 16383 : i32
        %max3A_1080 = vector.broadcast %jit3A_1078 : i32 to vector<16xi32>
        %max3A_1081 = arith.maxsi %max3A_1080, %add3A_1075 : vector<16xi32>
        %min3A_1082 = vector.broadcast %jit3A_1079 : i32 to vector<16xi32>
        %min3A_1083 = arith.minsi %min3A_1082, %max3A_1081 : vector<16xi32>
        %gather3A_1084 = tpu.vector_load_idx %arg11[%min3A_1083] : memref<16384xf32, #tpu.memory_space<vmem>>[vector<16xi32>], vector<16xf32>,
        %gather3A_1085 = tpu.vector_load_idx %arg12[%min3A_1083] : memref<16384xf32, #tpu.memory_space<vmem>>[vector<16xi32>], vector<16xf32>,
        %jit3A_1086 = arith.constant 3.000000e+38 : f32
        %broadcast_in_dim3A_1087 = vector.broadcast %jit3A_1086 : f32 to vector<16xf32>
        %select_n3A_1088 = arith.select %lt3A_1077, %gather3A_1084, %broadcast_in_dim3A_1087 : vector<16xi1>, vector<16xf32>
        %min3A_1089 = arith.minimumf %while3A_1070, %select_n3A_1088 : vector<16xf32>
        %jit3A_1090 = arith.constant -3.000000e+38 : f32
        %broadcast_in_dim3A_1091 = vector.broadcast %jit3A_1090 : f32 to vector<16xf32>
        %select_n3A_1092 = arith.select %lt3A_1077, %gather3A_1084, %broadcast_in_dim3A_1091 : vector<16xi1>, vector<16xf32>
        %max3A_1093 = arith.maximumf %while3A_1071, %select_n3A_1092 : vector<16xf32>
        %jit3A_1094 = arith.constant 3.000000e+38 : f32
        %broadcast_in_dim3A_1095 = vector.broadcast %jit3A_1094 : f32 to vector<16xf32>
        %select_n3A_1096 = arith.select %lt3A_1077, %gather3A_1085, %broadcast_in_dim3A_1095 : vector<16xi1>, vector<16xf32>
        %min3A_1097 = arith.minimumf %while3A_1072, %select_n3A_1096 : vector<16xf32>
        %jit3A_1098 = arith.constant -3.000000e+38 : f32
        %broadcast_in_dim3A_1099 = vector.broadcast %jit3A_1098 : f32 to vector<16xf32>
        %select_n3A_1100 = arith.select %lt3A_1077, %gather3A_1085, %broadcast_in_dim3A_1099 : vector<16xi1>, vector<16xf32>
        %max3A_1101 = arith.maximumf %while3A_1073, %select_n3A_1100 : vector<16xf32>
        scf.yield %min3A_1089, %max3A_1093, %min3A_1097, %max3A_1101 : vector<16xf32>, vector<16xf32>, vector<16xf32>, vector<16xf32>
      }
      %while3A_298 = arith.constant 1 : i32
      %while3A_299:4 = scf.for %while3A_1069 = %while3A_295 to %while3A_291 step %while3A_298 iter_args(%while3A_1070 = %while3A_297#0, %while3A_1071 = %while3A_297#1, %while3A_1072 = %while3A_297#2, %while3A_1073 = %while3A_297#3) -> (vector<16xf32>, vector<16xf32>, vector<16xf32>, vector<16xf32>)  : i32 {
        %add3A_1074 = vector.broadcast %while3A_1069 : i32 to vector<16xi32>
        %add3A_1075 = arith.addi %add3A_226, %add3A_1074 : vector<16xi32>
        %lt3A_1076 = vector.broadcast %while3A_1069 : i32 to vector<16xi32>
        %lt3A_1077 = arith.cmpi slt, %lt3A_1076, %sub3A_222 : vector<16xi32>
        %jit3A_1078 = arith.constant 0 : i32
        %jit3A_1079 = arith.constant 16383 : i32
        %max3A_1080 = vector.broadcast %jit3A_1078 : i32 to vector<16xi32>
        %max3A_1081 = arith.maxsi %max3A_1080, %add3A_1075 : vector<16xi32>
        %min3A_1082 = vector.broadcast %jit3A_1079 : i32 to vector<16xi32>
        %min3A_1083 = arith.minsi %min3A_1082, %max3A_1081 : vector<16xi32>
        %gather3A_1084 = tpu.vector_load_idx %arg11[%min3A_1083] : memref<16384xf32, #tpu.memory_space<vmem>>[vector<16xi32>], vector<16xf32>,
        %gather3A_1085 = tpu.vector_load_idx %arg12[%min3A_1083] : memref<16384xf32, #tpu.memory_space<vmem>>[vector<16xi32>], vector<16xf32>,
        %jit3A_1086 = arith.constant 3.000000e+38 : f32
        %broadcast_in_dim3A_1087 = vector.broadcast %jit3A_1086 : f32 to vector<16xf32>
        %select_n3A_1088 = arith.select %lt3A_1077, %gather3A_1084, %broadcast_in_dim3A_1087 : vector<16xi1>, vector<16xf32>
        %min3A_1089 = arith.minimumf %while3A_1070, %select_n3A_1088 : vector<16xf32>
        %jit3A_1090 = arith.constant -3.000000e+38 : f32
        %broadcast_in_dim3A_1091 = vector.broadcast %jit3A_1090 : f32 to vector<16xf32>
        %select_n3A_1092 = arith.select %lt3A_1077, %gather3A_1084, %broadcast_in_dim3A_1091 : vector<16xi1>, vector<16xf32>
        %max3A_1093 = arith.maximumf %while3A_1071, %select_n3A_1092 : vector<16xf32>
        %jit3A_1094 = arith.constant 3.000000e+38 : f32
        %broadcast_in_dim3A_1095 = vector.broadcast %jit3A_1094 : f32 to vector<16xf32>
        %select_n3A_1096 = arith.select %lt3A_1077, %gather3A_1085, %broadcast_in_dim3A_1095 : vector<16xi1>, vector<16xf32>
        %min3A_1097 = arith.minimumf %while3A_1072, %select_n3A_1096 : vector<16xf32>
        %jit3A_1098 = arith.constant -3.000000e+38 : f32
        %broadcast_in_dim3A_1099 = vector.broadcast %jit3A_1098 : f32 to vector<16xf32>
        %select_n3A_1100 = arith.select %lt3A_1077, %gather3A_1085, %broadcast_in_dim3A_1099 : vector<16xi1>, vector<16xf32>
        %max3A_1101 = arith.maximumf %while3A_1073, %select_n3A_1100 : vector<16xf32>
        scf.yield %min3A_1089, %max3A_1093, %min3A_1097, %max3A_1101 : vector<16xf32>, vector<16xf32>, vector<16xf32>, vector<16xf32>
      }
      %jit3A_300 = arith.constant 0.000000e+00 : f32
      %jit3A_301 = arith.constant 1.000000e+00 : f32
      %max3A_302 = vector.broadcast %jit3A_300 : f32 to vector<16xf32>
      %max3A_303 = arith.maximumf %max3A_302, %while3A_299#0 : vector<16xf32>
      %min3A_304 = vector.broadcast %jit3A_301 : f32 to vector<16xf32>
      %min3A_305 = arith.minimumf %min3A_304, %max3A_303 : vector<16xf32>
      %jit3A_306 = arith.constant 0.000000e+00 : f32
      %jit3A_307 = arith.constant 1.000000e+00 : f32
      %max3A_308 = vector.broadcast %jit3A_306 : f32 to vector<16xf32>
      %max3A_309 = arith.maximumf %max3A_308, %while3A_299#1 : vector<16xf32>
      %min3A_310 = vector.broadcast %jit3A_307 : f32 to vector<16xf32>
      %min3A_311 = arith.minimumf %min3A_310, %max3A_309 : vector<16xf32>
      %jit3A_312 = arith.constant 0.000000e+00 : f32
      %jit3A_313 = arith.constant 1.000000e+00 : f32
      %max3A_314 = vector.broadcast %jit3A_312 : f32 to vector<16xf32>
      %max3A_315 = arith.maximumf %max3A_314, %while3A_299#2 : vector<16xf32>
      %min3A_316 = vector.broadcast %jit3A_313 : f32 to vector<16xf32>
      %min3A_317 = arith.minimumf %min3A_316, %max3A_315 : vector<16xf32>
      %jit3A_318 = arith.constant 0.000000e+00 : f32
      %jit3A_319 = arith.constant 1.000000e+00 : f32
      %max3A_320 = vector.broadcast %jit3A_318 : f32 to vector<16xf32>
      %max3A_321 = arith.maximumf %max3A_320, %while3A_299#3 : vector<16xf32>
      %min3A_322 = vector.broadcast %jit3A_319 : f32 to vector<16xf32>
      %min3A_323 = arith.minimumf %min3A_322, %max3A_321 : vector<16xf32>
      %broadcast_in_dim3A_324 = arith.constant 1.000000e+00 : f32
      %broadcast_in_dim3A_325 = vector.broadcast %broadcast_in_dim3A_324 : f32 to vector<16xf32>
      %eq3A = arith.constant 4 : i32
      %eq3A_326 = vector.broadcast %eq3A : i32 to vector<16xi32>
      %eq3A_327 = arith.cmpi eq, %sub3A_222, %eq3A_326 : vector<16xi32>
      %jit3A_328 = arith.constant 1.082800e+00 : f32
      %broadcast_in_dim3A_329 = vector.broadcast %jit3A_328 : f32 to vector<16xf32>
      %select_n3A_330 = arith.select %eq3A_327, %broadcast_in_dim3A_329, %broadcast_in_dim3A_325 : vector<16xi1>, vector<16xf32>
      %eq3A_331 = arith.constant 5 : i32
      %eq3A_332 = vector.broadcast %eq3A_331 : i32 to vector<16xi32>
      %eq3A_333 = arith.cmpi eq, %sub3A_222, %eq3A_332 : vector<16xi32>
      %jit3A_334 = arith.constant 1.153600e+00 : f32
      %broadcast_in_dim3A_335 = vector.broadcast %jit3A_334 : f32 to vector<16xf32>
      %select_n3A_336 = arith.select %eq3A_333, %broadcast_in_dim3A_335, %select_n3A_330 : vector<16xi1>, vector<16xf32>
      %eq3A_337 = arith.constant 6 : i32
      %eq3A_338 = vector.broadcast %eq3A_337 : i32 to vector<16xi32>
      %eq3A_339 = arith.cmpi eq, %sub3A_222, %eq3A_338 : vector<16xi32>
      %jit3A_340 = arith.constant 1.220600e+00 : f32
      %broadcast_in_dim3A_341 = vector.broadcast %jit3A_340 : f32 to vector<16xf32>
      %select_n3A_342 = arith.select %eq3A_339, %broadcast_in_dim3A_341, %select_n3A_336 : vector<16xi1>, vector<16xf32>
      %eq3A_343 = arith.constant 7 : i32
      %eq3A_344 = vector.broadcast %eq3A_343 : i32 to vector<16xi32>
      %eq3A_345 = arith.cmpi eq, %sub3A_222, %eq3A_344 : vector<16xi32>
      %jit3A_346 = arith.constant 1.282300e+00 : f32
      %broadcast_in_dim3A_347 = vector.broadcast %jit3A_346 : f32 to vector<16xf32>
      %select_n3A_348 = arith.select %eq3A_345, %broadcast_in_dim3A_347, %select_n3A_342 : vector<16xi1>, vector<16xf32>
      %eq3A_349 = arith.constant 8 : i32
      %eq3A_350 = vector.broadcast %eq3A_349 : i32 to vector<16xi32>
      %eq3A_351 = arith.cmpi eq, %sub3A_222, %eq3A_350 : vector<16xi32>
      %jit3A_352 = arith.constant 1.338500e+00 : f32
      %broadcast_in_dim3A_353 = vector.broadcast %jit3A_352 : f32 to vector<16xf32>
      %select_n3A_354 = arith.select %eq3A_351, %broadcast_in_dim3A_353, %select_n3A_348 : vector<16xi1>, vector<16xf32>
      %eq3A_355 = arith.constant 9 : i32
      %eq3A_356 = vector.broadcast %eq3A_355 : i32 to vector<16xi32>
      %eq3A_357 = arith.cmpi eq, %sub3A_222, %eq3A_356 : vector<16xi32>
      %jit3A_358 = arith.constant 1.399100e+00 : f32
      %broadcast_in_dim3A_359 = vector.broadcast %jit3A_358 : f32 to vector<16xf32>
      %select_n3A_360 = arith.select %eq3A_357, %broadcast_in_dim3A_359, %select_n3A_354 : vector<16xi1>, vector<16xf32>
      %eq3A_361 = arith.constant 10 : i32
      %eq3A_362 = vector.broadcast %eq3A_361 : i32 to vector<16xi32>
      %eq3A_363 = arith.cmpi eq, %sub3A_222, %eq3A_362 : vector<16xi32>
      %jit3A_364 = arith.constant 1.449300e+00 : f32
      %broadcast_in_dim3A_365 = vector.broadcast %jit3A_364 : f32 to vector<16xf32>
      %select_n3A_366 = arith.select %eq3A_363, %broadcast_in_dim3A_365, %select_n3A_360 : vector<16xi1>, vector<16xf32>
      %ge3A = arith.constant 11 : i32
      %ge3A_367 = vector.broadcast %ge3A : i32 to vector<16xi32>
      %ge3A_368 = arith.cmpi sge, %sub3A_222, %ge3A_367 : vector<16xi32>
      %le3A = arith.constant 15 : i32
      %le3A_369 = vector.broadcast %le3A : i32 to vector<16xi32>
      %le3A_370 = arith.cmpi sle, %sub3A_222, %le3A_369 : vector<16xi32>
      %and3A_371 = arith.andi %ge3A_368, %le3A_370 : vector<16xi1>
      %jit3A_372 = arith.constant 1.689900e+00 : f32
      %broadcast_in_dim3A_373 = vector.broadcast %jit3A_372 : f32 to vector<16xf32>
      %select_n3A_374 = arith.select %and3A_371, %broadcast_in_dim3A_373, %select_n3A_366 : vector<16xi1>, vector<16xf32>
      %ge3A_375 = arith.constant 16 : i32
      %ge3A_376 = vector.broadcast %ge3A_375 : i32 to vector<16xi32>
      %ge3A_377 = arith.cmpi sge, %sub3A_222, %ge3A_376 : vector<16xi32>
      %le3A_378 = arith.constant 20 : i32
      %le3A_379 = vector.broadcast %le3A_378 : i32 to vector<16xi32>
      %le3A_380 = arith.cmpi sle, %sub3A_222, %le3A_379 : vector<16xi32>
      %and3A_381 = arith.andi %ge3A_377, %le3A_380 : vector<16xi1>
      %jit3A_382 = arith.constant 1.892400e+00 : f32
      %broadcast_in_dim3A_383 = vector.broadcast %jit3A_382 : f32 to vector<16xf32>
      %select_n3A_384 = arith.select %and3A_381, %broadcast_in_dim3A_383, %select_n3A_374 : vector<16xi1>, vector<16xf32>
      %ge3A_385 = arith.constant 21 : i32
      %ge3A_386 = vector.broadcast %ge3A_385 : i32 to vector<16xi32>
      %ge3A_387 = arith.cmpi sge, %sub3A_222, %ge3A_386 : vector<16xi32>
      %le3A_388 = arith.constant 25 : i32
      %le3A_389 = vector.broadcast %le3A_388 : i32 to vector<16xi32>
      %le3A_390 = arith.cmpi sle, %sub3A_222, %le3A_389 : vector<16xi32>
      %and3A_391 = arith.andi %ge3A_387, %le3A_390 : vector<16xi1>
      %jit3A_392 = arith.constant 2.074300e+00 : f32
      %broadcast_in_dim3A_393 = vector.broadcast %jit3A_392 : f32 to vector<16xf32>
      %select_n3A_394 = arith.select %and3A_391, %broadcast_in_dim3A_393, %select_n3A_384 : vector<16xi1>, vector<16xf32>
      %ge3A_395 = arith.constant 26 : i32
      %ge3A_396 = vector.broadcast %ge3A_395 : i32 to vector<16xi32>
      %ge3A_397 = arith.cmpi sge, %sub3A_222, %ge3A_396 : vector<16xi32>
      %le3A_398 = arith.constant 30 : i32
      %le3A_399 = vector.broadcast %le3A_398 : i32 to vector<16xi32>
      %le3A_400 = arith.cmpi sle, %sub3A_222, %le3A_399 : vector<16xi32>
      %and3A_401 = arith.andi %ge3A_397, %le3A_400 : vector<16xi1>
      %jit3A_402 = arith.constant 2.233400e+00 : f32
      %broadcast_in_dim3A_403 = vector.broadcast %jit3A_402 : f32 to vector<16xf32>
      %select_n3A_404 = arith.select %and3A_401, %broadcast_in_dim3A_403, %select_n3A_394 : vector<16xi1>, vector<16xf32>
      %ge3A_405 = arith.constant 31 : i32
      %ge3A_406 = vector.broadcast %ge3A_405 : i32 to vector<16xi32>
      %ge3A_407 = arith.cmpi sge, %sub3A_222, %ge3A_406 : vector<16xi32>
      %jit3A_408 = arith.constant 2.389200e+00 : f32
      %broadcast_in_dim3A_409 = vector.broadcast %jit3A_408 : f32 to vector<16xf32>
      %select_n3A_410 = arith.select %ge3A_407, %broadcast_in_dim3A_409, %select_n3A_404 : vector<16xi1>, vector<16xf32>
      %get3A_411 = arith.index_cast %mul3A_215 : i32 to index
      %get3A_412 = tpu.vector_load %arg8[%get3A_411] {strides = array<i32>} : memref<1568xf32, #tpu.memory_space<vmem>>, vector<16xf32>,
      %mul3A_413 = arith.mulf %select_n3A_410, %get3A_412 : vector<16xf32>
      %gt3A = arith.constant 0 : i32
      %gt3A_414 = vector.broadcast %gt3A : i32 to vector<16xi32>
      %gt3A_415 = arith.cmpi sgt, %sub3A_222, %gt3A_414 : vector<16xi32>
      %jit3A_416 = arith.constant 0.000000e+00 : f32
      %broadcast_in_dim3A_417 = vector.broadcast %jit3A_416 : f32 to vector<16xf32>
      %select_n3A_418 = arith.select %gt3A_415, %mul3A_413, %broadcast_in_dim3A_417 : vector<16xi1>, vector<16xf32>
      %sub3A_419 = arith.subf %min3A_311, %min3A_305 : vector<16xf32>
      %sub3A_420 = arith.subf %min3A_323, %min3A_317 : vector<16xf32>
      %gt3A_421 = arith.constant 0.000000e+00 : f32
      %gt3A_422 = vector.broadcast %gt3A_421 : f32 to vector<16xf32>
      %gt3A_423 = arith.cmpf ogt, %sub3A_420, %gt3A_422 : vector<16xf32>
      %mul3A_424 = arith.constant 1.52587891E-5 : f32
      %mul3A_425 = vector.broadcast %mul3A_424 : f32 to vector<16xf32>
      %mul3A_426 = arith.mulf %select_n3A_418, %mul3A_425 : vector<16xf32>
      %gt3A_427 = arith.constant 0.000000e+00 : f32
      %gt3A_428 = vector.broadcast %gt3A_427 : f32 to vector<16xf32>
      %gt3A_429 = arith.cmpf ogt, %sub3A_420, %gt3A_428 : vector<16xf32>
      %jit3A_430 = arith.constant 1.000000e+00 : f32
      %broadcast_in_dim3A_431 = vector.broadcast %jit3A_430 : f32 to vector<16xf32>
      %select_n3A_432 = arith.select %gt3A_429, %sub3A_420, %broadcast_in_dim3A_431 : vector<16xi1>, vector<16xf32>
      %div3A_433 = arith.divf %mul3A_426, %select_n3A_432 : vector<16xf32>
      %jit3A_434 = arith.constant 0.000000e+00 : f32
      %broadcast_in_dim3A_435 = vector.broadcast %jit3A_434 : f32 to vector<16xf32>
      %select_n3A_436 = arith.select %gt3A_423, %div3A_433, %broadcast_in_dim3A_435 : vector<16xi1>, vector<16xf32>
      %gt3A_437 = arith.constant 0.000000e+00 : f32
      %gt3A_438 = vector.broadcast %gt3A_437 : f32 to vector<16xf32>
      %gt3A_439 = arith.cmpf ogt, %sub3A_419, %gt3A_438 : vector<16xf32>
      %mul3A_440 = arith.constant 1.52587891E-5 : f32
      %mul3A_441 = vector.broadcast %mul3A_440 : f32 to vector<16xf32>
      %mul3A_442 = arith.mulf %select_n3A_418, %mul3A_441 : vector<16xf32>
      %gt3A_443 = arith.constant 0.000000e+00 : f32
      %gt3A_444 = vector.broadcast %gt3A_443 : f32 to vector<16xf32>
      %gt3A_445 = arith.cmpf ogt, %sub3A_419, %gt3A_444 : vector<16xf32>
      %jit3A_446 = arith.constant 1.000000e+00 : f32
      %broadcast_in_dim3A_447 = vector.broadcast %jit3A_446 : f32 to vector<16xf32>
      %select_n3A_448 = arith.select %gt3A_445, %sub3A_419, %broadcast_in_dim3A_447 : vector<16xi1>, vector<16xf32>
      %div3A_449 = arith.divf %mul3A_442, %select_n3A_448 : vector<16xf32>
      %jit3A_450 = arith.constant 0.000000e+00 : f32
      %broadcast_in_dim3A_451 = vector.broadcast %jit3A_450 : f32 to vector<16xf32>
      %select_n3A_452 = arith.select %gt3A_439, %div3A_449, %broadcast_in_dim3A_451 : vector<16xi1>, vector<16xf32>
      %mul3A_453 = arith.constant 2.560000e+02 : f32
      %mul3A_454 = vector.broadcast %mul3A_453 : f32 to vector<16xf32>
      %mul3A_455 = arith.mulf %min3A_305, %mul3A_454 : vector<16xf32>
      %mul3A_456 = arith.constant 2.560000e+02 : f32
      %mul3A_457 = vector.broadcast %mul3A_456 : f32 to vector<16xf32>
      %mul3A_458 = arith.mulf %min3A_311, %mul3A_457 : vector<16xf32>
      %convert_element_type3A_459 = arith.fptosi %mul3A_455 : vector<16xf32> to vector<16xi32>
      %convert_element_type3A_460 = arith.fptosi %mul3A_458 : vector<16xf32> to vector<16xi32>
      %convert_element_type3A_461 = arith.sitofp %convert_element_type3A_459 : vector<16xi32> to vector<16xf32>
      %sub3A_462 = arith.subf %mul3A_455, %convert_element_type3A_461 : vector<16xf32>
      %convert_element_type3A_463 = arith.sitofp %convert_element_type3A_460 : vector<16xi32> to vector<16xf32>
      %sub3A_464 = arith.subf %mul3A_458, %convert_element_type3A_463 : vector<16xf32>
      %mul3A_465 = arith.constant 2.560000e+02 : f32
      %mul3A_466 = vector.broadcast %mul3A_465 : f32 to vector<16xf32>
      %mul3A_467 = arith.mulf %min3A_317, %mul3A_466 : vector<16xf32>
      %mul3A_468 = arith.constant 2.560000e+02 : f32
      %mul3A_469 = vector.broadcast %mul3A_468 : f32 to vector<16xf32>
      %mul3A_470 = arith.mulf %min3A_323, %mul3A_469 : vector<16xf32>
      %convert_element_type3A_471 = arith.fptosi %mul3A_467 : vector<16xf32> to vector<16xi32>
      %convert_element_type3A_472 = arith.fptosi %mul3A_470 : vector<16xf32> to vector<16xi32>
      %convert_element_type3A_473 = arith.sitofp %convert_element_type3A_471 : vector<16xi32> to vector<16xf32>
      %sub3A_474 = arith.subf %mul3A_467, %convert_element_type3A_473 : vector<16xf32>
      %convert_element_type3A_475 = arith.sitofp %convert_element_type3A_472 : vector<16xi32> to vector<16xf32>
      %sub3A_476 = arith.subf %mul3A_470, %convert_element_type3A_475 : vector<16xf32>
      %add3A_477 = arith.constant 1 : i32
      %add3A_478 = vector.broadcast %add3A_477 : i32 to vector<16xi32>
      %add3A_479 = arith.addi %convert_element_type3A_459, %add3A_478 : vector<16xi32>
      %add3A_480 = arith.constant 1 : i32
      %add3A_481 = vector.broadcast %add3A_480 : i32 to vector<16xi32>
      %add3A_482 = arith.addi %convert_element_type3A_460, %add3A_481 : vector<16xi32>
      %sub3A_483 = arith.constant 1.000000e+00 : f32
      %sub3A_484 = vector.broadcast %sub3A_483 : f32 to vector<16xf32>
      %sub3A_485 = arith.subf %sub3A_484, %sub3A_462 : vector<16xf32>
      %sub3A_486 = arith.constant 1.000000e+00 : f32
      %sub3A_487 = vector.broadcast %sub3A_486 : f32 to vector<16xf32>
      %sub3A_488 = arith.subf %sub3A_464, %sub3A_487 : vector<16xf32>
      %neg3A_489 = arith.constant 0.000000e+00 : f32
      %neg3A_490 = vector.broadcast %neg3A_489 : f32 to vector<16xf32>
      %neg3A_491 = arith.subf %neg3A_490, %sub3A_464 : vector<16xf32>
      %add3A_492 = arith.constant 1 : i32
      %add3A_493 = vector.broadcast %add3A_492 : i32 to vector<16xi32>
      %add3A_494 = arith.addi %convert_element_type3A_471, %add3A_493 : vector<16xi32>
      %add3A_495 = arith.constant 1 : i32
      %add3A_496 = vector.broadcast %add3A_495 : i32 to vector<16xi32>
      %add3A_497 = arith.addi %convert_element_type3A_472, %add3A_496 : vector<16xi32>
      %sub3A_498 = arith.constant 1.000000e+00 : f32
      %sub3A_499 = vector.broadcast %sub3A_498 : f32 to vector<16xf32>
      %sub3A_500 = arith.subf %sub3A_499, %sub3A_474 : vector<16xf32>
      %sub3A_501 = arith.constant 1.000000e+00 : f32
      %sub3A_502 = vector.broadcast %sub3A_501 : f32 to vector<16xf32>
      %sub3A_503 = arith.subf %sub3A_476, %sub3A_502 : vector<16xf32>
      %neg3A_504 = arith.constant 0.000000e+00 : f32
      %neg3A_505 = vector.broadcast %neg3A_504 : f32 to vector<16xf32>
      %neg3A_506 = arith.subf %neg3A_505, %sub3A_476 : vector<16xf32>
      %and3A_507 = arith.constant 7 : i32
      %and3A_508 = arith.andi %while3A_212, %and3A_507 : i32
      %mul3A_509 = arith.constant 2 : i32
      %mul3A_510 = arith.muli %and3A_508, %mul3A_509 : i32
      %ge3A_511 = arith.constant 8 : i32
      %ge3A_512 = arith.cmpi sge, %while3A_212, %ge3A_511 : i32
      %convert_element_type3A_513 = arith.extui %ge3A_512 : i1 to i32
      %cond3A = arith.constant 0 : i32
      %cond3A_514 = arith.cmpi ne, %convert_element_type3A_513, %cond3A : i32
      scf.if %cond3A_514 {
        %dma_wait3A_1069 = arith.constant 0 : i32
        %dma_wait3A_1070 = tpu.memref_slice %arg16[%dma_wait3A_1069] : memref<4096xf32, #tpu.memory_space<vmem>> -> memref<512xf32, #tpu.memory_space<vmem>>
        %dma_wait3A_1071 = arith.constant 0 : i32
        %dma_wait3A_1072 = tpu.memref_slice %arg2[%dma_wait3A_1071] : memref<400384xf32, #tpu.memory_space<hbm>> -> memref<512xf32, #tpu.memory_space<hbm>>
        %dma_wait3A_1073 = arith.constant 0 : i32
        %dma_wait3A_1074 = tpu.memref_slice %arg16[%dma_wait3A_1073] : memref<4096xf32, #tpu.memory_space<vmem>> -> memref<512xf32, #tpu.memory_space<vmem>>
        %dma_wait3A_1075 = arith.constant 0 : i32
        %dma_wait3A_1076 = tpu.memref_slice %arg2[%dma_wait3A_1075] : memref<400384xf32, #tpu.memory_space<hbm>> -> memref<512xf32, #tpu.memory_space<hbm>>
        tpu.wait_dma2 semaphore(%arg22 : memref<!tpu.dma_semaphore, #tpu.memory_space<semaphore_mem>>) src(%dma_wait3A_1076 : memref<512xf32, #tpu.memory_space<hbm>>) dst(%dma_wait3A_1074 : memref<512xf32, #tpu.memory_space<vmem>>)
      } else {
      }
      %lt3A_515 = arith.constant 256 : i32
      %lt3A_516 = vector.broadcast %lt3A_515 : i32 to vector<16xi32>
      %lt3A_517 = arith.cmpi slt, %convert_element_type3A_459, %lt3A_516 : vector<16xi32>
      %lt3A_518 = arith.constant 256 : i32
      %lt3A_519 = vector.broadcast %lt3A_518 : i32 to vector<16xi32>
      %lt3A_520 = arith.cmpi slt, %convert_element_type3A_471, %lt3A_519 : vector<16xi32>
      %and3A_521 = arith.andi %lt3A_517, %lt3A_520 : vector<16xi1>
      %mul3A_522 = arith.mulf %sub3A_485, %sub3A_500 : vector<16xf32>
      %jit3A_523 = arith.constant 0.000000e+00 : f32
      %broadcast_in_dim3A_524 = vector.broadcast %jit3A_523 : f32 to vector<16xf32>
      %select_n3A_525 = arith.select %and3A_521, %mul3A_522, %broadcast_in_dim3A_524 : vector<16xi1>, vector<16xf32>
      %mul3A_526 = arith.constant 256 : i32
      %mul3A_527 = vector.broadcast %mul3A_526 : i32 to vector<16xi32>
      %mul3A_528 = arith.muli %convert_element_type3A_459, %mul3A_527 : vector<16xi32>
      %add3A_529 = arith.addi %mul3A_528, %convert_element_type3A_471 : vector<16xi32>
      %jit3A_530 = arith.constant 0 : i32
      %jit3A_531 = arith.constant 65535 : i32
      %max3A_532 = vector.broadcast %jit3A_530 : i32 to vector<16xi32>
      %max3A_533 = arith.maxsi %max3A_532, %add3A_529 : vector<16xi32>
      %min3A_534 = vector.broadcast %jit3A_531 : i32 to vector<16xi32>
      %min3A_535 = arith.minsi %min3A_534, %max3A_533 : vector<16xi32>
      %add3A_536 = arith.constant 0 : i32
      %add3A_537 = arith.addi %mul3A_510, %add3A_536 : i32
      %swap3A = arith.index_cast %add3A_537 : i32 to index
      %swap3A_538 = arith.constant 0 : index
      %swap3A_539 = tpu.vector_load %arg13[%swap3A, %swap3A_538] {strides = array<i32>} : memref<16x128xi32, #tpu.memory_space<vmem>>, vector<16xi32>,
      tpu.vector_store %arg13[%swap3A, %swap3A_538], %min3A_535 {strides = array<i32>} : memref<16x128xi32, #tpu.memory_space<vmem>>, vector<16xi32>,
      %mul3A_540 = arith.mulf %select_n3A_436, %select_n3A_525 : vector<16xf32>
      %swap3A_541 = arith.index_cast %add3A_537 : i32 to index
      %swap3A_542 = arith.constant 0 : index
      %swap3A_543 = tpu.vector_load %arg14[%swap3A_541, %swap3A_542] {strides = array<i32>} : memref<16x128xf32, #tpu.memory_space<vmem>>, vector<16xf32>,
      tpu.vector_store %arg14[%swap3A_541, %swap3A_542], %mul3A_540 {strides = array<i32>} : memref<16x128xf32, #tpu.memory_space<vmem>>, vector<16xf32>,
      %mul3A_544 = arith.mulf %select_n3A_452, %select_n3A_525 : vector<16xf32>
      %swap3A_545 = arith.index_cast %add3A_537 : i32 to index
      %swap3A_546 = arith.constant 0 : index
      %swap3A_547 = tpu.vector_load %arg15[%swap3A_545, %swap3A_546] {strides = array<i32>} : memref<16x128xf32, #tpu.memory_space<vmem>>, vector<16xf32>,
      tpu.vector_store %arg15[%swap3A_545, %swap3A_546], %mul3A_544 {strides = array<i32>} : memref<16x128xf32, #tpu.memory_space<vmem>>, vector<16xf32>,
      %lt3A_548 = arith.constant 256 : i32
      %lt3A_549 = vector.broadcast %lt3A_548 : i32 to vector<16xi32>
      %lt3A_550 = arith.cmpi slt, %convert_element_type3A_459, %lt3A_549 : vector<16xi32>
      %lt3A_551 = arith.constant 256 : i32
      %lt3A_552 = vector.broadcast %lt3A_551 : i32 to vector<16xi32>
      %lt3A_553 = arith.cmpi slt, %add3A_494, %lt3A_552 : vector<16xi32>
      %and3A_554 = arith.andi %lt3A_550, %lt3A_553 : vector<16xi1>
      %mul3A_555 = arith.mulf %sub3A_485, %sub3A_474 : vector<16xf32>
      %jit3A_556 = arith.constant 0.000000e+00 : f32
      %broadcast_in_dim3A_557 = vector.broadcast %jit3A_556 : f32 to vector<16xf32>
      %select_n3A_558 = arith.select %and3A_554, %mul3A_555, %broadcast_in_dim3A_557 : vector<16xi1>, vector<16xf32>
      %mul3A_559 = arith.constant 256 : i32
      %mul3A_560 = vector.broadcast %mul3A_559 : i32 to vector<16xi32>
      %mul3A_561 = arith.muli %convert_element_type3A_459, %mul3A_560 : vector<16xi32>
      %add3A_562 = arith.addi %mul3A_561, %add3A_494 : vector<16xi32>
      %jit3A_563 = arith.constant 0 : i32
      %jit3A_564 = arith.constant 65535 : i32
      %max3A_565 = vector.broadcast %jit3A_563 : i32 to vector<16xi32>
      %max3A_566 = arith.maxsi %max3A_565, %add3A_562 : vector<16xi32>
      %min3A_567 = vector.broadcast %jit3A_564 : i32 to vector<16xi32>
      %min3A_568 = arith.minsi %min3A_567, %max3A_566 : vector<16xi32>
      %add3A_569 = arith.constant 0 : i32
      %add3A_570 = arith.addi %mul3A_510, %add3A_569 : i32
      %swap3A_571 = arith.index_cast %add3A_570 : i32 to index
      %swap3A_572 = arith.constant 16 : index
      %swap3A_573 = tpu.vector_load %arg13[%swap3A_571, %swap3A_572] {strides = array<i32>} : memref<16x128xi32, #tpu.memory_space<vmem>>, vector<16xi32>,
      tpu.vector_store %arg13[%swap3A_571, %swap3A_572], %min3A_568 {strides = array<i32>} : memref<16x128xi32, #tpu.memory_space<vmem>>, vector<16xi32>,
      %mul3A_574 = arith.mulf %select_n3A_436, %select_n3A_558 : vector<16xf32>
      %swap3A_575 = arith.index_cast %add3A_570 : i32 to index
      %swap3A_576 = arith.constant 16 : index
      %swap3A_577 = tpu.vector_load %arg14[%swap3A_575, %swap3A_576] {strides = array<i32>} : memref<16x128xf32, #tpu.memory_space<vmem>>, vector<16xf32>,
      tpu.vector_store %arg14[%swap3A_575, %swap3A_576], %mul3A_574 {strides = array<i32>} : memref<16x128xf32, #tpu.memory_space<vmem>>, vector<16xf32>,
      %mul3A_578 = arith.mulf %select_n3A_452, %select_n3A_558 : vector<16xf32>
      %swap3A_579 = arith.index_cast %add3A_570 : i32 to index
      %swap3A_580 = arith.constant 16 : index
      %swap3A_581 = tpu.vector_load %arg15[%swap3A_579, %swap3A_580] {strides = array<i32>} : memref<16x128xf32, #tpu.memory_space<vmem>>, vector<16xf32>,
      tpu.vector_store %arg15[%swap3A_579, %swap3A_580], %mul3A_578 {strides = array<i32>} : memref<16x128xf32, #tpu.memory_space<vmem>>, vector<16xf32>,
      %lt3A_582 = arith.constant 256 : i32
      %lt3A_583 = vector.broadcast %lt3A_582 : i32 to vector<16xi32>
      %lt3A_584 = arith.cmpi slt, %convert_element_type3A_459, %lt3A_583 : vector<16xi32>
      %lt3A_585 = arith.constant 256 : i32
      %lt3A_586 = vector.broadcast %lt3A_585 : i32 to vector<16xi32>
      %lt3A_587 = arith.cmpi slt, %convert_element_type3A_472, %lt3A_586 : vector<16xi32>
      %and3A_588 = arith.andi %lt3A_584, %lt3A_587 : vector<16xi1>
      %mul3A_589 = arith.mulf %sub3A_485, %sub3A_503 : vector<16xf32>
      %jit3A_590 = arith.constant 0.000000e+00 : f32
      %broadcast_in_dim3A_591 = vector.broadcast %jit3A_590 : f32 to vector<16xf32>
      %select_n3A_592 = arith.select %and3A_588, %mul3A_589, %broadcast_in_dim3A_591 : vector<16xi1>, vector<16xf32>
      %mul3A_593 = arith.constant 256 : i32
      %mul3A_594 = vector.broadcast %mul3A_593 : i32 to vector<16xi32>
      %mul3A_595 = arith.muli %convert_element_type3A_459, %mul3A_594 : vector<16xi32>
      %add3A_596 = arith.addi %mul3A_595, %convert_element_type3A_472 : vector<16xi32>
      %jit3A_597 = arith.constant 0 : i32
      %jit3A_598 = arith.constant 65535 : i32
      %max3A_599 = vector.broadcast %jit3A_597 : i32 to vector<16xi32>
      %max3A_600 = arith.maxsi %max3A_599, %add3A_596 : vector<16xi32>
      %min3A_601 = vector.broadcast %jit3A_598 : i32 to vector<16xi32>
      %min3A_602 = arith.minsi %min3A_601, %max3A_600 : vector<16xi32>
      %add3A_603 = arith.constant 0 : i32
      %add3A_604 = arith.addi %mul3A_510, %add3A_603 : i32
      %swap3A_605 = arith.index_cast %add3A_604 : i32 to index
      %swap3A_606 = arith.constant 32 : index
      %swap3A_607 = tpu.vector_load %arg13[%swap3A_605, %swap3A_606] {strides = array<i32>} : memref<16x128xi32, #tpu.memory_space<vmem>>, vector<16xi32>,
      tpu.vector_store %arg13[%swap3A_605, %swap3A_606], %min3A_602 {strides = array<i32>} : memref<16x128xi32, #tpu.memory_space<vmem>>, vector<16xi32>,
      %mul3A_608 = arith.mulf %select_n3A_436, %select_n3A_592 : vector<16xf32>
      %swap3A_609 = arith.index_cast %add3A_604 : i32 to index
      %swap3A_610 = arith.constant 32 : index
      %swap3A_611 = tpu.vector_load %arg14[%swap3A_609, %swap3A_610] {strides = array<i32>} : memref<16x128xf32, #tpu.memory_space<vmem>>, vector<16xf32>,
      tpu.vector_store %arg14[%swap3A_609, %swap3A_610], %mul3A_608 {strides = array<i32>} : memref<16x128xf32, #tpu.memory_space<vmem>>, vector<16xf32>,
      %mul3A_612 = arith.mulf %select_n3A_452, %select_n3A_592 : vector<16xf32>
      %swap3A_613 = arith.index_cast %add3A_604 : i32 to index
      %swap3A_614 = arith.constant 32 : index
      %swap3A_615 = tpu.vector_load %arg15[%swap3A_613, %swap3A_614] {strides = array<i32>} : memref<16x128xf32, #tpu.memory_space<vmem>>, vector<16xf32>,
      tpu.vector_store %arg15[%swap3A_613, %swap3A_614], %mul3A_612 {strides = array<i32>} : memref<16x128xf32, #tpu.memory_space<vmem>>, vector<16xf32>,
      %lt3A_616 = arith.constant 256 : i32
      %lt3A_617 = vector.broadcast %lt3A_616 : i32 to vector<16xi32>
      %lt3A_618 = arith.cmpi slt, %convert_element_type3A_459, %lt3A_617 : vector<16xi32>
      %lt3A_619 = arith.constant 256 : i32
      %lt3A_620 = vector.broadcast %lt3A_619 : i32 to vector<16xi32>
      %lt3A_621 = arith.cmpi slt, %add3A_497, %lt3A_620 : vector<16xi32>
      %and3A_622 = arith.andi %lt3A_618, %lt3A_621 : vector<16xi1>
      %mul3A_623 = arith.mulf %sub3A_485, %neg3A_506 : vector<16xf32>
      %jit3A_624 = arith.constant 0.000000e+00 : f32
      %broadcast_in_dim3A_625 = vector.broadcast %jit3A_624 : f32 to vector<16xf32>
      %select_n3A_626 = arith.select %and3A_622, %mul3A_623, %broadcast_in_dim3A_625 : vector<16xi1>, vector<16xf32>
      %mul3A_627 = arith.constant 256 : i32
      %mul3A_628 = vector.broadcast %mul3A_627 : i32 to vector<16xi32>
      %mul3A_629 = arith.muli %convert_element_type3A_459, %mul3A_628 : vector<16xi32>
      %add3A_630 = arith.addi %mul3A_629, %add3A_497 : vector<16xi32>
      %jit3A_631 = arith.constant 0 : i32
      %jit3A_632 = arith.constant 65535 : i32
      %max3A_633 = vector.broadcast %jit3A_631 : i32 to vector<16xi32>
      %max3A_634 = arith.maxsi %max3A_633, %add3A_630 : vector<16xi32>
      %min3A_635 = vector.broadcast %jit3A_632 : i32 to vector<16xi32>
      %min3A_636 = arith.minsi %min3A_635, %max3A_634 : vector<16xi32>
      %add3A_637 = arith.constant 0 : i32
      %add3A_638 = arith.addi %mul3A_510, %add3A_637 : i32
      %swap3A_639 = arith.index_cast %add3A_638 : i32 to index
      %swap3A_640 = arith.constant 48 : index
      %swap3A_641 = tpu.vector_load %arg13[%swap3A_639, %swap3A_640] {strides = array<i32>} : memref<16x128xi32, #tpu.memory_space<vmem>>, vector<16xi32>,
      tpu.vector_store %arg13[%swap3A_639, %swap3A_640], %min3A_636 {strides = array<i32>} : memref<16x128xi32, #tpu.memory_space<vmem>>, vector<16xi32>,
      %mul3A_642 = arith.mulf %select_n3A_436, %select_n3A_626 : vector<16xf32>
      %swap3A_643 = arith.index_cast %add3A_638 : i32 to index
      %swap3A_644 = arith.constant 48 : index
      %swap3A_645 = tpu.vector_load %arg14[%swap3A_643, %swap3A_644] {strides = array<i32>} : memref<16x128xf32, #tpu.memory_space<vmem>>, vector<16xf32>,
      tpu.vector_store %arg14[%swap3A_643, %swap3A_644], %mul3A_642 {strides = array<i32>} : memref<16x128xf32, #tpu.memory_space<vmem>>, vector<16xf32>,
      %mul3A_646 = arith.mulf %select_n3A_452, %select_n3A_626 : vector<16xf32>
      %swap3A_647 = arith.index_cast %add3A_638 : i32 to index
      %swap3A_648 = arith.constant 48 : index
      %swap3A_649 = tpu.vector_load %arg15[%swap3A_647, %swap3A_648] {strides = array<i32>} : memref<16x128xf32, #tpu.memory_space<vmem>>, vector<16xf32>,
      tpu.vector_store %arg15[%swap3A_647, %swap3A_648], %mul3A_646 {strides = array<i32>} : memref<16x128xf32, #tpu.memory_space<vmem>>, vector<16xf32>,
      %lt3A_650 = arith.constant 256 : i32
      %lt3A_651 = vector.broadcast %lt3A_650 : i32 to vector<16xi32>
      %lt3A_652 = arith.cmpi slt, %add3A_479, %lt3A_651 : vector<16xi32>
      %lt3A_653 = arith.constant 256 : i32
      %lt3A_654 = vector.broadcast %lt3A_653 : i32 to vector<16xi32>
      %lt3A_655 = arith.cmpi slt, %convert_element_type3A_471, %lt3A_654 : vector<16xi32>
      %and3A_656 = arith.andi %lt3A_652, %lt3A_655 : vector<16xi1>
      %mul3A_657 = arith.mulf %sub3A_462, %sub3A_500 : vector<16xf32>
      %jit3A_658 = arith.constant 0.000000e+00 : f32
      %broadcast_in_dim3A_659 = vector.broadcast %jit3A_658 : f32 to vector<16xf32>
      %select_n3A_660 = arith.select %and3A_656, %mul3A_657, %broadcast_in_dim3A_659 : vector<16xi1>, vector<16xf32>
      %mul3A_661 = arith.constant 256 : i32
      %mul3A_662 = vector.broadcast %mul3A_661 : i32 to vector<16xi32>
      %mul3A_663 = arith.muli %add3A_479, %mul3A_662 : vector<16xi32>
      %add3A_664 = arith.addi %mul3A_663, %convert_element_type3A_471 : vector<16xi32>
      %jit3A_665 = arith.constant 0 : i32
      %jit3A_666 = arith.constant 65535 : i32
      %max3A_667 = vector.broadcast %jit3A_665 : i32 to vector<16xi32>
      %max3A_668 = arith.maxsi %max3A_667, %add3A_664 : vector<16xi32>
      %min3A_669 = vector.broadcast %jit3A_666 : i32 to vector<16xi32>
      %min3A_670 = arith.minsi %min3A_669, %max3A_668 : vector<16xi32>
      %add3A_671 = arith.constant 0 : i32
      %add3A_672 = arith.addi %mul3A_510, %add3A_671 : i32
      %swap3A_673 = arith.index_cast %add3A_672 : i32 to index
      %swap3A_674 = arith.constant 64 : index
      %swap3A_675 = tpu.vector_load %arg13[%swap3A_673, %swap3A_674] {strides = array<i32>} : memref<16x128xi32, #tpu.memory_space<vmem>>, vector<16xi32>,
      tpu.vector_store %arg13[%swap3A_673, %swap3A_674], %min3A_670 {strides = array<i32>} : memref<16x128xi32, #tpu.memory_space<vmem>>, vector<16xi32>,
      %mul3A_676 = arith.mulf %select_n3A_436, %select_n3A_660 : vector<16xf32>
      %swap3A_677 = arith.index_cast %add3A_672 : i32 to index
      %swap3A_678 = arith.constant 64 : index
      %swap3A_679 = tpu.vector_load %arg14[%swap3A_677, %swap3A_678] {strides = array<i32>} : memref<16x128xf32, #tpu.memory_space<vmem>>, vector<16xf32>,
      tpu.vector_store %arg14[%swap3A_677, %swap3A_678], %mul3A_676 {strides = array<i32>} : memref<16x128xf32, #tpu.memory_space<vmem>>, vector<16xf32>,
      %mul3A_680 = arith.mulf %select_n3A_452, %select_n3A_660 : vector<16xf32>
      %swap3A_681 = arith.index_cast %add3A_672 : i32 to index
      %swap3A_682 = arith.constant 64 : index
      %swap3A_683 = tpu.vector_load %arg15[%swap3A_681, %swap3A_682] {strides = array<i32>} : memref<16x128xf32, #tpu.memory_space<vmem>>, vector<16xf32>,
      tpu.vector_store %arg15[%swap3A_681, %swap3A_682], %mul3A_680 {strides = array<i32>} : memref<16x128xf32, #tpu.memory_space<vmem>>, vector<16xf32>,
      %lt3A_684 = arith.constant 256 : i32
      %lt3A_685 = vector.broadcast %lt3A_684 : i32 to vector<16xi32>
      %lt3A_686 = arith.cmpi slt, %add3A_479, %lt3A_685 : vector<16xi32>
      %lt3A_687 = arith.constant 256 : i32
      %lt3A_688 = vector.broadcast %lt3A_687 : i32 to vector<16xi32>
      %lt3A_689 = arith.cmpi slt, %add3A_494, %lt3A_688 : vector<16xi32>
      %and3A_690 = arith.andi %lt3A_686, %lt3A_689 : vector<16xi1>
      %mul3A_691 = arith.mulf %sub3A_462, %sub3A_474 : vector<16xf32>
      %jit3A_692 = arith.constant 0.000000e+00 : f32
      %broadcast_in_dim3A_693 = vector.broadcast %jit3A_692 : f32 to vector<16xf32>
      %select_n3A_694 = arith.select %and3A_690, %mul3A_691, %broadcast_in_dim3A_693 : vector<16xi1>, vector<16xf32>
      %mul3A_695 = arith.constant 256 : i32
      %mul3A_696 = vector.broadcast %mul3A_695 : i32 to vector<16xi32>
      %mul3A_697 = arith.muli %add3A_479, %mul3A_696 : vector<16xi32>
      %add3A_698 = arith.addi %mul3A_697, %add3A_494 : vector<16xi32>
      %jit3A_699 = arith.constant 0 : i32
      %jit3A_700 = arith.constant 65535 : i32
      %max3A_701 = vector.broadcast %jit3A_699 : i32 to vector<16xi32>
      %max3A_702 = arith.maxsi %max3A_701, %add3A_698 : vector<16xi32>
      %min3A_703 = vector.broadcast %jit3A_700 : i32 to vector<16xi32>
      %min3A_704 = arith.minsi %min3A_703, %max3A_702 : vector<16xi32>
      %add3A_705 = arith.constant 0 : i32
      %add3A_706 = arith.addi %mul3A_510, %add3A_705 : i32
      %swap3A_707 = arith.index_cast %add3A_706 : i32 to index
      %swap3A_708 = arith.constant 80 : index
      %swap3A_709 = tpu.vector_load %arg13[%swap3A_707, %swap3A_708] {strides = array<i32>} : memref<16x128xi32, #tpu.memory_space<vmem>>, vector<16xi32>,
      tpu.vector_store %arg13[%swap3A_707, %swap3A_708], %min3A_704 {strides = array<i32>} : memref<16x128xi32, #tpu.memory_space<vmem>>, vector<16xi32>,
      %mul3A_710 = arith.mulf %select_n3A_436, %select_n3A_694 : vector<16xf32>
      %swap3A_711 = arith.index_cast %add3A_706 : i32 to index
      %swap3A_712 = arith.constant 80 : index
      %swap3A_713 = tpu.vector_load %arg14[%swap3A_711, %swap3A_712] {strides = array<i32>} : memref<16x128xf32, #tpu.memory_space<vmem>>, vector<16xf32>,
      tpu.vector_store %arg14[%swap3A_711, %swap3A_712], %mul3A_710 {strides = array<i32>} : memref<16x128xf32, #tpu.memory_space<vmem>>, vector<16xf32>,
      %mul3A_714 = arith.mulf %select_n3A_452, %select_n3A_694 : vector<16xf32>
      %swap3A_715 = arith.index_cast %add3A_706 : i32 to index
      %swap3A_716 = arith.constant 80 : index
      %swap3A_717 = tpu.vector_load %arg15[%swap3A_715, %swap3A_716] {strides = array<i32>} : memref<16x128xf32, #tpu.memory_space<vmem>>, vector<16xf32>,
      tpu.vector_store %arg15[%swap3A_715, %swap3A_716], %mul3A_714 {strides = array<i32>} : memref<16x128xf32, #tpu.memory_space<vmem>>, vector<16xf32>,
      %lt3A_718 = arith.constant 256 : i32
      %lt3A_719 = vector.broadcast %lt3A_718 : i32 to vector<16xi32>
      %lt3A_720 = arith.cmpi slt, %add3A_479, %lt3A_719 : vector<16xi32>
      %lt3A_721 = arith.constant 256 : i32
      %lt3A_722 = vector.broadcast %lt3A_721 : i32 to vector<16xi32>
      %lt3A_723 = arith.cmpi slt, %convert_element_type3A_472, %lt3A_722 : vector<16xi32>
      %and3A_724 = arith.andi %lt3A_720, %lt3A_723 : vector<16xi1>
      %mul3A_725 = arith.mulf %sub3A_462, %sub3A_503 : vector<16xf32>
      %jit3A_726 = arith.constant 0.000000e+00 : f32
      %broadcast_in_dim3A_727 = vector.broadcast %jit3A_726 : f32 to vector<16xf32>
      %select_n3A_728 = arith.select %and3A_724, %mul3A_725, %broadcast_in_dim3A_727 : vector<16xi1>, vector<16xf32>
      %mul3A_729 = arith.constant 256 : i32
      %mul3A_730 = vector.broadcast %mul3A_729 : i32 to vector<16xi32>
      %mul3A_731 = arith.muli %add3A_479, %mul3A_730 : vector<16xi32>
      %add3A_732 = arith.addi %mul3A_731, %convert_element_type3A_472 : vector<16xi32>
      %jit3A_733 = arith.constant 0 : i32
      %jit3A_734 = arith.constant 65535 : i32
      %max3A_735 = vector.broadcast %jit3A_733 : i32 to vector<16xi32>
      %max3A_736 = arith.maxsi %max3A_735, %add3A_732 : vector<16xi32>
      %min3A_737 = vector.broadcast %jit3A_734 : i32 to vector<16xi32>
      %min3A_738 = arith.minsi %min3A_737, %max3A_736 : vector<16xi32>
      %add3A_739 = arith.constant 0 : i32
      %add3A_740 = arith.addi %mul3A_510, %add3A_739 : i32
      %swap3A_741 = arith.index_cast %add3A_740 : i32 to index
      %swap3A_742 = arith.constant 96 : index
      %swap3A_743 = tpu.vector_load %arg13[%swap3A_741, %swap3A_742] {strides = array<i32>} : memref<16x128xi32, #tpu.memory_space<vmem>>, vector<16xi32>,
      tpu.vector_store %arg13[%swap3A_741, %swap3A_742], %min3A_738 {strides = array<i32>} : memref<16x128xi32, #tpu.memory_space<vmem>>, vector<16xi32>,
      %mul3A_744 = arith.mulf %select_n3A_436, %select_n3A_728 : vector<16xf32>
      %swap3A_745 = arith.index_cast %add3A_740 : i32 to index
      %swap3A_746 = arith.constant 96 : index
      %swap3A_747 = tpu.vector_load %arg14[%swap3A_745, %swap3A_746] {strides = array<i32>} : memref<16x128xf32, #tpu.memory_space<vmem>>, vector<16xf32>,
      tpu.vector_store %arg14[%swap3A_745, %swap3A_746], %mul3A_744 {strides = array<i32>} : memref<16x128xf32, #tpu.memory_space<vmem>>, vector<16xf32>,
      %mul3A_748 = arith.mulf %select_n3A_452, %select_n3A_728 : vector<16xf32>
      %swap3A_749 = arith.index_cast %add3A_740 : i32 to index
      %swap3A_750 = arith.constant 96 : index
      %swap3A_751 = tpu.vector_load %arg15[%swap3A_749, %swap3A_750] {strides = array<i32>} : memref<16x128xf32, #tpu.memory_space<vmem>>, vector<16xf32>,
      tpu.vector_store %arg15[%swap3A_749, %swap3A_750], %mul3A_748 {strides = array<i32>} : memref<16x128xf32, #tpu.memory_space<vmem>>, vector<16xf32>,
      %lt3A_752 = arith.constant 256 : i32
      %lt3A_753 = vector.broadcast %lt3A_752 : i32 to vector<16xi32>
      %lt3A_754 = arith.cmpi slt, %add3A_479, %lt3A_753 : vector<16xi32>
      %lt3A_755 = arith.constant 256 : i32
      %lt3A_756 = vector.broadcast %lt3A_755 : i32 to vector<16xi32>
      %lt3A_757 = arith.cmpi slt, %add3A_497, %lt3A_756 : vector<16xi32>
      %and3A_758 = arith.andi %lt3A_754, %lt3A_757 : vector<16xi1>
      %mul3A_759 = arith.mulf %sub3A_462, %neg3A_506 : vector<16xf32>
      %jit3A_760 = arith.constant 0.000000e+00 : f32
      %broadcast_in_dim3A_761 = vector.broadcast %jit3A_760 : f32 to vector<16xf32>
      %select_n3A_762 = arith.select %and3A_758, %mul3A_759, %broadcast_in_dim3A_761 : vector<16xi1>, vector<16xf32>
      %mul3A_763 = arith.constant 256 : i32
      %mul3A_764 = vector.broadcast %mul3A_763 : i32 to vector<16xi32>
      %mul3A_765 = arith.muli %add3A_479, %mul3A_764 : vector<16xi32>
      %add3A_766 = arith.addi %mul3A_765, %add3A_497 : vector<16xi32>
      %jit3A_767 = arith.constant 0 : i32
      %jit3A_768 = arith.constant 65535 : i32
      %max3A_769 = vector.broadcast %jit3A_767 : i32 to vector<16xi32>
      %max3A_770 = arith.maxsi %max3A_769, %add3A_766 : vector<16xi32>
      %min3A_771 = vector.broadcast %jit3A_768 : i32 to vector<16xi32>
      %min3A_772 = arith.minsi %min3A_771, %max3A_770 : vector<16xi32>
      %add3A_773 = arith.constant 0 : i32
      %add3A_774 = arith.addi %mul3A_510, %add3A_773 : i32
      %swap3A_775 = arith.index_cast %add3A_774 : i32 to index
      %swap3A_776 = arith.constant 112 : index
      %swap3A_777 = tpu.vector_load %arg13[%swap3A_775, %swap3A_776] {strides = array<i32>} : memref<16x128xi32, #tpu.memory_space<vmem>>, vector<16xi32>,
      tpu.vector_store %arg13[%swap3A_775, %swap3A_776], %min3A_772 {strides = array<i32>} : memref<16x128xi32, #tpu.memory_space<vmem>>, vector<16xi32>,
      %mul3A_778 = arith.mulf %select_n3A_436, %select_n3A_762 : vector<16xf32>
      %swap3A_779 = arith.index_cast %add3A_774 : i32 to index
      %swap3A_780 = arith.constant 112 : index
      %swap3A_781 = tpu.vector_load %arg14[%swap3A_779, %swap3A_780] {strides = array<i32>} : memref<16x128xf32, #tpu.memory_space<vmem>>, vector<16xf32>,
      tpu.vector_store %arg14[%swap3A_779, %swap3A_780], %mul3A_778 {strides = array<i32>} : memref<16x128xf32, #tpu.memory_space<vmem>>, vector<16xf32>,
      %mul3A_782 = arith.mulf %select_n3A_452, %select_n3A_762 : vector<16xf32>
      %swap3A_783 = arith.index_cast %add3A_774 : i32 to index
      %swap3A_784 = arith.constant 112 : index
      %swap3A_785 = tpu.vector_load %arg15[%swap3A_783, %swap3A_784] {strides = array<i32>} : memref<16x128xf32, #tpu.memory_space<vmem>>, vector<16xf32>,
      tpu.vector_store %arg15[%swap3A_783, %swap3A_784], %mul3A_782 {strides = array<i32>} : memref<16x128xf32, #tpu.memory_space<vmem>>, vector<16xf32>,
      %lt3A_786 = arith.constant 256 : i32
      %lt3A_787 = vector.broadcast %lt3A_786 : i32 to vector<16xi32>
      %lt3A_788 = arith.cmpi slt, %convert_element_type3A_460, %lt3A_787 : vector<16xi32>
      %lt3A_789 = arith.constant 256 : i32
      %lt3A_790 = vector.broadcast %lt3A_789 : i32 to vector<16xi32>
      %lt3A_791 = arith.cmpi slt, %convert_element_type3A_471, %lt3A_790 : vector<16xi32>
      %and3A_792 = arith.andi %lt3A_788, %lt3A_791 : vector<16xi1>
      %mul3A_793 = arith.mulf %sub3A_488, %sub3A_500 : vector<16xf32>
      %jit3A_794 = arith.constant 0.000000e+00 : f32
      %broadcast_in_dim3A_795 = vector.broadcast %jit3A_794 : f32 to vector<16xf32>
      %select_n3A_796 = arith.select %and3A_792, %mul3A_793, %broadcast_in_dim3A_795 : vector<16xi1>, vector<16xf32>
      %mul3A_797 = arith.constant 256 : i32
      %mul3A_798 = vector.broadcast %mul3A_797 : i32 to vector<16xi32>
      %mul3A_799 = arith.muli %convert_element_type3A_460, %mul3A_798 : vector<16xi32>
      %add3A_800 = arith.addi %mul3A_799, %convert_element_type3A_471 : vector<16xi32>
      %jit3A_801 = arith.constant 0 : i32
      %jit3A_802 = arith.constant 65535 : i32
      %max3A_803 = vector.broadcast %jit3A_801 : i32 to vector<16xi32>
      %max3A_804 = arith.maxsi %max3A_803, %add3A_800 : vector<16xi32>
      %min3A_805 = vector.broadcast %jit3A_802 : i32 to vector<16xi32>
      %min3A_806 = arith.minsi %min3A_805, %max3A_804 : vector<16xi32>
      %add3A_807 = arith.constant 1 : i32
      %add3A_808 = arith.addi %mul3A_510, %add3A_807 : i32
      %swap3A_809 = arith.index_cast %add3A_808 : i32 to index
      %swap3A_810 = arith.constant 0 : index
      %swap3A_811 = tpu.vector_load %arg13[%swap3A_809, %swap3A_810] {strides = array<i32>} : memref<16x128xi32, #tpu.memory_space<vmem>>, vector<16xi32>,
      tpu.vector_store %arg13[%swap3A_809, %swap3A_810], %min3A_806 {strides = array<i32>} : memref<16x128xi32, #tpu.memory_space<vmem>>, vector<16xi32>,
      %mul3A_812 = arith.mulf %select_n3A_436, %select_n3A_796 : vector<16xf32>
      %swap3A_813 = arith.index_cast %add3A_808 : i32 to index
      %swap3A_814 = arith.constant 0 : index
      %swap3A_815 = tpu.vector_load %arg14[%swap3A_813, %swap3A_814] {strides = array<i32>} : memref<16x128xf32, #tpu.memory_space<vmem>>, vector<16xf32>,
      tpu.vector_store %arg14[%swap3A_813, %swap3A_814], %mul3A_812 {strides = array<i32>} : memref<16x128xf32, #tpu.memory_space<vmem>>, vector<16xf32>,
      %mul3A_816 = arith.mulf %select_n3A_452, %select_n3A_796 : vector<16xf32>
      %swap3A_817 = arith.index_cast %add3A_808 : i32 to index
      %swap3A_818 = arith.constant 0 : index
      %swap3A_819 = tpu.vector_load %arg15[%swap3A_817, %swap3A_818] {strides = array<i32>} : memref<16x128xf32, #tpu.memory_space<vmem>>, vector<16xf32>,
      tpu.vector_store %arg15[%swap3A_817, %swap3A_818], %mul3A_816 {strides = array<i32>} : memref<16x128xf32, #tpu.memory_space<vmem>>, vector<16xf32>,
      %lt3A_820 = arith.constant 256 : i32
      %lt3A_821 = vector.broadcast %lt3A_820 : i32 to vector<16xi32>
      %lt3A_822 = arith.cmpi slt, %convert_element_type3A_460, %lt3A_821 : vector<16xi32>
      %lt3A_823 = arith.constant 256 : i32
      %lt3A_824 = vector.broadcast %lt3A_823 : i32 to vector<16xi32>
      %lt3A_825 = arith.cmpi slt, %add3A_494, %lt3A_824 : vector<16xi32>
      %and3A_826 = arith.andi %lt3A_822, %lt3A_825 : vector<16xi1>
      %mul3A_827 = arith.mulf %sub3A_488, %sub3A_474 : vector<16xf32>
      %jit3A_828 = arith.constant 0.000000e+00 : f32
      %broadcast_in_dim3A_829 = vector.broadcast %jit3A_828 : f32 to vector<16xf32>
      %select_n3A_830 = arith.select %and3A_826, %mul3A_827, %broadcast_in_dim3A_829 : vector<16xi1>, vector<16xf32>
      %mul3A_831 = arith.constant 256 : i32
      %mul3A_832 = vector.broadcast %mul3A_831 : i32 to vector<16xi32>
      %mul3A_833 = arith.muli %convert_element_type3A_460, %mul3A_832 : vector<16xi32>
      %add3A_834 = arith.addi %mul3A_833, %add3A_494 : vector<16xi32>
      %jit3A_835 = arith.constant 0 : i32
      %jit3A_836 = arith.constant 65535 : i32
      %max3A_837 = vector.broadcast %jit3A_835 : i32 to vector<16xi32>
      %max3A_838 = arith.maxsi %max3A_837, %add3A_834 : vector<16xi32>
      %min3A_839 = vector.broadcast %jit3A_836 : i32 to vector<16xi32>
      %min3A_840 = arith.minsi %min3A_839, %max3A_838 : vector<16xi32>
      %add3A_841 = arith.constant 1 : i32
      %add3A_842 = arith.addi %mul3A_510, %add3A_841 : i32
      %swap3A_843 = arith.index_cast %add3A_842 : i32 to index
      %swap3A_844 = arith.constant 16 : index
      %swap3A_845 = tpu.vector_load %arg13[%swap3A_843, %swap3A_844] {strides = array<i32>} : memref<16x128xi32, #tpu.memory_space<vmem>>, vector<16xi32>,
      tpu.vector_store %arg13[%swap3A_843, %swap3A_844], %min3A_840 {strides = array<i32>} : memref<16x128xi32, #tpu.memory_space<vmem>>, vector<16xi32>,
      %mul3A_846 = arith.mulf %select_n3A_436, %select_n3A_830 : vector<16xf32>
      %swap3A_847 = arith.index_cast %add3A_842 : i32 to index
      %swap3A_848 = arith.constant 16 : index
      %swap3A_849 = tpu.vector_load %arg14[%swap3A_847, %swap3A_848] {strides = array<i32>} : memref<16x128xf32, #tpu.memory_space<vmem>>, vector<16xf32>,
      tpu.vector_store %arg14[%swap3A_847, %swap3A_848], %mul3A_846 {strides = array<i32>} : memref<16x128xf32, #tpu.memory_space<vmem>>, vector<16xf32>,
      %mul3A_850 = arith.mulf %select_n3A_452, %select_n3A_830 : vector<16xf32>
      %swap3A_851 = arith.index_cast %add3A_842 : i32 to index
      %swap3A_852 = arith.constant 16 : index
      %swap3A_853 = tpu.vector_load %arg15[%swap3A_851, %swap3A_852] {strides = array<i32>} : memref<16x128xf32, #tpu.memory_space<vmem>>, vector<16xf32>,
      tpu.vector_store %arg15[%swap3A_851, %swap3A_852], %mul3A_850 {strides = array<i32>} : memref<16x128xf32, #tpu.memory_space<vmem>>, vector<16xf32>,
      %lt3A_854 = arith.constant 256 : i32
      %lt3A_855 = vector.broadcast %lt3A_854 : i32 to vector<16xi32>
      %lt3A_856 = arith.cmpi slt, %convert_element_type3A_460, %lt3A_855 : vector<16xi32>
      %lt3A_857 = arith.constant 256 : i32
      %lt3A_858 = vector.broadcast %lt3A_857 : i32 to vector<16xi32>
      %lt3A_859 = arith.cmpi slt, %convert_element_type3A_472, %lt3A_858 : vector<16xi32>
      %and3A_860 = arith.andi %lt3A_856, %lt3A_859 : vector<16xi1>
      %mul3A_861 = arith.mulf %sub3A_488, %sub3A_503 : vector<16xf32>
      %jit3A_862 = arith.constant 0.000000e+00 : f32
      %broadcast_in_dim3A_863 = vector.broadcast %jit3A_862 : f32 to vector<16xf32>
      %select_n3A_864 = arith.select %and3A_860, %mul3A_861, %broadcast_in_dim3A_863 : vector<16xi1>, vector<16xf32>
      %mul3A_865 = arith.constant 256 : i32
      %mul3A_866 = vector.broadcast %mul3A_865 : i32 to vector<16xi32>
      %mul3A_867 = arith.muli %convert_element_type3A_460, %mul3A_866 : vector<16xi32>
      %add3A_868 = arith.addi %mul3A_867, %convert_element_type3A_472 : vector<16xi32>
      %jit3A_869 = arith.constant 0 : i32
      %jit3A_870 = arith.constant 65535 : i32
      %max3A_871 = vector.broadcast %jit3A_869 : i32 to vector<16xi32>
      %max3A_872 = arith.maxsi %max3A_871, %add3A_868 : vector<16xi32>
      %min3A_873 = vector.broadcast %jit3A_870 : i32 to vector<16xi32>
      %min3A_874 = arith.minsi %min3A_873, %max3A_872 : vector<16xi32>
      %add3A_875 = arith.constant 1 : i32
      %add3A_876 = arith.addi %mul3A_510, %add3A_875 : i32
      %swap3A_877 = arith.index_cast %add3A_876 : i32 to index
      %swap3A_878 = arith.constant 32 : index
      %swap3A_879 = tpu.vector_load %arg13[%swap3A_877, %swap3A_878] {strides = array<i32>} : memref<16x128xi32, #tpu.memory_space<vmem>>, vector<16xi32>,
      tpu.vector_store %arg13[%swap3A_877, %swap3A_878], %min3A_874 {strides = array<i32>} : memref<16x128xi32, #tpu.memory_space<vmem>>, vector<16xi32>,
      %mul3A_880 = arith.mulf %select_n3A_436, %select_n3A_864 : vector<16xf32>
      %swap3A_881 = arith.index_cast %add3A_876 : i32 to index
      %swap3A_882 = arith.constant 32 : index
      %swap3A_883 = tpu.vector_load %arg14[%swap3A_881, %swap3A_882] {strides = array<i32>} : memref<16x128xf32, #tpu.memory_space<vmem>>, vector<16xf32>,
      tpu.vector_store %arg14[%swap3A_881, %swap3A_882], %mul3A_880 {strides = array<i32>} : memref<16x128xf32, #tpu.memory_space<vmem>>, vector<16xf32>,
      %mul3A_884 = arith.mulf %select_n3A_452, %select_n3A_864 : vector<16xf32>
      %swap3A_885 = arith.index_cast %add3A_876 : i32 to index
      %swap3A_886 = arith.constant 32 : index
      %swap3A_887 = tpu.vector_load %arg15[%swap3A_885, %swap3A_886] {strides = array<i32>} : memref<16x128xf32, #tpu.memory_space<vmem>>, vector<16xf32>,
      tpu.vector_store %arg15[%swap3A_885, %swap3A_886], %mul3A_884 {strides = array<i32>} : memref<16x128xf32, #tpu.memory_space<vmem>>, vector<16xf32>,
      %lt3A_888 = arith.constant 256 : i32
      %lt3A_889 = vector.broadcast %lt3A_888 : i32 to vector<16xi32>
      %lt3A_890 = arith.cmpi slt, %convert_element_type3A_460, %lt3A_889 : vector<16xi32>
      %lt3A_891 = arith.constant 256 : i32
      %lt3A_892 = vector.broadcast %lt3A_891 : i32 to vector<16xi32>
      %lt3A_893 = arith.cmpi slt, %add3A_497, %lt3A_892 : vector<16xi32>
      %and3A_894 = arith.andi %lt3A_890, %lt3A_893 : vector<16xi1>
      %mul3A_895 = arith.mulf %sub3A_488, %neg3A_506 : vector<16xf32>
      %jit3A_896 = arith.constant 0.000000e+00 : f32
      %broadcast_in_dim3A_897 = vector.broadcast %jit3A_896 : f32 to vector<16xf32>
      %select_n3A_898 = arith.select %and3A_894, %mul3A_895, %broadcast_in_dim3A_897 : vector<16xi1>, vector<16xf32>
      %mul3A_899 = arith.constant 256 : i32
      %mul3A_900 = vector.broadcast %mul3A_899 : i32 to vector<16xi32>
      %mul3A_901 = arith.muli %convert_element_type3A_460, %mul3A_900 : vector<16xi32>
      %add3A_902 = arith.addi %mul3A_901, %add3A_497 : vector<16xi32>
      %jit3A_903 = arith.constant 0 : i32
      %jit3A_904 = arith.constant 65535 : i32
      %max3A_905 = vector.broadcast %jit3A_903 : i32 to vector<16xi32>
      %max3A_906 = arith.maxsi %max3A_905, %add3A_902 : vector<16xi32>
      %min3A_907 = vector.broadcast %jit3A_904 : i32 to vector<16xi32>
      %min3A_908 = arith.minsi %min3A_907, %max3A_906 : vector<16xi32>
      %add3A_909 = arith.constant 1 : i32
      %add3A_910 = arith.addi %mul3A_510, %add3A_909 : i32
      %swap3A_911 = arith.index_cast %add3A_910 : i32 to index
      %swap3A_912 = arith.constant 48 : index
      %swap3A_913 = tpu.vector_load %arg13[%swap3A_911, %swap3A_912] {strides = array<i32>} : memref<16x128xi32, #tpu.memory_space<vmem>>, vector<16xi32>,
      tpu.vector_store %arg13[%swap3A_911, %swap3A_912], %min3A_908 {strides = array<i32>} : memref<16x128xi32, #tpu.memory_space<vmem>>, vector<16xi32>,
      %mul3A_914 = arith.mulf %select_n3A_436, %select_n3A_898 : vector<16xf32>
      %swap3A_915 = arith.index_cast %add3A_910 : i32 to index
      %swap3A_916 = arith.constant 48 : index
      %swap3A_917 = tpu.vector_load %arg14[%swap3A_915, %swap3A_916] {strides = array<i32>} : memref<16x128xf32, #tpu.memory_space<vmem>>, vector<16xf32>,
      tpu.vector_store %arg14[%swap3A_915, %swap3A_916], %mul3A_914 {strides = array<i32>} : memref<16x128xf32, #tpu.memory_space<vmem>>, vector<16xf32>,
      %mul3A_918 = arith.mulf %select_n3A_452, %select_n3A_898 : vector<16xf32>
      %swap3A_919 = arith.index_cast %add3A_910 : i32 to index
      %swap3A_920 = arith.constant 48 : index
      %swap3A_921 = tpu.vector_load %arg15[%swap3A_919, %swap3A_920] {strides = array<i32>} : memref<16x128xf32, #tpu.memory_space<vmem>>, vector<16xf32>,
      tpu.vector_store %arg15[%swap3A_919, %swap3A_920], %mul3A_918 {strides = array<i32>} : memref<16x128xf32, #tpu.memory_space<vmem>>, vector<16xf32>,
      %lt3A_922 = arith.constant 256 : i32
      %lt3A_923 = vector.broadcast %lt3A_922 : i32 to vector<16xi32>
      %lt3A_924 = arith.cmpi slt, %add3A_482, %lt3A_923 : vector<16xi32>
      %lt3A_925 = arith.constant 256 : i32
      %lt3A_926 = vector.broadcast %lt3A_925 : i32 to vector<16xi32>
      %lt3A_927 = arith.cmpi slt, %convert_element_type3A_471, %lt3A_926 : vector<16xi32>
      %and3A_928 = arith.andi %lt3A_924, %lt3A_927 : vector<16xi1>
      %mul3A_929 = arith.mulf %neg3A_491, %sub3A_500 : vector<16xf32>
      %jit3A_930 = arith.constant 0.000000e+00 : f32
      %broadcast_in_dim3A_931 = vector.broadcast %jit3A_930 : f32 to vector<16xf32>
      %select_n3A_932 = arith.select %and3A_928, %mul3A_929, %broadcast_in_dim3A_931 : vector<16xi1>, vector<16xf32>
      %mul3A_933 = arith.constant 256 : i32
      %mul3A_934 = vector.broadcast %mul3A_933 : i32 to vector<16xi32>
      %mul3A_935 = arith.muli %add3A_482, %mul3A_934 : vector<16xi32>
      %add3A_936 = arith.addi %mul3A_935, %convert_element_type3A_471 : vector<16xi32>
      %jit3A_937 = arith.constant 0 : i32
      %jit3A_938 = arith.constant 65535 : i32
      %max3A_939 = vector.broadcast %jit3A_937 : i32 to vector<16xi32>
      %max3A_940 = arith.maxsi %max3A_939, %add3A_936 : vector<16xi32>
      %min3A_941 = vector.broadcast %jit3A_938 : i32 to vector<16xi32>
      %min3A_942 = arith.minsi %min3A_941, %max3A_940 : vector<16xi32>
      %add3A_943 = arith.constant 1 : i32
      %add3A_944 = arith.addi %mul3A_510, %add3A_943 : i32
      %swap3A_945 = arith.index_cast %add3A_944 : i32 to index
      %swap3A_946 = arith.constant 64 : index
      %swap3A_947 = tpu.vector_load %arg13[%swap3A_945, %swap3A_946] {strides = array<i32>} : memref<16x128xi32, #tpu.memory_space<vmem>>, vector<16xi32>,
      tpu.vector_store %arg13[%swap3A_945, %swap3A_946], %min3A_942 {strides = array<i32>} : memref<16x128xi32, #tpu.memory_space<vmem>>, vector<16xi32>,
      %mul3A_948 = arith.mulf %select_n3A_436, %select_n3A_932 : vector<16xf32>
      %swap3A_949 = arith.index_cast %add3A_944 : i32 to index
      %swap3A_950 = arith.constant 64 : index
      %swap3A_951 = tpu.vector_load %arg14[%swap3A_949, %swap3A_950] {strides = array<i32>} : memref<16x128xf32, #tpu.memory_space<vmem>>, vector<16xf32>,
      tpu.vector_store %arg14[%swap3A_949, %swap3A_950], %mul3A_948 {strides = array<i32>} : memref<16x128xf32, #tpu.memory_space<vmem>>, vector<16xf32>,
      %mul3A_952 = arith.mulf %select_n3A_452, %select_n3A_932 : vector<16xf32>
      %swap3A_953 = arith.index_cast %add3A_944 : i32 to index
      %swap3A_954 = arith.constant 64 : index
      %swap3A_955 = tpu.vector_load %arg15[%swap3A_953, %swap3A_954] {strides = array<i32>} : memref<16x128xf32, #tpu.memory_space<vmem>>, vector<16xf32>,
      tpu.vector_store %arg15[%swap3A_953, %swap3A_954], %mul3A_952 {strides = array<i32>} : memref<16x128xf32, #tpu.memory_space<vmem>>, vector<16xf32>,
      %lt3A_956 = arith.constant 256 : i32
      %lt3A_957 = vector.broadcast %lt3A_956 : i32 to vector<16xi32>
      %lt3A_958 = arith.cmpi slt, %add3A_482, %lt3A_957 : vector<16xi32>
      %lt3A_959 = arith.constant 256 : i32
      %lt3A_960 = vector.broadcast %lt3A_959 : i32 to vector<16xi32>
      %lt3A_961 = arith.cmpi slt, %add3A_494, %lt3A_960 : vector<16xi32>
      %and3A_962 = arith.andi %lt3A_958, %lt3A_961 : vector<16xi1>
      %mul3A_963 = arith.mulf %neg3A_491, %sub3A_474 : vector<16xf32>
      %jit3A_964 = arith.constant 0.000000e+00 : f32
      %broadcast_in_dim3A_965 = vector.broadcast %jit3A_964 : f32 to vector<16xf32>
      %select_n3A_966 = arith.select %and3A_962, %mul3A_963, %broadcast_in_dim3A_965 : vector<16xi1>, vector<16xf32>
      %mul3A_967 = arith.constant 256 : i32
      %mul3A_968 = vector.broadcast %mul3A_967 : i32 to vector<16xi32>
      %mul3A_969 = arith.muli %add3A_482, %mul3A_968 : vector<16xi32>
      %add3A_970 = arith.addi %mul3A_969, %add3A_494 : vector<16xi32>
      %jit3A_971 = arith.constant 0 : i32
      %jit3A_972 = arith.constant 65535 : i32
      %max3A_973 = vector.broadcast %jit3A_971 : i32 to vector<16xi32>
      %max3A_974 = arith.maxsi %max3A_973, %add3A_970 : vector<16xi32>
      %min3A_975 = vector.broadcast %jit3A_972 : i32 to vector<16xi32>
      %min3A_976 = arith.minsi %min3A_975, %max3A_974 : vector<16xi32>
      %add3A_977 = arith.constant 1 : i32
      %add3A_978 = arith.addi %mul3A_510, %add3A_977 : i32
      %swap3A_979 = arith.index_cast %add3A_978 : i32 to index
      %swap3A_980 = arith.constant 80 : index
      %swap3A_981 = tpu.vector_load %arg13[%swap3A_979, %swap3A_980] {strides = array<i32>} : memref<16x128xi32, #tpu.memory_space<vmem>>, vector<16xi32>,
      tpu.vector_store %arg13[%swap3A_979, %swap3A_980], %min3A_976 {strides = array<i32>} : memref<16x128xi32, #tpu.memory_space<vmem>>, vector<16xi32>,
      %mul3A_982 = arith.mulf %select_n3A_436, %select_n3A_966 : vector<16xf32>
      %swap3A_983 = arith.index_cast %add3A_978 : i32 to index
      %swap3A_984 = arith.constant 80 : index
      %swap3A_985 = tpu.vector_load %arg14[%swap3A_983, %swap3A_984] {strides = array<i32>} : memref<16x128xf32, #tpu.memory_space<vmem>>, vector<16xf32>,
      tpu.vector_store %arg14[%swap3A_983, %swap3A_984], %mul3A_982 {strides = array<i32>} : memref<16x128xf32, #tpu.memory_space<vmem>>, vector<16xf32>,
      %mul3A_986 = arith.mulf %select_n3A_452, %select_n3A_966 : vector<16xf32>
      %swap3A_987 = arith.index_cast %add3A_978 : i32 to index
      %swap3A_988 = arith.constant 80 : index
      %swap3A_989 = tpu.vector_load %arg15[%swap3A_987, %swap3A_988] {strides = array<i32>} : memref<16x128xf32, #tpu.memory_space<vmem>>, vector<16xf32>,
      tpu.vector_store %arg15[%swap3A_987, %swap3A_988], %mul3A_986 {strides = array<i32>} : memref<16x128xf32, #tpu.memory_space<vmem>>, vector<16xf32>,
      %lt3A_990 = arith.constant 256 : i32
      %lt3A_991 = vector.broadcast %lt3A_990 : i32 to vector<16xi32>
      %lt3A_992 = arith.cmpi slt, %add3A_482, %lt3A_991 : vector<16xi32>
      %lt3A_993 = arith.constant 256 : i32
      %lt3A_994 = vector.broadcast %lt3A_993 : i32 to vector<16xi32>
      %lt3A_995 = arith.cmpi slt, %convert_element_type3A_472, %lt3A_994 : vector<16xi32>
      %and3A_996 = arith.andi %lt3A_992, %lt3A_995 : vector<16xi1>
      %mul3A_997 = arith.mulf %neg3A_491, %sub3A_503 : vector<16xf32>
      %jit3A_998 = arith.constant 0.000000e+00 : f32
      %broadcast_in_dim3A_999 = vector.broadcast %jit3A_998 : f32 to vector<16xf32>
      %select_n3A_1000 = arith.select %and3A_996, %mul3A_997, %broadcast_in_dim3A_999 : vector<16xi1>, vector<16xf32>
      %mul3A_1001 = arith.constant 256 : i32
      %mul3A_1002 = vector.broadcast %mul3A_1001 : i32 to vector<16xi32>
      %mul3A_1003 = arith.muli %add3A_482, %mul3A_1002 : vector<16xi32>
      %add3A_1004 = arith.addi %mul3A_1003, %convert_element_type3A_472 : vector<16xi32>
      %jit3A_1005 = arith.constant 0 : i32
      %jit3A_1006 = arith.constant 65535 : i32
      %max3A_1007 = vector.broadcast %jit3A_1005 : i32 to vector<16xi32>
      %max3A_1008 = arith.maxsi %max3A_1007, %add3A_1004 : vector<16xi32>
      %min3A_1009 = vector.broadcast %jit3A_1006 : i32 to vector<16xi32>
      %min3A_1010 = arith.minsi %min3A_1009, %max3A_1008 : vector<16xi32>
      %add3A_1011 = arith.constant 1 : i32
      %add3A_1012 = arith.addi %mul3A_510, %add3A_1011 : i32
      %swap3A_1013 = arith.index_cast %add3A_1012 : i32 to index
      %swap3A_1014 = arith.constant 96 : index
      %swap3A_1015 = tpu.vector_load %arg13[%swap3A_1013, %swap3A_1014] {strides = array<i32>} : memref<16x128xi32, #tpu.memory_space<vmem>>, vector<16xi32>,
      tpu.vector_store %arg13[%swap3A_1013, %swap3A_1014], %min3A_1010 {strides = array<i32>} : memref<16x128xi32, #tpu.memory_space<vmem>>, vector<16xi32>,
      %mul3A_1016 = arith.mulf %select_n3A_436, %select_n3A_1000 : vector<16xf32>
      %swap3A_1017 = arith.index_cast %add3A_1012 : i32 to index
      %swap3A_1018 = arith.constant 96 : index
      %swap3A_1019 = tpu.vector_load %arg14[%swap3A_1017, %swap3A_1018] {strides = array<i32>} : memref<16x128xf32, #tpu.memory_space<vmem>>, vector<16xf32>,
      tpu.vector_store %arg14[%swap3A_1017, %swap3A_1018], %mul3A_1016 {strides = array<i32>} : memref<16x128xf32, #tpu.memory_space<vmem>>, vector<16xf32>,
      %mul3A_1020 = arith.mulf %select_n3A_452, %select_n3A_1000 : vector<16xf32>
      %swap3A_1021 = arith.index_cast %add3A_1012 : i32 to index
      %swap3A_1022 = arith.constant 96 : index
      %swap3A_1023 = tpu.vector_load %arg15[%swap3A_1021, %swap3A_1022] {strides = array<i32>} : memref<16x128xf32, #tpu.memory_space<vmem>>, vector<16xf32>,
      tpu.vector_store %arg15[%swap3A_1021, %swap3A_1022], %mul3A_1020 {strides = array<i32>} : memref<16x128xf32, #tpu.memory_space<vmem>>, vector<16xf32>,
      %lt3A_1024 = arith.constant 256 : i32
      %lt3A_1025 = vector.broadcast %lt3A_1024 : i32 to vector<16xi32>
      %lt3A_1026 = arith.cmpi slt, %add3A_482, %lt3A_1025 : vector<16xi32>
      %lt3A_1027 = arith.constant 256 : i32
      %lt3A_1028 = vector.broadcast %lt3A_1027 : i32 to vector<16xi32>
      %lt3A_1029 = arith.cmpi slt, %add3A_497, %lt3A_1028 : vector<16xi32>
      %and3A_1030 = arith.andi %lt3A_1026, %lt3A_1029 : vector<16xi1>
      %mul3A_1031 = arith.mulf %neg3A_491, %neg3A_506 : vector<16xf32>
      %jit3A_1032 = arith.constant 0.000000e+00 : f32
      %broadcast_in_dim3A_1033 = vector.broadcast %jit3A_1032 : f32 to vector<16xf32>
      %select_n3A_1034 = arith.select %and3A_1030, %mul3A_1031, %broadcast_in_dim3A_1033 : vector<16xi1>, vector<16xf32>
      %mul3A_1035 = arith.constant 256 : i32
      %mul3A_1036 = vector.broadcast %mul3A_1035 : i32 to vector<16xi32>
      %mul3A_1037 = arith.muli %add3A_482, %mul3A_1036 : vector<16xi32>
      %add3A_1038 = arith.addi %mul3A_1037, %add3A_497 : vector<16xi32>
      %jit3A_1039 = arith.constant 0 : i32
      %jit3A_1040 = arith.constant 65535 : i32
      %max3A_1041 = vector.broadcast %jit3A_1039 : i32 to vector<16xi32>
      %max3A_1042 = arith.maxsi %max3A_1041, %add3A_1038 : vector<16xi32>
      %min3A_1043 = vector.broadcast %jit3A_1040 : i32 to vector<16xi32>
      %min3A_1044 = arith.minsi %min3A_1043, %max3A_1042 : vector<16xi32>
      %add3A_1045 = arith.constant 1 : i32
      %add3A_1046 = arith.addi %mul3A_510, %add3A_1045 : i32
      %swap3A_1047 = arith.index_cast %add3A_1046 : i32 to index
      %swap3A_1048 = arith.constant 112 : index
      %swap3A_1049 = tpu.vector_load %arg13[%swap3A_1047, %swap3A_1048] {strides = array<i32>} : memref<16x128xi32, #tpu.memory_space<vmem>>, vector<16xi32>,
      tpu.vector_store %arg13[%swap3A_1047, %swap3A_1048], %min3A_1044 {strides = array<i32>} : memref<16x128xi32, #tpu.memory_space<vmem>>, vector<16xi32>,
      %mul3A_1050 = arith.mulf %select_n3A_436, %select_n3A_1034 : vector<16xf32>
      %swap3A_1051 = arith.index_cast %add3A_1046 : i32 to index
      %swap3A_1052 = arith.constant 112 : index
      %swap3A_1053 = tpu.vector_load %arg14[%swap3A_1051, %swap3A_1052] {strides = array<i32>} : memref<16x128xf32, #tpu.memory_space<vmem>>, vector<16xf32>,
      tpu.vector_store %arg14[%swap3A_1051, %swap3A_1052], %mul3A_1050 {strides = array<i32>} : memref<16x128xf32, #tpu.memory_space<vmem>>, vector<16xf32>,
      %mul3A_1054 = arith.mulf %select_n3A_452, %select_n3A_1034 : vector<16xf32>
      %swap3A_1055 = arith.index_cast %add3A_1046 : i32 to index
      %swap3A_1056 = arith.constant 112 : index
      %swap3A_1057 = tpu.vector_load %arg15[%swap3A_1055, %swap3A_1056] {strides = array<i32>} : memref<16x128xf32, #tpu.memory_space<vmem>>, vector<16xf32>,
      tpu.vector_store %arg15[%swap3A_1055, %swap3A_1056], %mul3A_1054 {strides = array<i32>} : memref<16x128xf32, #tpu.memory_space<vmem>>, vector<16xf32>,
      %lt3A_1058 = arith.constant 8 : i32
      %lt3A_1059 = arith.cmpi slt, %arg1, %lt3A_1058 : i32
      %convert_element_type3A_1060 = arith.extui %lt3A_1059 : i1 to i32
      %cond3A_1061 = arith.constant 0 : i32
      %cond3A_1062 = arith.cmpi ne, %convert_element_type3A_1060, %cond3A_1061 : i32
      scf.if %cond3A_1062 {
        %add3A_1069 = arith.constant 0 : i32
        %add3A_1070 = arith.addi %mul3A_510, %add3A_1069 : i32
        %dma_start3A_1071 = arith.constant 0 : i32
        %dma_start3A_1072 = tpu.memref_slice %arg14[%add3A_1070, %dma_start3A_1071] : memref<16x128xf32, #tpu.memory_space<vmem>> -> memref<1x128xf32, #tpu.memory_space<vmem>>
        %dma_start3A_1073 = tpu.memref_squeeze %dma_start3A_1072 : memref<1x128xf32, #tpu.memory_space<vmem>> -> memref<128xf32, #tpu.memory_space<vmem>>
        %dma_start3A_1074 = arith.constant 0 : i32
        %dma_start3A_1075 = tpu.memref_slice %arg13[%add3A_1070, %dma_start3A_1074] : memref<16x128xi32, #tpu.memory_space<vmem>> -> memref<1x128xi32, #tpu.memory_space<vmem>>
        %dma_start3A_1076 = tpu.memref_squeeze %dma_start3A_1075 : memref<1x128xi32, #tpu.memory_space<vmem>> -> memref<128xi32, #tpu.memory_space<vmem>>
        %dma_start3A_1077 = arith.constant 0 : i32
        %dma_start3A_1078 = tpu.memref_slice %arg18[%dma_start3A_1077] : memref<65536xf32, #tpu.memory_space<vmem_shared>> -> memref<65536xf32, #tpu.memory_space<vmem_shared>>
        tpu.enqueue_indirect_dma source(%dma_start3A_1073 : memref<128xf32, #tpu.memory_space<vmem>>) target(%dma_start3A_1078 : memref<65536xf32, #tpu.memory_space<vmem_shared>>) offsets(%dma_start3A_1076 : memref<128xi32, #tpu.memory_space<vmem>>) semaphore(%arg22 : memref<!tpu.dma_semaphore, #tpu.memory_space<semaphore_mem>>) {add = true}
        %dma_start3A_1079 = arith.constant 0 : i32
        %dma_start3A_1080 = tpu.memref_slice %arg15[%add3A_1070, %dma_start3A_1079] : memref<16x128xf32, #tpu.memory_space<vmem>> -> memref<1x128xf32, #tpu.memory_space<vmem>>
        %dma_start3A_1081 = tpu.memref_squeeze %dma_start3A_1080 : memref<1x128xf32, #tpu.memory_space<vmem>> -> memref<128xf32, #tpu.memory_space<vmem>>
        %dma_start3A_1082 = arith.constant 0 : i32
        %dma_start3A_1083 = tpu.memref_slice %arg13[%add3A_1070, %dma_start3A_1082] : memref<16x128xi32, #tpu.memory_space<vmem>> -> memref<1x128xi32, #tpu.memory_space<vmem>>
        %dma_start3A_1084 = tpu.memref_squeeze %dma_start3A_1083 : memref<1x128xi32, #tpu.memory_space<vmem>> -> memref<128xi32, #tpu.memory_space<vmem>>
        %dma_start3A_1085 = arith.constant 0 : i32
        %dma_start3A_1086 = tpu.memref_slice %arg19[%dma_start3A_1085] : memref<65536xf32, #tpu.memory_space<vmem_shared>> -> memref<65536xf32, #tpu.memory_space<vmem_shared>>
        tpu.enqueue_indirect_dma source(%dma_start3A_1081 : memref<128xf32, #tpu.memory_space<vmem>>) target(%dma_start3A_1086 : memref<65536xf32, #tpu.memory_space<vmem_shared>>) offsets(%dma_start3A_1084 : memref<128xi32, #tpu.memory_space<vmem>>) semaphore(%arg22 : memref<!tpu.dma_semaphore, #tpu.memory_space<semaphore_mem>>) {add = true}
        %add3A_1087 = arith.constant 1 : i32
        %add3A_1088 = arith.addi %mul3A_510, %add3A_1087 : i32
        %dma_start3A_1089 = arith.constant 0 : i32
        %dma_start3A_1090 = tpu.memref_slice %arg14[%add3A_1088, %dma_start3A_1089] : memref<16x128xf32, #tpu.memory_space<vmem>> -> memref<1x128xf32, #tpu.memory_space<vmem>>
        %dma_start3A_1091 = tpu.memref_squeeze %dma_start3A_1090 : memref<1x128xf32, #tpu.memory_space<vmem>> -> memref<128xf32, #tpu.memory_space<vmem>>
        %dma_start3A_1092 = arith.constant 0 : i32
        %dma_start3A_1093 = tpu.memref_slice %arg13[%add3A_1088, %dma_start3A_1092] : memref<16x128xi32, #tpu.memory_space<vmem>> -> memref<1x128xi32, #tpu.memory_space<vmem>>
        %dma_start3A_1094 = tpu.memref_squeeze %dma_start3A_1093 : memref<1x128xi32, #tpu.memory_space<vmem>> -> memref<128xi32, #tpu.memory_space<vmem>>
        %dma_start3A_1095 = arith.constant 0 : i32
        %dma_start3A_1096 = tpu.memref_slice %arg18[%dma_start3A_1095] : memref<65536xf32, #tpu.memory_space<vmem_shared>> -> memref<65536xf32, #tpu.memory_space<vmem_shared>>
        tpu.enqueue_indirect_dma source(%dma_start3A_1091 : memref<128xf32, #tpu.memory_space<vmem>>) target(%dma_start3A_1096 : memref<65536xf32, #tpu.memory_space<vmem_shared>>) offsets(%dma_start3A_1094 : memref<128xi32, #tpu.memory_space<vmem>>) semaphore(%arg22 : memref<!tpu.dma_semaphore, #tpu.memory_space<semaphore_mem>>) {add = true}
        %dma_start3A_1097 = arith.constant 0 : i32
        %dma_start3A_1098 = tpu.memref_slice %arg15[%add3A_1088, %dma_start3A_1097] : memref<16x128xf32, #tpu.memory_space<vmem>> -> memref<1x128xf32, #tpu.memory_space<vmem>>
        %dma_start3A_1099 = tpu.memref_squeeze %dma_start3A_1098 : memref<1x128xf32, #tpu.memory_space<vmem>> -> memref<128xf32, #tpu.memory_space<vmem>>
        %dma_start3A_1100 = arith.constant 0 : i32
        %dma_start3A_1101 = tpu.memref_slice %arg13[%add3A_1088, %dma_start3A_1100] : memref<16x128xi32, #tpu.memory_space<vmem>> -> memref<1x128xi32, #tpu.memory_space<vmem>>
        %dma_start3A_1102 = tpu.memref_squeeze %dma_start3A_1101 : memref<1x128xi32, #tpu.memory_space<vmem>> -> memref<128xi32, #tpu.memory_space<vmem>>
        %dma_start3A_1103 = arith.constant 0 : i32
        %dma_start3A_1104 = tpu.memref_slice %arg19[%dma_start3A_1103] : memref<65536xf32, #tpu.memory_space<vmem_shared>> -> memref<65536xf32, #tpu.memory_space<vmem_shared>>
        tpu.enqueue_indirect_dma source(%dma_start3A_1099 : memref<128xf32, #tpu.memory_space<vmem>>) target(%dma_start3A_1104 : memref<65536xf32, #tpu.memory_space<vmem_shared>>) offsets(%dma_start3A_1102 : memref<128xi32, #tpu.memory_space<vmem>>) semaphore(%arg22 : memref<!tpu.dma_semaphore, #tpu.memory_space<semaphore_mem>>) {add = true}
      } else {
      }
      %ge3A_1063 = arith.constant 8 : i32
      %ge3A_1064 = arith.cmpi sge, %arg1, %ge3A_1063 : i32
      %convert_element_type3A_1065 = arith.extui %ge3A_1064 : i1 to i32
      %cond3A_1066 = arith.constant 0 : i32
      %cond3A_1067 = arith.cmpi ne, %convert_element_type3A_1065, %cond3A_1066 : i32
      scf.if %cond3A_1067 {
        %add3A_1069 = arith.constant 0 : i32
        %add3A_1070 = arith.addi %mul3A_510, %add3A_1069 : i32
        %dma_start3A_1071 = arith.constant 0 : i32
        %dma_start3A_1072 = tpu.memref_slice %arg14[%add3A_1070, %dma_start3A_1071] : memref<16x128xf32, #tpu.memory_space<vmem>> -> memref<1x128xf32, #tpu.memory_space<vmem>>
        %dma_start3A_1073 = tpu.memref_squeeze %dma_start3A_1072 : memref<1x128xf32, #tpu.memory_space<vmem>> -> memref<128xf32, #tpu.memory_space<vmem>>
        %dma_start3A_1074 = arith.constant 0 : i32
        %dma_start3A_1075 = tpu.memref_slice %arg13[%add3A_1070, %dma_start3A_1074] : memref<16x128xi32, #tpu.memory_space<vmem>> -> memref<1x128xi32, #tpu.memory_space<vmem>>
        %dma_start3A_1076 = tpu.memref_squeeze %dma_start3A_1075 : memref<1x128xi32, #tpu.memory_space<vmem>> -> memref<128xi32, #tpu.memory_space<vmem>>
        %dma_start3A_1077 = arith.constant 0 : i32
        %dma_start3A_1078 = tpu.memref_slice %arg20[%dma_start3A_1077] : memref<65536xf32, #tpu.memory_space<vmem_shared>> -> memref<65536xf32, #tpu.memory_space<vmem_shared>>
        tpu.enqueue_indirect_dma source(%dma_start3A_1073 : memref<128xf32, #tpu.memory_space<vmem>>) target(%dma_start3A_1078 : memref<65536xf32, #tpu.memory_space<vmem_shared>>) offsets(%dma_start3A_1076 : memref<128xi32, #tpu.memory_space<vmem>>) semaphore(%arg22 : memref<!tpu.dma_semaphore, #tpu.memory_space<semaphore_mem>>) {add = true}
        %dma_start3A_1079 = arith.constant 0 : i32
        %dma_start3A_1080 = tpu.memref_slice %arg15[%add3A_1070, %dma_start3A_1079] : memref<16x128xf32, #tpu.memory_space<vmem>> -> memref<1x128xf32, #tpu.memory_space<vmem>>
        %dma_start3A_1081 = tpu.memref_squeeze %dma_start3A_1080 : memref<1x128xf32, #tpu.memory_space<vmem>> -> memref<128xf32, #tpu.memory_space<vmem>>
        %dma_start3A_1082 = arith.constant 0 : i32
        %dma_start3A_1083 = tpu.memref_slice %arg13[%add3A_1070, %dma_start3A_1082] : memref<16x128xi32, #tpu.memory_space<vmem>> -> memref<1x128xi32, #tpu.memory_space<vmem>>
        %dma_start3A_1084 = tpu.memref_squeeze %dma_start3A_1083 : memref<1x128xi32, #tpu.memory_space<vmem>> -> memref<128xi32, #tpu.memory_space<vmem>>
        %dma_start3A_1085 = arith.constant 0 : i32
        %dma_start3A_1086 = tpu.memref_slice %arg21[%dma_start3A_1085] : memref<65536xf32, #tpu.memory_space<vmem_shared>> -> memref<65536xf32, #tpu.memory_space<vmem_shared>>
        tpu.enqueue_indirect_dma source(%dma_start3A_1081 : memref<128xf32, #tpu.memory_space<vmem>>) target(%dma_start3A_1086 : memref<65536xf32, #tpu.memory_space<vmem_shared>>) offsets(%dma_start3A_1084 : memref<128xi32, #tpu.memory_space<vmem>>) semaphore(%arg22 : memref<!tpu.dma_semaphore, #tpu.memory_space<semaphore_mem>>) {add = true}
        %add3A_1087 = arith.constant 1 : i32
        %add3A_1088 = arith.addi %mul3A_510, %add3A_1087 : i32
        %dma_start3A_1089 = arith.constant 0 : i32
        %dma_start3A_1090 = tpu.memref_slice %arg14[%add3A_1088, %dma_start3A_1089] : memref<16x128xf32, #tpu.memory_space<vmem>> -> memref<1x128xf32, #tpu.memory_space<vmem>>
        %dma_start3A_1091 = tpu.memref_squeeze %dma_start3A_1090 : memref<1x128xf32, #tpu.memory_space<vmem>> -> memref<128xf32, #tpu.memory_space<vmem>>
        %dma_start3A_1092 = arith.constant 0 : i32
        %dma_start3A_1093 = tpu.memref_slice %arg13[%add3A_1088, %dma_start3A_1092] : memref<16x128xi32, #tpu.memory_space<vmem>> -> memref<1x128xi32, #tpu.memory_space<vmem>>
        %dma_start3A_1094 = tpu.memref_squeeze %dma_start3A_1093 : memref<1x128xi32, #tpu.memory_space<vmem>> -> memref<128xi32, #tpu.memory_space<vmem>>
        %dma_start3A_1095 = arith.constant 0 : i32
        %dma_start3A_1096 = tpu.memref_slice %arg20[%dma_start3A_1095] : memref<65536xf32, #tpu.memory_space<vmem_shared>> -> memref<65536xf32, #tpu.memory_space<vmem_shared>>
        tpu.enqueue_indirect_dma source(%dma_start3A_1091 : memref<128xf32, #tpu.memory_space<vmem>>) target(%dma_start3A_1096 : memref<65536xf32, #tpu.memory_space<vmem_shared>>) offsets(%dma_start3A_1094 : memref<128xi32, #tpu.memory_space<vmem>>) semaphore(%arg22 : memref<!tpu.dma_semaphore, #tpu.memory_space<semaphore_mem>>) {add = true}
        %dma_start3A_1097 = arith.constant 0 : i32
        %dma_start3A_1098 = tpu.memref_slice %arg15[%add3A_1088, %dma_start3A_1097] : memref<16x128xf32, #tpu.memory_space<vmem>> -> memref<1x128xf32, #tpu.memory_space<vmem>>
        %dma_start3A_1099 = tpu.memref_squeeze %dma_start3A_1098 : memref<1x128xf32, #tpu.memory_space<vmem>> -> memref<128xf32, #tpu.memory_space<vmem>>
        %dma_start3A_1100 = arith.constant 0 : i32
        %dma_start3A_1101 = tpu.memref_slice %arg13[%add3A_1088, %dma_start3A_1100] : memref<16x128xi32, #tpu.memory_space<vmem>> -> memref<1x128xi32, #tpu.memory_space<vmem>>
        %dma_start3A_1102 = tpu.memref_squeeze %dma_start3A_1101 : memref<1x128xi32, #tpu.memory_space<vmem>> -> memref<128xi32, #tpu.memory_space<vmem>>
        %dma_start3A_1103 = arith.constant 0 : i32
        %dma_start3A_1104 = tpu.memref_slice %arg21[%dma_start3A_1103] : memref<65536xf32, #tpu.memory_space<vmem_shared>> -> memref<65536xf32, #tpu.memory_space<vmem_shared>>
        tpu.enqueue_indirect_dma source(%dma_start3A_1099 : memref<128xf32, #tpu.memory_space<vmem>>) target(%dma_start3A_1104 : memref<65536xf32, #tpu.memory_space<vmem_shared>>) offsets(%dma_start3A_1102 : memref<128xi32, #tpu.memory_space<vmem>>) semaphore(%arg22 : memref<!tpu.dma_semaphore, #tpu.memory_space<semaphore_mem>>) {add = true}
      } else {
      }
      %while3A_1068 = arith.constant 0 : i64
      scf.yield %while3A_1068 : i64
    }
    %while3A_171 = arith.constant 0 : i32
    %while3A_172 = arith.constant 8 : i32
    %while3A_173 = arith.constant 0 : i64
    %while3A_174 = arith.subi %while3A_172, %while3A_171 : i32
    %while3A_175 = arith.addi %while3A_171, %while3A_174 : i32
    %while3A_176 = arith.constant 1 : i32
    %while3A_177 = arith.divsi %while3A_174, %while3A_176 : i32
    %while3A_178 = arith.muli %while3A_177, %while3A_176 : i32
    %while3A_179 = arith.addi %while3A_171, %while3A_178 : i32
    %while3A_180 = arith.constant 1 : i32
    %while3A_181 = scf.for %while3A_212 = %while3A_171 to %while3A_179 step %while3A_180 iter_args(%while3A_213 = %while3A_173) -> (i64)  : i32 {
      %dma_wait3A_214 = arith.constant 0 : i32
      %dma_wait3A_215 = tpu.memref_slice %arg16[%dma_wait3A_214] : memref<4096xf32, #tpu.memory_space<vmem>> -> memref<512xf32, #tpu.memory_space<vmem>>
      %dma_wait3A_216 = arith.constant 0 : i32
      %dma_wait3A_217 = tpu.memref_slice %arg2[%dma_wait3A_216] : memref<400384xf32, #tpu.memory_space<hbm>> -> memref<512xf32, #tpu.memory_space<hbm>>
      %dma_wait3A_218 = arith.constant 0 : i32
      %dma_wait3A_219 = tpu.memref_slice %arg16[%dma_wait3A_218] : memref<4096xf32, #tpu.memory_space<vmem>> -> memref<512xf32, #tpu.memory_space<vmem>>
      %dma_wait3A_220 = arith.constant 0 : i32
      %dma_wait3A_221 = tpu.memref_slice %arg2[%dma_wait3A_220] : memref<400384xf32, #tpu.memory_space<hbm>> -> memref<512xf32, #tpu.memory_space<hbm>>
      tpu.wait_dma2 semaphore(%arg22 : memref<!tpu.dma_semaphore, #tpu.memory_space<semaphore_mem>>) src(%dma_wait3A_221 : memref<512xf32, #tpu.memory_space<hbm>>) dst(%dma_wait3A_219 : memref<512xf32, #tpu.memory_space<vmem>>)
      %while3A_222 = arith.constant 0 : i64
      scf.yield %while3A_222 : i64
    }
    %while3A_182 = arith.constant 1 : i32
    %while3A_183 = scf.for %while3A_212 = %while3A_179 to %while3A_175 step %while3A_182 iter_args(%while3A_213 = %while3A_181) -> (i64)  : i32 {
      %dma_wait3A_214 = arith.constant 0 : i32
      %dma_wait3A_215 = tpu.memref_slice %arg16[%dma_wait3A_214] : memref<4096xf32, #tpu.memory_space<vmem>> -> memref<512xf32, #tpu.memory_space<vmem>>
      %dma_wait3A_216 = arith.constant 0 : i32
      %dma_wait3A_217 = tpu.memref_slice %arg2[%dma_wait3A_216] : memref<400384xf32, #tpu.memory_space<hbm>> -> memref<512xf32, #tpu.memory_space<hbm>>
      %dma_wait3A_218 = arith.constant 0 : i32
      %dma_wait3A_219 = tpu.memref_slice %arg16[%dma_wait3A_218] : memref<4096xf32, #tpu.memory_space<vmem>> -> memref<512xf32, #tpu.memory_space<vmem>>
      %dma_wait3A_220 = arith.constant 0 : i32
      %dma_wait3A_221 = tpu.memref_slice %arg2[%dma_wait3A_220] : memref<400384xf32, #tpu.memory_space<hbm>> -> memref<512xf32, #tpu.memory_space<hbm>>
      tpu.wait_dma2 semaphore(%arg22 : memref<!tpu.dma_semaphore, #tpu.memory_space<semaphore_mem>>) src(%dma_wait3A_221 : memref<512xf32, #tpu.memory_space<hbm>>) dst(%dma_wait3A_219 : memref<512xf32, #tpu.memory_space<vmem>>)
      %while3A_222 = arith.constant 0 : i64
      scf.yield %while3A_222 : i64
    }
    %barrier3A_184 = arith.constant 0 : index
    tpu.barrier barrier_id(%barrier3A_184)
    "tpu.region"() ({
      %run_scoped3A_212 = tpu.sem_alloc : memref<!tpu.dma_semaphore, #tpu.memory_space<semaphore_mem>>
      %dma_start3A_213 = arith.constant 0 : i32
      %dma_start3A_214 = tpu.memref_slice %arg11[%dma_start3A_213] : memref<16384xf32, #tpu.memory_space<vmem>> -> memref<4096xf32, #tpu.memory_space<vmem>>
      %dma_start3A_215 = tpu.memref_slice %arg18[%mul3A_16] : memref<65536xf32, #tpu.memory_space<vmem_shared>> -> memref<4096xf32, #tpu.memory_space<vmem_shared>>
      %dma_start3A_216 = arith.constant 0 : i32
      %dma_start3A_217 = tpu.memref_slice %arg11[%dma_start3A_216] : memref<16384xf32, #tpu.memory_space<vmem>> -> memref<4096xf32, #tpu.memory_space<vmem>>
      %dma_start3A_218 = tpu.memref_slice %arg18[%mul3A_16] : memref<65536xf32, #tpu.memory_space<vmem_shared>> -> memref<4096xf32, #tpu.memory_space<vmem_shared>>
      tpu.enqueue_dma source(%dma_start3A_218 : memref<4096xf32, #tpu.memory_space<vmem_shared>>) target(%dma_start3A_217 : memref<4096xf32, #tpu.memory_space<vmem>>) target_semaphore(%run_scoped3A_212 : memref<!tpu.dma_semaphore, #tpu.memory_space<semaphore_mem>>)
      %dma_wait3A_219 = arith.constant 0 : i32
      %dma_wait3A_220 = tpu.memref_slice %arg11[%dma_wait3A_219] : memref<16384xf32, #tpu.memory_space<vmem>> -> memref<4096xf32, #tpu.memory_space<vmem>>
      %dma_wait3A_221 = tpu.memref_slice %arg18[%mul3A_16] : memref<65536xf32, #tpu.memory_space<vmem_shared>> -> memref<4096xf32, #tpu.memory_space<vmem_shared>>
      %dma_wait3A_222 = arith.constant 0 : i32
      %dma_wait3A_223 = tpu.memref_slice %arg11[%dma_wait3A_222] : memref<16384xf32, #tpu.memory_space<vmem>> -> memref<4096xf32, #tpu.memory_space<vmem>>
      %dma_wait3A_224 = tpu.memref_slice %arg18[%mul3A_16] : memref<65536xf32, #tpu.memory_space<vmem_shared>> -> memref<4096xf32, #tpu.memory_space<vmem_shared>>
      tpu.wait_dma2 semaphore(%run_scoped3A_212 : memref<!tpu.dma_semaphore, #tpu.memory_space<semaphore_mem>>) src(%dma_wait3A_224 : memref<4096xf32, #tpu.memory_space<vmem_shared>>) dst(%dma_wait3A_223 : memref<4096xf32, #tpu.memory_space<vmem>>)
      tpu.yield
    }) : () -> ()
    "tpu.region"() ({
      %run_scoped3A_212 = tpu.sem_alloc : memref<!tpu.dma_semaphore, #tpu.memory_space<semaphore_mem>>
      %dma_start3A_213 = arith.constant 0 : i32
      %dma_start3A_214 = tpu.memref_slice %arg12[%dma_start3A_213] : memref<16384xf32, #tpu.memory_space<vmem>> -> memref<4096xf32, #tpu.memory_space<vmem>>
      %dma_start3A_215 = tpu.memref_slice %arg20[%mul3A_16] : memref<65536xf32, #tpu.memory_space<vmem_shared>> -> memref<4096xf32, #tpu.memory_space<vmem_shared>>
      %dma_start3A_216 = arith.constant 0 : i32
      %dma_start3A_217 = tpu.memref_slice %arg12[%dma_start3A_216] : memref<16384xf32, #tpu.memory_space<vmem>> -> memref<4096xf32, #tpu.memory_space<vmem>>
      %dma_start3A_218 = tpu.memref_slice %arg20[%mul3A_16] : memref<65536xf32, #tpu.memory_space<vmem_shared>> -> memref<4096xf32, #tpu.memory_space<vmem_shared>>
      tpu.enqueue_dma source(%dma_start3A_218 : memref<4096xf32, #tpu.memory_space<vmem_shared>>) target(%dma_start3A_217 : memref<4096xf32, #tpu.memory_space<vmem>>) target_semaphore(%run_scoped3A_212 : memref<!tpu.dma_semaphore, #tpu.memory_space<semaphore_mem>>)
      %dma_wait3A_219 = arith.constant 0 : i32
      %dma_wait3A_220 = tpu.memref_slice %arg12[%dma_wait3A_219] : memref<16384xf32, #tpu.memory_space<vmem>> -> memref<4096xf32, #tpu.memory_space<vmem>>
      %dma_wait3A_221 = tpu.memref_slice %arg20[%mul3A_16] : memref<65536xf32, #tpu.memory_space<vmem_shared>> -> memref<4096xf32, #tpu.memory_space<vmem_shared>>
      %dma_wait3A_222 = arith.constant 0 : i32
      %dma_wait3A_223 = tpu.memref_slice %arg12[%dma_wait3A_222] : memref<16384xf32, #tpu.memory_space<vmem>> -> memref<4096xf32, #tpu.memory_space<vmem>>
      %dma_wait3A_224 = tpu.memref_slice %arg20[%mul3A_16] : memref<65536xf32, #tpu.memory_space<vmem_shared>> -> memref<4096xf32, #tpu.memory_space<vmem_shared>>
      tpu.wait_dma2 semaphore(%run_scoped3A_212 : memref<!tpu.dma_semaphore, #tpu.memory_space<semaphore_mem>>) src(%dma_wait3A_224 : memref<4096xf32, #tpu.memory_space<vmem_shared>>) dst(%dma_wait3A_223 : memref<4096xf32, #tpu.memory_space<vmem>>)
      tpu.yield
    }) : () -> ()
    %while3A_185 = arith.constant 0 : i32
    %while3A_186 = arith.constant 256 : i32
    %while3A_187 = arith.constant 0 : i64
    %while3A_188 = arith.subi %while3A_186, %while3A_185 : i32
    %while3A_189 = arith.addi %while3A_185, %while3A_188 : i32
    %while3A_190 = arith.constant 1 : i32
    %while3A_191 = arith.divsi %while3A_188, %while3A_190 : i32
    %while3A_192 = arith.muli %while3A_191, %while3A_190 : i32
    %while3A_193 = arith.addi %while3A_185, %while3A_192 : i32
    %while3A_194 = arith.constant 1 : i32
    %while3A_195 = scf.for %while3A_212 = %while3A_185 to %while3A_193 step %while3A_194 iter_args(%while3A_213 = %while3A_187) -> (i64)  : i32 {
      %mul3A_214 = arith.constant 16 : i32
      %mul3A_215 = arith.muli %while3A_212, %mul3A_214 : i32
      %get3A_216 = arith.index_cast %mul3A_215 : i32 to index
      %get3A_217 = tpu.vector_load %arg11[%get3A_216] {strides = array<i32>} : memref<16384xf32, #tpu.memory_space<vmem>>, vector<16xf32>,
      %get3A_218 = arith.index_cast %mul3A_215 : i32 to index
      %get3A_219 = tpu.vector_load %arg12[%get3A_218] {strides = array<i32>} : memref<16384xf32, #tpu.memory_space<vmem>>, vector<16xf32>,
      %add3A_220 = arith.addf %get3A_217, %get3A_219 : vector<16xf32>
      %swap3A = arith.index_cast %mul3A_215 : i32 to index
      %swap3A_221 = tpu.vector_load %arg16[%swap3A] {strides = array<i32>} : memref<4096xf32, #tpu.memory_space<vmem>>, vector<16xf32>,
      tpu.vector_store %arg16[%swap3A], %add3A_220 {strides = array<i32>} : memref<4096xf32, #tpu.memory_space<vmem>>, vector<16xf32>,
      %while3A_222 = arith.constant 0 : i64
      scf.yield %while3A_222 : i64
    }
    %while3A_196 = arith.constant 1 : i32
    %while3A_197 = scf.for %while3A_212 = %while3A_193 to %while3A_189 step %while3A_196 iter_args(%while3A_213 = %while3A_195) -> (i64)  : i32 {
      %mul3A_214 = arith.constant 16 : i32
      %mul3A_215 = arith.muli %while3A_212, %mul3A_214 : i32
      %get3A_216 = arith.index_cast %mul3A_215 : i32 to index
      %get3A_217 = tpu.vector_load %arg11[%get3A_216] {strides = array<i32>} : memref<16384xf32, #tpu.memory_space<vmem>>, vector<16xf32>,
      %get3A_218 = arith.index_cast %mul3A_215 : i32 to index
      %get3A_219 = tpu.vector_load %arg12[%get3A_218] {strides = array<i32>} : memref<16384xf32, #tpu.memory_space<vmem>>, vector<16xf32>,
      %add3A_220 = arith.addf %get3A_217, %get3A_219 : vector<16xf32>
      %swap3A = arith.index_cast %mul3A_215 : i32 to index
      %swap3A_221 = tpu.vector_load %arg16[%swap3A] {strides = array<i32>} : memref<4096xf32, #tpu.memory_space<vmem>>, vector<16xf32>,
      tpu.vector_store %arg16[%swap3A], %add3A_220 {strides = array<i32>} : memref<4096xf32, #tpu.memory_space<vmem>>, vector<16xf32>,
      %while3A_222 = arith.constant 0 : i64
      scf.yield %while3A_222 : i64
    }
    %run_scoped3A = arith.constant 0 : i32
    "tpu.region"() ({
      %run_scoped3A_212 = tpu.sem_alloc : memref<!tpu.dma_semaphore, #tpu.memory_space<semaphore_mem>>
      %dma_start3A_213 = tpu.memref_slice %arg6[%arg0, %run_scoped3A, %mul3A_16] : memref<2x2x65536xf32, #tpu.memory_space<hbm>> -> memref<1x1x4096xf32, #tpu.memory_space<hbm>>
      %dma_start3A_214 = tpu.memref_squeeze %dma_start3A_213 : memref<1x1x4096xf32, #tpu.memory_space<hbm>> -> memref<4096xf32, #tpu.memory_space<hbm>>
      %dma_start3A_215 = tpu.memref_slice %arg6[%arg0, %run_scoped3A, %mul3A_16] : memref<2x2x65536xf32, #tpu.memory_space<hbm>> -> memref<1x1x4096xf32, #tpu.memory_space<hbm>>
      %dma_start3A_216 = tpu.memref_squeeze %dma_start3A_215 : memref<1x1x4096xf32, #tpu.memory_space<hbm>> -> memref<4096xf32, #tpu.memory_space<hbm>>
      tpu.enqueue_dma source(%arg16 : memref<4096xf32, #tpu.memory_space<vmem>>) target(%dma_start3A_216 : memref<4096xf32, #tpu.memory_space<hbm>>) target_semaphore(%run_scoped3A_212 : memref<!tpu.dma_semaphore, #tpu.memory_space<semaphore_mem>>)
      %dma_wait3A_217 = tpu.memref_slice %arg6[%arg0, %run_scoped3A, %mul3A_16] : memref<2x2x65536xf32, #tpu.memory_space<hbm>> -> memref<1x1x4096xf32, #tpu.memory_space<hbm>>
      %dma_wait3A_218 = tpu.memref_squeeze %dma_wait3A_217 : memref<1x1x4096xf32, #tpu.memory_space<hbm>> -> memref<4096xf32, #tpu.memory_space<hbm>>
      %dma_wait3A_219 = tpu.memref_slice %arg6[%arg0, %run_scoped3A, %mul3A_16] : memref<2x2x65536xf32, #tpu.memory_space<hbm>> -> memref<1x1x4096xf32, #tpu.memory_space<hbm>>
      %dma_wait3A_220 = tpu.memref_squeeze %dma_wait3A_219 : memref<1x1x4096xf32, #tpu.memory_space<hbm>> -> memref<4096xf32, #tpu.memory_space<hbm>>
      tpu.wait_dma2 semaphore(%run_scoped3A_212 : memref<!tpu.dma_semaphore, #tpu.memory_space<semaphore_mem>>) src(%arg16 : memref<4096xf32, #tpu.memory_space<vmem>>) dst(%dma_wait3A_220 : memref<4096xf32, #tpu.memory_space<hbm>>)
      tpu.yield
    }) : () -> ()
    "tpu.region"() ({
      %run_scoped3A_212 = tpu.sem_alloc : memref<!tpu.dma_semaphore, #tpu.memory_space<semaphore_mem>>
      %dma_start3A_213 = arith.constant 0 : i32
      %dma_start3A_214 = tpu.memref_slice %arg11[%dma_start3A_213] : memref<16384xf32, #tpu.memory_space<vmem>> -> memref<4096xf32, #tpu.memory_space<vmem>>
      %dma_start3A_215 = tpu.memref_slice %arg19[%mul3A_16] : memref<65536xf32, #tpu.memory_space<vmem_shared>> -> memref<4096xf32, #tpu.memory_space<vmem_shared>>
      %dma_start3A_216 = arith.constant 0 : i32
      %dma_start3A_217 = tpu.memref_slice %arg11[%dma_start3A_216] : memref<16384xf32, #tpu.memory_space<vmem>> -> memref<4096xf32, #tpu.memory_space<vmem>>
      %dma_start3A_218 = tpu.memref_slice %arg19[%mul3A_16] : memref<65536xf32, #tpu.memory_space<vmem_shared>> -> memref<4096xf32, #tpu.memory_space<vmem_shared>>
      tpu.enqueue_dma source(%dma_start3A_218 : memref<4096xf32, #tpu.memory_space<vmem_shared>>) target(%dma_start3A_217 : memref<4096xf32, #tpu.memory_space<vmem>>) target_semaphore(%run_scoped3A_212 : memref<!tpu.dma_semaphore, #tpu.memory_space<semaphore_mem>>)
      %dma_wait3A_219 = arith.constant 0 : i32
      %dma_wait3A_220 = tpu.memref_slice %arg11[%dma_wait3A_219] : memref<16384xf32, #tpu.memory_space<vmem>> -> memref<4096xf32, #tpu.memory_space<vmem>>
      %dma_wait3A_221 = tpu.memref_slice %arg19[%mul3A_16] : memref<65536xf32, #tpu.memory_space<vmem_shared>> -> memref<4096xf32, #tpu.memory_space<vmem_shared>>
      %dma_wait3A_222 = arith.constant 0 : i32
      %dma_wait3A_223 = tpu.memref_slice %arg11[%dma_wait3A_222] : memref<16384xf32, #tpu.memory_space<vmem>> -> memref<4096xf32, #tpu.memory_space<vmem>>
      %dma_wait3A_224 = tpu.memref_slice %arg19[%mul3A_16] : memref<65536xf32, #tpu.memory_space<vmem_shared>> -> memref<4096xf32, #tpu.memory_space<vmem_shared>>
      tpu.wait_dma2 semaphore(%run_scoped3A_212 : memref<!tpu.dma_semaphore, #tpu.memory_space<semaphore_mem>>) src(%dma_wait3A_224 : memref<4096xf32, #tpu.memory_space<vmem_shared>>) dst(%dma_wait3A_223 : memref<4096xf32, #tpu.memory_space<vmem>>)
      tpu.yield
    }) : () -> ()
    "tpu.region"() ({
      %run_scoped3A_212 = tpu.sem_alloc : memref<!tpu.dma_semaphore, #tpu.memory_space<semaphore_mem>>
      %dma_start3A_213 = arith.constant 0 : i32
      %dma_start3A_214 = tpu.memref_slice %arg12[%dma_start3A_213] : memref<16384xf32, #tpu.memory_space<vmem>> -> memref<4096xf32, #tpu.memory_space<vmem>>
      %dma_start3A_215 = tpu.memref_slice %arg21[%mul3A_16] : memref<65536xf32, #tpu.memory_space<vmem_shared>> -> memref<4096xf32, #tpu.memory_space<vmem_shared>>
      %dma_start3A_216 = arith.constant 0 : i32
      %dma_start3A_217 = tpu.memref_slice %arg12[%dma_start3A_216] : memref<16384xf32, #tpu.memory_space<vmem>> -> memref<4096xf32, #tpu.memory_space<vmem>>
      %dma_start3A_218 = tpu.memref_slice %arg21[%mul3A_16] : memref<65536xf32, #tpu.memory_space<vmem_shared>> -> memref<4096xf32, #tpu.memory_space<vmem_shared>>
      tpu.enqueue_dma source(%dma_start3A_218 : memref<4096xf32, #tpu.memory_space<vmem_shared>>) target(%dma_start3A_217 : memref<4096xf32, #tpu.memory_space<vmem>>) target_semaphore(%run_scoped3A_212 : memref<!tpu.dma_semaphore, #tpu.memory_space<semaphore_mem>>)
      %dma_wait3A_219 = arith.constant 0 : i32
      %dma_wait3A_220 = tpu.memref_slice %arg12[%dma_wait3A_219] : memref<16384xf32, #tpu.memory_space<vmem>> -> memref<4096xf32, #tpu.memory_space<vmem>>
      %dma_wait3A_221 = tpu.memref_slice %arg21[%mul3A_16] : memref<65536xf32, #tpu.memory_space<vmem_shared>> -> memref<4096xf32, #tpu.memory_space<vmem_shared>>
      %dma_wait3A_222 = arith.constant 0 : i32
      %dma_wait3A_223 = tpu.memref_slice %arg12[%dma_wait3A_222] : memref<16384xf32, #tpu.memory_space<vmem>> -> memref<4096xf32, #tpu.memory_space<vmem>>
      %dma_wait3A_224 = tpu.memref_slice %arg21[%mul3A_16] : memref<65536xf32, #tpu.memory_space<vmem_shared>> -> memref<4096xf32, #tpu.memory_space<vmem_shared>>
      tpu.wait_dma2 semaphore(%run_scoped3A_212 : memref<!tpu.dma_semaphore, #tpu.memory_space<semaphore_mem>>) src(%dma_wait3A_224 : memref<4096xf32, #tpu.memory_space<vmem_shared>>) dst(%dma_wait3A_223 : memref<4096xf32, #tpu.memory_space<vmem>>)
      tpu.yield
    }) : () -> ()
    %while3A_198 = arith.constant 0 : i32
    %while3A_199 = arith.constant 256 : i32
    %while3A_200 = arith.constant 0 : i64
    %while3A_201 = arith.subi %while3A_199, %while3A_198 : i32
    %while3A_202 = arith.addi %while3A_198, %while3A_201 : i32
    %while3A_203 = arith.constant 1 : i32
    %while3A_204 = arith.divsi %while3A_201, %while3A_203 : i32
    %while3A_205 = arith.muli %while3A_204, %while3A_203 : i32
    %while3A_206 = arith.addi %while3A_198, %while3A_205 : i32
    %while3A_207 = arith.constant 1 : i32
    %while3A_208 = scf.for %while3A_212 = %while3A_198 to %while3A_206 step %while3A_207 iter_args(%while3A_213 = %while3A_200) -> (i64)  : i32 {
      %mul3A_214 = arith.constant 16 : i32
      %mul3A_215 = arith.muli %while3A_212, %mul3A_214 : i32
      %get3A_216 = arith.index_cast %mul3A_215 : i32 to index
      %get3A_217 = tpu.vector_load %arg11[%get3A_216] {strides = array<i32>} : memref<16384xf32, #tpu.memory_space<vmem>>, vector<16xf32>,
      %get3A_218 = arith.index_cast %mul3A_215 : i32 to index
      %get3A_219 = tpu.vector_load %arg12[%get3A_218] {strides = array<i32>} : memref<16384xf32, #tpu.memory_space<vmem>>, vector<16xf32>,
      %add3A_220 = arith.addf %get3A_217, %get3A_219 : vector<16xf32>
      %swap3A = arith.index_cast %mul3A_215 : i32 to index
      %swap3A_221 = tpu.vector_load %arg16[%swap3A] {strides = array<i32>} : memref<4096xf32, #tpu.memory_space<vmem>>, vector<16xf32>,
      tpu.vector_store %arg16[%swap3A], %add3A_220 {strides = array<i32>} : memref<4096xf32, #tpu.memory_space<vmem>>, vector<16xf32>,
      %while3A_222 = arith.constant 0 : i64
      scf.yield %while3A_222 : i64
    }
    %while3A_209 = arith.constant 1 : i32
    %while3A_210 = scf.for %while3A_212 = %while3A_206 to %while3A_202 step %while3A_209 iter_args(%while3A_213 = %while3A_208) -> (i64)  : i32 {
      %mul3A_214 = arith.constant 16 : i32
      %mul3A_215 = arith.muli %while3A_212, %mul3A_214 : i32
      %get3A_216 = arith.index_cast %mul3A_215 : i32 to index
      %get3A_217 = tpu.vector_load %arg11[%get3A_216] {strides = array<i32>} : memref<16384xf32, #tpu.memory_space<vmem>>, vector<16xf32>,
      %get3A_218 = arith.index_cast %mul3A_215 : i32 to index
      %get3A_219 = tpu.vector_load %arg12[%get3A_218] {strides = array<i32>} : memref<16384xf32, #tpu.memory_space<vmem>>, vector<16xf32>,
      %add3A_220 = arith.addf %get3A_217, %get3A_219 : vector<16xf32>
      %swap3A = arith.index_cast %mul3A_215 : i32 to index
      %swap3A_221 = tpu.vector_load %arg16[%swap3A] {strides = array<i32>} : memref<4096xf32, #tpu.memory_space<vmem>>, vector<16xf32>,
      tpu.vector_store %arg16[%swap3A], %add3A_220 {strides = array<i32>} : memref<4096xf32, #tpu.memory_space<vmem>>, vector<16xf32>,
      %while3A_222 = arith.constant 0 : i64
      scf.yield %while3A_222 : i64
    }
    %run_scoped3A_211 = arith.constant 1 : i32
    "tpu.region"() ({
      %run_scoped3A_212 = tpu.sem_alloc : memref<!tpu.dma_semaphore, #tpu.memory_space<semaphore_mem>>
      %dma_start3A_213 = tpu.memref_slice %arg6[%arg0, %run_scoped3A_211, %mul3A_16] : memref<2x2x65536xf32, #tpu.memory_space<hbm>> -> memref<1x1x4096xf32, #tpu.memory_space<hbm>>
      %dma_start3A_214 = tpu.memref_squeeze %dma_start3A_213 : memref<1x1x4096xf32, #tpu.memory_space<hbm>> -> memref<4096xf32, #tpu.memory_space<hbm>>
      %dma_start3A_215 = tpu.memref_slice %arg6[%arg0, %run_scoped3A_211, %mul3A_16] : memref<2x2x65536xf32, #tpu.memory_space<hbm>> -> memref<1x1x4096xf32, #tpu.memory_space<hbm>>
      %dma_start3A_216 = tpu.memref_squeeze %dma_start3A_215 : memref<1x1x4096xf32, #tpu.memory_space<hbm>> -> memref<4096xf32, #tpu.memory_space<hbm>>
      tpu.enqueue_dma source(%arg16 : memref<4096xf32, #tpu.memory_space<vmem>>) target(%dma_start3A_216 : memref<4096xf32, #tpu.memory_space<hbm>>) target_semaphore(%run_scoped3A_212 : memref<!tpu.dma_semaphore, #tpu.memory_space<semaphore_mem>>)
      %dma_wait3A_217 = tpu.memref_slice %arg6[%arg0, %run_scoped3A_211, %mul3A_16] : memref<2x2x65536xf32, #tpu.memory_space<hbm>> -> memref<1x1x4096xf32, #tpu.memory_space<hbm>>
      %dma_wait3A_218 = tpu.memref_squeeze %dma_wait3A_217 : memref<1x1x4096xf32, #tpu.memory_space<hbm>> -> memref<4096xf32, #tpu.memory_space<hbm>>
      %dma_wait3A_219 = tpu.memref_slice %arg6[%arg0, %run_scoped3A_211, %mul3A_16] : memref<2x2x65536xf32, #tpu.memory_space<hbm>> -> memref<1x1x4096xf32, #tpu.memory_space<hbm>>
      %dma_wait3A_220 = tpu.memref_squeeze %dma_wait3A_219 : memref<1x1x4096xf32, #tpu.memory_space<hbm>> -> memref<4096xf32, #tpu.memory_space<hbm>>
      tpu.wait_dma2 semaphore(%run_scoped3A_212 : memref<!tpu.dma_semaphore, #tpu.memory_space<semaphore_mem>>) src(%arg16 : memref<4096xf32, #tpu.memory_space<vmem>>) dst(%dma_wait3A_220 : memref<4096xf32, #tpu.memory_space<hbm>>)
      tpu.yield
    }) : () -> ()
    return
  }
}

</mosaic_0001>

<sc_bundles>
// kernel: _sc_stage.3.cloned.1.call-start
scs
__scs_entry_jumppad:
0x0: {  	(pc) =	sbr.rel $0x88, $3  }
0x1: {  	(tag) =	ssettag $0x0;
	lr =	simm.s32 $0x1  }
0x2: {  	[smem:$0x3F9D] =	sst lr;
	_ =	strace $0xD0000000  }
0x3: {  	_ = 	snop  }
0x4: {  	_ = 	snop  }
0x5: {  	_ = 	snop  }
0x6: {  	_ = 	snop  }
0x7: {  	_ = 	snop  }
__scs_overlays_trampoline_lowered:
0x8: {  	[smem:$0x3FAC] =	sst s0  }
0x9: {  	[smem:$0x3FAD] =	sst s1  }
0xa: {  	[smem:$0x3FAE] =	sst s2  }
0xb: {  	[smem:$0x3FAF] =	sst s3  }
0xc: {  	[smem:$0x3FB0] =	sst s4  }
0xd: {  	[smem:$0x3FB1] =	sst s5  }
0xe: {  	[smem:$0x3FB2] =	sst s6  }
0xf: {  	[smem:$0x3FB3] =	sst s7  }
0x10: {  	[smem:$0x3FB4] =	sst s8  }
0x11: {  	[smem:$0x3FB5] =	sst s9;
	s0 =	simm.s32 @!p0 $0x0  }
0x12: {  	s1 =	sld [smem:$0x3F9B];
	s0 =	simm.s32 @p0 $0x1  }
0x13: {  	[smem:$0x3FB6] =	sst s0;
	s0 =	simm.s32 @!p1 $0x0  }
0x14: {  	s2 =	sld [smem:$0x3F9A];
	s0 =	simm.s32 @p1 $0x1  }
0x15: {  	[smem:$0x3FB7] =	sst s0;
	s0 =	simm.s32 @!p2 $0x0  }
0x16: {  	s3 =	sld [smem:$0x3FDB];
	s0 =	simm.s32 @p2 $0x1  }
0x17: {  	s4 =	simm.s32 $0x1BF5;
	[smem:$0x3FB9] =	sst s0  }
0x18: {  	s0 =	sld [smem:$0x3F9C];
	_ =	swait.ge [sflag:s4], $0x0  }
0x19: {  	s7 =	sld [smem:$0x3F9D]  }
0x1a: {  	s8 =	sadd.s32 $0xFFFFE003, lr  }
0x1b: {  	s9 =	sadd.s32 $0xFFFFFEF7, lr;
	s5 =	simm.s32 $0xFFFFFFFF;
	p2 =	slt.u32 s8, $0xFFFFF086  }
0x1c: {  	p1 =	slt.u32 s9, $0xF7A;
	s5 =	simm.s32 @!p2 $0x0  }
0x1d: {  	s5 =	simm.s32 @p1 $0x1;
	p0 =	seq.s32 s7, s2  }
0x1e: {  	s7 =	smul.u32 @!p0 $0xF7A, s2;
	p2 =	seq.s32 @!p0 s5, $0x0  }
0x1f: {  	s9 =	smul.u32 $0xF7A, s1;
	s8 =	simm.s32 @!p0 $0x1BF5;
	p2 =	por !p2, p0  }
0x20: {  	[sflag:s8] =	ssyncset.s32 @!p0 $0xFFFFF086;
	s6 =	sadd.s32 @!p0 s3, s7;
	s7 =	simm.s32 @!p0 $0x108  }
0x21: {  	s3 =	sadd.s32 s3, s9;
	s6 =	sadd.s32 @!p0 $0x88, s6;
	s7 =	simm.s32 @p2 $0x1082  }
0x22: {  	[simem:s7], [sflag:s8] =	dma.local @!p0 [hbm:s6], $0xF7A  }
0x23: {  	s9 =	sor.u32 $0xD0000000, s2;
	s6 =	simm.s32 $0x108;
	_ =	swait.ge @!p0 [sflag:s8], $0x0  }
0x24: {  	s3 =	sadd.s32 $0x88, s3;
	s6 =	simm.s32 @!p1 $0x1082;
	[sflag:s4] =	ssyncset.s32 $0xFFFFF086  }
0x25: {  	[simem:s6], [sflag:s4] =	dma.local [hbm:s3], $0xF7A  }
0x26: {  	[smem:$0x3F9D] =	sst s1;
	(tag) =	ssettag s2;
	_ =	strace s9  }
0x27: {  	s1 =	sld [smem:$0x3FAD]  }
0x28: {  	s2 =	sld [smem:$0x3FAE]  }
0x29: {  	s4 =	sld [smem:$0x3FB0]  }
0x2a: {  	p0 =	seq.s32 s5, $0x0;
	s5 =	sld [smem:$0x3FB1]  }
0x2b: {  	s6 =	sld [smem:$0x3FB2]  }
0x2c: {  	s7 =	sld [smem:$0x3FB3]  }
0x2d: {  	s3 =	simm.s32 $0x108;
	s8 =	sld [smem:$0x3FB4]  }
0x2e: {  	s3 =	simm.s32 @!p0 $0x1082;
	s9 =	sld [smem:$0x3FB5]  }
0x2f: {  	lr =	sadd.s32 s0, s3;
	s0 =	sld [smem:$0x3FAC]  }
0x30: {  	s3 =	sld [smem:$0x3FAF]  }
0x31: {  	[smem:$0x3FB8] =	sst s10  }
0x32: {  	s10 =	sld [smem:$0x3FB6];
	_ =	sdelay $0x3  }
0x33: {  	p0 =	seq.s32 s10, $0x1;
	s10 =	sld [smem:$0x3FB8];
	_ =	sdelay $0x3  }
0x34: {  	[smem:$0x3FB8] =	sst s10  }
0x35: {  	s10 =	sld [smem:$0x3FB7];
	_ =	sdelay $0x3  }
0x36: {  	p1 =	seq.s32 s10, $0x1;
	s10 =	sld [smem:$0x3FB8];
	_ =	sdelay $0x3  }
0x37: {  	[smem:$0x3FB8] =	sst s10  }
0x38: {  	s10 =	sld [smem:$0x3FB9]  }
0x39: {  	_ = 	snop;
	(pc) =	sbr.ind lr, $3  }
0x3a: {  	_ = 	snop  }
0x3b: {  	_ = 	snop  }
0x3c: {  	p2 =	seq.s32 s10, $0x1;
	s10 =	sld [smem:$0x3FB8]  }
0x3d: {  	_ =	shalt  }
0x3e: {  	_ =	shalt  }
0x3f: {  	_ =	shalt  }
0x40: {  	_ =	shalt  }
0x41: {  	_ =	shalt  }
0x42: {  	_ =	shalt  }
0x43: {  	_ =	shalt  }
0x44: {  	_ =	shalt  }
0x45: {  	_ =	shalt  }
0x46: {  	_ =	shalt  }
0x47: {  	_ =	shalt  }
0x48: {  	_ =	shalt  }
0x49: {  	_ =	shalt  }
0x4a: {  	_ =	shalt  }
0x4b: {  	_ =	shalt  }
0x4c: {  	_ =	shalt  }
0x4d: {  	_ =	shalt  }
0x4e: {  	_ =	shalt  }
0x4f: {  	_ =	shalt  }
0x50: {  	_ =	shalt  }
0x51: {  	_ =	shalt  }
0x52: {  	_ =	shalt  }
0x53: {  	_ =	shalt  }
0x54: {  	_ =	shalt  }
0x55: {  	_ =	shalt  }
0x56: {  	_ =	shalt  }
0x57: {  	_ =	shalt  }
0x58: {  	_ =	shalt  }
0x59: {  	_ =	shalt  }
0x5a: {  	_ =	shalt  }
0x5b: {  	_ =	shalt  }
0x5c: {  	_ =	shalt  }
0x5d: {  	_ =	shalt  }
0x5e: {  	_ =	shalt  }
0x5f: {  	_ =	shalt  }
0x60: {  	_ =	shalt  }
0x61: {  	_ =	shalt  }
0x62: {  	_ =	shalt  }
0x63: {  	_ =	shalt  }
0x64: {  	_ =	shalt  }
0x65: {  	_ =	shalt  }
0x66: {  	_ =	shalt  }
0x67: {  	_ =	shalt  }
0x68: {  	_ =	shalt  }
0x69: {  	_ =	shalt  }
0x6a: {  	_ =	shalt  }
0x6b: {  	_ =	shalt  }
0x6c: {  	_ =	shalt  }
0x6d: {  	_ =	shalt  }
0x6e: {  	_ =	shalt  }
0x6f: {  	_ =	shalt  }
0x70: {  	_ =	shalt  }
0x71: {  	_ =	shalt  }
0x72: {  	_ =	shalt  }
0x73: {  	_ =	shalt  }
0x74: {  	_ =	shalt  }
0x75: {  	_ =	shalt  }
0x76: {  	_ =	shalt  }
0x77: {  	_ =	shalt  }
0x78: {  	_ =	shalt  }
0x79: {  	_ =	shalt  }
0x7a: {  	_ =	shalt  }
0x7b: {  	_ =	shalt  }
0x7c: {  	_ =	shalt  }
0x7d: {  	_ =	shalt  }
0x7e: {  	_ =	shalt  }
0x7f: {  	_ =	shalt  }
0x80: {  	_ =	shalt  }
0x81: {  	_ =	shalt  }
0x82: {  	_ =	shalt  }
0x83: {  	_ =	shalt  }
0x84: {  	_ =	shalt  }
0x85: {  	_ =	shalt  }
0x86: {  	_ =	shalt  }
0x87: {  	_ =	shalt  }
.Lfunc_end0:
.L_simem_size_0:
called_computation_lowered:
.L_overlay_start_0:
0x88: {  	s2 =	sld [smem:$0x3FD9]  }
0x89: {  	s3 =	sld [smem:$0x3FFE];
	_ =	sdelay $0x1  }
0x8a: {  	s1 =	srdreg.scid  }
0x8b: {  	s0 =	sand.u32 $0x1, s1  }
0x8c: {  	s18 =	sshll.u32 s0, $0xA;
	s2 =	sadd.s32 s3, s2  }
0x8d: {  	s2 =	sadd.s32 s2, s18  }
0x8e: {  	[smem:$0x3FC4] =	sst s2  }
0x8f: {  	_ = 	snop  }
0x90: {  	s2 =	sld [smem:$0x3FC9]  }
0x91: {  	s19 =	sld [smem:$0x3FC8]  }
0x92: {  	s4 =	sld [smem:$0x3FC7]  }
0x93: {  	s5 =	sld [smem:$0x3FC6]  }
0x94: {  	s6 =	sld [smem:$0x3FD0];
	(tm) =	ssettm $0x1  }
0x95: {  	s7 =	sld [smem:$0x3FFB];
	_ =	sdelay $0x3  }
0x96: {  	_ =	strace s7  }
0x97: {  	s7 =	sld [smem:$0x3FFC];
	_ =	sdelay $0x3  }
0x98: {  	_ =	strace s7  }
0x99: {  	s7 =	sld [smem:$0x3FFD];
	_ =	sdelay $0x3  }
0x9a: {  	_ =	strace s7  }
0x9b: {  	_ =	strace $0x8FFFFFFF  }
0x9c: {  	s20 =	sld [smem:$0x3FDB];
	_ =	sdelay $0x1  }
0x9d: {  	s8 =	simm.s32 $_scs_section_size  }
0x9e: {  	s9 =	simm.s32 $_size__tile_overlayer_lowered;
	s10 =	simm.s32 $_tile_overlayer_lowered  }
0x9f: {  	s23 =	simm.s32 $0x1BFF;
	s22 =	sshll.u32 s10, $0x1;
	s7 =	sadd.s32 s8, s20  }
0xa0: {  	s11 =	simm.s32 $0x0;
	s21 =	sshll.u32 s9, $0x1;
	s9 =	sadd.s32 s22, s7  }
0xa1: {  	[timem:s11], [sflag:s23] =	dma.local [hbm:s9], s21  }
0xa2: {  	_ =	swait.ge [sflag:s23], s21  }
0xa3: {  	s8 =	ssub.s32 $0x0, s21;
	[sflag:s23] =	ssyncset.done $0x0  }
0xa4: {  	[sflag:s23] =	ssyncadd.s32 s8;
	_ =	sdelay $0x1  }
0xa5: {  	s24 =	simm.s32 $0x1B8B  }
0xa6: {  	_ =	swait.ge [sflag:s24], $0x1  }
0xa7: {  	[sflag:s24] =	ssyncset.done $0x0  }
0xa8: {  	s25 =	simm.s32 $0x1B8E;
	[sflag:s24] =	ssyncadd.s32 $0xFFFFFFFF  }
0xa9: {  	s26 =	simm.s32 $execute0_lowered;
	[smem:$0x3FD2] =	sst s25  }
0xaa: {  	s8 =	sshll.u32 s26, $0x1;
	_ =	strace $0x80000046;
	[dreg:$0x1] =	wrdreg $0xFFFFFFFF  }
0xab: {  	s28 =	simm.s32 $_size_execute0_lowered;
	s7 =	sadd.s32 s7, s8;
	[dreg:$0x0] =	wrdreg $0x0  }
0xac: {  	s8 =	sshll.u32 s28, $0x1;
	[dreg:$0x2] =	wrdreg s7  }
0xad: {  	[dreg:$0x3] =	wrdreg s8  }
0xae: {  	[dreg:$0x4] =	wrdreg $0xC0  }
0xaf: {  	_ =	task [dreg:s11], $0x5FFFF  }
0xb0: {  	[dreg:$0x1] =	wrdreg $0xFFFFFFFF  }
0xb1: {  	[dreg:$0x0] =	wrdreg $0x60  }
0xb2: {  	[dreg:$0x2] =	wrdreg s2  }
0xb3: {  	[dreg:$0x3] =	wrdreg s19  }
0xb4: {  	[dreg:$0x4] =	wrdreg s4  }
0xb5: {  	[dreg:$0x5] =	wrdreg s5  }
0xb6: {  	[dreg:$0x6] =	wrdreg s6  }
0xb7: {  	[dreg:$0x7] =	wrdreg $0x196C00  }
0xb8: {  	[dreg:$0x8] =	wrdreg $0x1A6C00  }
0xb9: {  	[dreg:$0x9] =	wrdreg $0x1B6C00  }
0xba: {  	[dreg:$0xa] =	wrdreg $0x1C6C00  }
0xbb: {  	[dreg:$0xb] =	wrdreg $0x135000  }
0xbc: {  	[dreg:$0xc] =	wrdreg $0x9  }
0xbd: {  	_ =	task.clear_ibuf [dreg:s11], $0xDFFFF;
	_ =	strace $0x90000046  }
0xbe: {  	s29 =	simm.s32 $0x9;
	_ =	strace $0x80000048  }
0xbf: {  	_ =	swait.ge [sflag:s29], $0x1  }
0xc0: {  	[sflag:s29] =	ssyncadd.s32 $0xFFFFFFFF  }
0xc1: {  	_ =	strace $0x90000048  }
0xc2: {  	_ =	sfence  }
0xc3: {  	s30 =	sld [smem:$0x0];
	_ =	sdelay $0x2  }
0xc4: {  	s31 =	sshll.u32 s1, $0xD;
	s1 =	sshrl.u32 s1, $0x2  }
0xc5: {  	s3 =	sand.u32 $0x4000, s31;
	s1 =	sadd.s32 s1, s30  }
0xc6: {  	s0 =	sor.u32 s3, s0;
	s1 =	sshll.u32 s1, $0x11  }
0xc7: {  	s0 =	sor.u32 s1, s0  }
0xc8: {  	s0 =	sadd.s32 $0x8F2B, s0  }
0xc9: {  	[sflag:s0] =	ssyncadd.remote.s32 $0x1  }
0xca: {  	_ =	sfence.sel $0xFFFF  }
0xcb: {  	[dreg:$0x0] =	wrdreg $0xFFFFFFFF;
	(pc) =	sbr.abs _section_cstart, $3  }
0xcc: {  	[dreg:$0x1] =	wrdreg $0xFFFFFFFF  }
0xcd: {  	_ =	task.clear_ibuf [dreg:s11], $0x2FFFF;
	_ =	strace $0x9FFFFFFF  }
0xce: {  	(tm) =	ssettm $0x7FFFFFFF  }
0xcf: {  	_ =	shalt  }
tec
execute0_lowered:
.L_overlay_start_1:
0x0: {  	(tag) =	ssettag $0x1  }
0x1: {  	s0 =	rddreg [dreg:$0x0]  }
0x2: {  	s1 =	rddreg [dreg:$0x1]  }
0x3: {  	s5 =	rddreg [dreg:$0x3]  }
0x4: {  	s11 =	rddreg [dreg:$0x4]  }
0x5: {  	s12 =	rddreg [dreg:$0x5]  }
0x6: {  	s13 =	rddreg [dreg:$0x6]  }
0x7: {  	s2 =	rddreg [dreg:$0x7]  }
0x8: {  	s3 =	rddreg [dreg:$0x8]  }
0x9: {  	s4 =	rddreg [dreg:$0x9]  }
0xa: {  	s7 =	srdreg.scid;
	s6 =	simm.s32 $0x0;
	s21 =	stileid.u32  }
0xb: {  	s22 =	simm.s32 $0xCD00;
	s23 =	simm.s32 $0x4;
	s31 =	simm.s32 $0x680  }
0xc: {  	s29 =	simm.s32 $0x2;
	s30 =	simm.s32 $0x80;
	s14 =	sand.u32 $0x1, s7  }
0xd: {  	[smem:$0x7FF] =	sst s6;
	s15 =	smul.u32 $0x61C0, s21;
	s19 =	sshll.u32 s21, $0xA  }
0xe: {  	s10 =	sshll.u32 s21, $0xC;
	p0 =	slt.u32 s21, $0x8;
	s7 =	ssub.s32 $0x2, s14  }
0xf: {  	v0 =	vimm.s32 $0xEFCDAB89;
	s9 =	sshll.u32 s14, $0x4;
	_ =	strace $0x80000047;
	s14 =	sshll.u32 s14, $0xE  }
0x10: {  	v1 =	vimm.s32 $0x67452301;
	v2 =	vimm.s32 $0xDCFE98BA;
	s8 =	sshrl.u32 s7, $0x1;
	s16 =	sor.u32 s21, s9;
	s18 =	sadd.s32 $0x30E0, s15  }
0x11: {  	v3 =	vimm.s32 $0x54761032;
	v4 =	vimm.s32 $0xBA98FEDC;
	v5 =	vimm.s32 $0x32107654;
	s9 =	sadd.s32 s10, s2;
	s20 =	sshrl.u32 s15, $0x3;
	s26 =	sor.u32 s19, s14  }
0x12: {  	v6 =	vimm.s32 $0xFEDCBA98;
	v7 =	vimm.s32 $0x76543210;
	s15 =	sadd.s32 s15, s4;
	s2 =	smov.u32 @p0 s12;
	s21 =	simm.s32 $0x8D00  }
0x13: {  	v0 =	vunpack.c.l.s4.s8 v0;
	v1 =	vunpack.c.l.s4.s8 v1;
	v2 =	vunpack.c.l.s4.s8 v2;
	s14 =	simm.s32 $0x100;
	s17 =	ssub.s32 s7, s8;
	s7 =	sadd.s32 s10, s12  }
0x14: {  	v3 =	vunpack.c.l.s4.s8 v3;
	v4 =	vunpack.c.l.s4.s8 v4;
	v5 =	vunpack.c.l.s4.s8 v5;
	s8 =	sadd.s32 s10, s13;
	s10 =	sadd.s32 s10, s3;
	s16 =	smul.u32 $0xC4, s16  }
0x15: {  	v6 =	vunpack.c.l.s4.s8 v6;
	v7 =	vunpack.c.l.s4.s8 v7;
	v0 =	vunpack.c.0.s8.s32 v0;
	s20 =	sadd.s32 s0, s20;
	s24 =	sshrl.u32 s18, $0x3;
	s18 =	sadd.s32 s18, s4  }
0x16: {  	v1 =	vunpack.c.0.s8.s32 v1;
	v2 =	vunpack.c.0.s8.s32 v2;
	v3 =	vunpack.c.0.s8.s32 v3;
	s3 =	smov.u32 @p0 s13;
	[dreg:$0xb] =	wrdreg s20;
	s0 =	sadd.s32 s0, s24  }
0x17: {  	v4 =	vunpack.c.0.s8.s32 v4;
	v5 =	vunpack.c.0.s8.s32 v5;
	v6 =	vunpack.c.0.s8.s32 v6;
	s17 =	smax.u32 s17, $0x1;
	s20 =	simm.s32 $0x12500;
	[dreg:$0xc] =	wrdreg s0  }
0x18: {  	v7 =	vunpack.c.0.s8.s32 v7;
	v0 =	vcombine.low v1, v0;
	s25 =	sadd.s32 s1, s16;
	s28 =	sadd.s32 s5, s16;
	s16 =	sadd.s32 s11, s26  }
0x19: {  	v1 =	vcombine.low v3, v2;
	v2 =	vcombine.low v5, v4;
	v4 =	vand.u32 $0xF, v6;
	s26 =	simm.s32 $0x1;
	s1 =	simm.s32 $0x0;
	[dreg:$0xd] =	wrdreg s25  }
0x1a: {  	v3 =	vimm.f32 $0.0e+00;
	v5 =	vimm.f32 $1.000000000e+00;
	v4 =	vcombine.low v4, v7;
	[dreg:$0xe] =	wrdreg s28;
	s19 =	sadd.s32 $0x10, s16;
	s25 =	simm.s32 $0x3  }
.LBB2_1:
0x1b: {  	s0 =	simm.s32 $0x40;
	s5 =	simm.s32 $0x0  }
.LBB2_2:
0x1c: {  	p0 =	sne.s32 s0, $0x3FC0;
	[tilespmem:s5+$0x12500] =	vst v3;
	s5 =	smov.u32 s0;
	s0 =	sadd.s32 $0x40, s0  }
.Ltmp0:
0x1d: {  	(pc) =	sbr.rel @p0 .LBB2_2-.Ltmp0, $2  }
0x1e: {  	_ =	sdelay $0x2  }
0x1f: {  	s5 =	sshra.s32 s5, $0x2  }
0x20: {  	[tilespmem:s5+$0x12500] =	vst v3  }
0x21: {  	[spmem:s7] =	stream.linear.scatter [tilespmem:s20], [sflag:$0x2], $0x1000, $0x38;
	[tilespmem:$0x1D6C0] =	vst v63  }
0x22: {  	_ = 	snop  }
0x23: {  	[spmem:s8] =	stream.linear.scatter [tilespmem:s20], [sflag:$0x2], $0x1000, $0x38;
	[tilespmem:$0x1D6C0] =	vst v63  }
0x24: {  	_ = 	snop  }
0x25: {  	[spmem:s9] =	stream.linear.scatter [tilespmem:s20], [sflag:$0x2], $0x1000, $0x38;
	[tilespmem:$0x1D6C0] =	vst v63  }
0x26: {  	_ = 	snop  }
0x27: {  	[spmem:s10] =	stream.linear.scatter [tilespmem:s20], [sflag:$0x2], $0x1000, $0x38;
	[tilespmem:$0x1D6C0] =	vst v63  }
0x28: {  	s0 =	rddreg [dreg:$0xb]  }
0x29: {  	[tilespmem:s21], [sflag:$0x3] =	stream.linear.gather [hbm4b:s0+s6], $0x30E0, $0x38;
	[tilespmem:$0x1D6C0] =	vst v63  }
0x2a: {  	s5 =	rddreg [dreg:$0xc]  }
0x2b: {  	[tilespmem:s22], [sflag:$0x3] =	stream.linear.gather [hbm4b:s5+s6], $0x30E0, $0x38;
	[tilespmem:$0x1D6C0] =	vst v63  }
0x2c: {  	s11 =	rddreg [dreg:$0xd]  }
0x2d: {  	[tilespmem:s6], [sflag:$0x4] =	stream.linear.gather [hbm4b:s11+s6], $0x630, $0x38;
	[tilespmem:$0x1D6C0] =	vst v63  }
0x2e: {  	_ =	swait.ge [sflag:s23], $0x630  }
0x2f: {  	[sflag:s23] =	ssyncset.done $0x0  }
0x30: {  	s12 =	rddreg [dreg:$0xe];
	[sflag:s23] =	ssyncadd.s32 $0xFFFFF9D0  }
0x31: {  	[tilespmem:s31], [sflag:$0x4] =	stream.linear.gather [hbm4b:s12+s6], $0x620, $0x38;
	[tilespmem:$0x1D6C0] =	vst v63  }
0x32: {  	_ =	swait.ge [sflag:s23], $0x620  }
0x33: {  	[sflag:s23] =	ssyncset.done $0x0  }
0x34: {  	[sflag:s23] =	ssyncadd.s32 $0xFFFFF9E0  }
0x35: {  	_ =	swait.ge [sflag:s25], $0x30E0  }
0x36: {  	[sflag:s25] =	ssyncset.done $0x0  }
0x37: {  	[sflag:s25] =	ssyncadd.s32 $0xFFFFCF20  }
0x38: {  	_ =	swait.ge [sflag:s25], $0x30E0  }
0x39: {  	[sflag:s25] =	ssyncset.done $0x0  }
0x3a: {  	[sflag:s25] =	ssyncadd.s32 $0xFFFFCF20  }
0x3b: {  	[spmem:s15] =	stream.linear.scatter [tilespmem:s21], [sflag:$0x3], $0x30E0, $0x38;
	[tilespmem:$0x1D6C0] =	vst v63  }
0x3c: {  	_ = 	snop  }
0x3d: {  	[spmem:s18] =	stream.linear.scatter [tilespmem:s22], [sflag:$0x3], $0x30E0, $0x38;
	[tilespmem:$0x1D6C0] =	vst v63  }
0x3e: {  	v6 =	vld [tilespmem:$0x0];
	_ =	sdelay $0x4  }
0x3f: {  	(v2sf) =	vpush v6, $0x0  }
0x40: {  	v7 =	vld [tilespmem:$0x620];
	_ =	sdelay $0x4  }
0x41: {  	(v2sf) =	vpush v7, $0x0;
	_ =	sdelay $0x8  }
0x42: {  	s0 =	spop (v2sf)  }
0x43: {  	s13 =	sand.u32 $0x7, s0  }
0x44: {  	s11 =	sshra.s32 s0, $0x1F;
	p0 =	slt.s32 s0, $0x1;
	p1 =	sne.s32 s13, $0x0  }
0x45: {  	s24 =	sshrl.u32 s11, $0x1D;
	p0 =	por !p0, !p1  }
0x46: {  	s11 =	simm.s32 $0x1;
	s5 =	sadd.s32 s24, s0;
	p0 =	por !p0, !p0  }
0x47: {  	s5 =	sshra.s32 s5, $0x3;
	s11 =	simm.s32 @!p0 $0x0  }
0x48: {  	s12 =	spop (v2sf);
	s5 =	ssub.s32 s5, s11  }
0x49: {  	s13 =	rddreg [dreg:$0x2];
	s11 =	sand.u32 $0x1FFFFFFF, s5;
	s5 =	sshll.u32 s5, $0x3  }
0x4a: {  	s28 =	simm.s32 $0xD00;
	s11 =	sadd.s32 s13, s11;
	s24 =	ssub.s32 s12, s5  }
0x4b: {  	[tilespmem:s28], [sflag:$0x4] =	stream.linear.gather [hbm4b:s11+s6], $0x4000, $0x38;
	[tilespmem:$0x1D6C0] =	vst v63  }
0x4c: {  	s11 =	sadd.s32 $0x7F, s24  }
0x4d: {  	s28 =	sshra.s32 s11, $0x1F;
	p0 =	slt.s32 s11, $0x80  }
.Ltmp1:
0x4e: {  	s12 =	sshrl.u32 s28, $0x19;
	(pc) =	sbr.rel @p0 .LBB2_11-.Ltmp1, $4  }
0x4f: {  	s12 =	sadd.s32 s12, s11  }
0x50: {  	_ =	swait.ge [sflag:s23], $0x4000;
	s24 =	sshra.s32 s12, $0x7  }
0x51: {  	[sflag:s23] =	ssyncset.done $0x0;
	p1 =	slt.s32 s24, $0x80  }
0x52: {  	[sflag:s23] =	ssyncadd.s32 $0xFFFFC000;
	s24 =	simm.s32 @!p1 $0x80  }
0x53: {  	s11 =	sshll.u32 s24, $0x3  }
0x54: {  	s13 =	smax.u32 s11, $0x1  }
0x55: {  	p2 =	sne.s32 s13, $0x1  }
.Ltmp2:
0x56: {  	_ = 	snop;
	(pc) =	sbr.rel @!p2 .LBB2_5-.Ltmp2, $3  }
0x57: {  	_ =	sdelay $0x1  }
0x58: {  	s11 =	simm.s32 $0xD00  }
0x59: {  	s12 =	simm.s32 $0x4D00;
	p1 =	por $0x0, $0x0;
	v7 =	vld [tilespmem:s11+$0x0];
	s13 =	sadd.s32 $0xFFFFFFFF, s13  }
0x5a: {  	_ =	sdelay $0x3  }
0x5b: {  	p2 =	sne.s32 s13, $0x1;
	v7 =	vshll.u32 v7, $0x1  }
.Ltmp3:
0x5c: {  	v8 =	vor.u32 $0x1, v7;
	(pc) =	sbr.rel @!p2 .LBB2_7-.Ltmp3, $4  }
0x5d: {  	[tilespmem:s12+$0x0] =	vst v8  }
0x5e: {  	[tilespmem:s11+$0x0] =	vst v7;
	s11 =	simm.s32 $0xD10  }
0x5f: {  	v7 =	vld [tilespmem:s11+$0x0]  }
0x60: {  	s14 =	sadd.s32 $0xFFFFFFFF, s13;
	p1 =	por $0x1, $0x1;
	s13 =	simm.s32 $0x4D00  }
.LBB2_8:
0x61: {  	p2 =	sne.s32 s14, $0x1;
	_ =	sdelay $0x2  }
0x62: {  	v7 =	vshll.u32 v7, $0x1  }
.Ltmp4:
0x63: {  	s13 =	sadd.s32 $0x10, s13;
	v8 =	vor.u32 $0x1, v7;
	(pc) =	sbr.rel @p2 .LBB2_8-.Ltmp4, $4  }
0x64: {  	[tilespmem:s13+$0x0] =	vst v8  }
0x65: {  	[tilespmem:s11+$0x0] =	vst v7;
	s11 =	sadd.s32 $0x10, s11  }
0x66: {  	v7 =	vld [tilespmem:s11+$0x0]  }
0x67: {  	s14 =	sadd.s32 $0xFFFFFFFF, s14  }
0x68: {  	s14 =	simm.s32 $0x100  }
.LBB2_10:
0x69: {  	_ =	sdelay $0x1  }
0x6a: {  	s13 =	sadd.s32 @p1 $0x10, s13;
	v7 =	vshll.u32 v7, $0x1  }
0x6b: {  	s12 =	smov.u32 @p1 s13;
	v8 =	vor.u32 $0x1, v7  }
0x6c: {  	[tilespmem:s12+$0x0] =	vst v8  }
0x6d: {  	[tilespmem:s11+$0x0] =	vst v7  }
.LBB2_11:
0x6e: {  	_ =	swait.ge [sflag:s29], $0x1000  }
0x6f: {  	[sflag:s29] =	ssyncset.done $0x0  }
0x70: {  	[sflag:s29] =	ssyncadd.s32 $0xFFFFF000  }
0x71: {  	_ =	swait.ge [sflag:s29], $0x1000  }
0x72: {  	[sflag:s29] =	ssyncset.done $0x0  }
0x73: {  	[sflag:s29] =	ssyncadd.s32 $0xFFFFF000  }
0x74: {  	_ =	swait.ge [sflag:s29], $0x1000  }
0x75: {  	[sflag:s29] =	ssyncset.done $0x0  }
0x76: {  	[sflag:s29] =	ssyncadd.s32 $0xFFFFF000  }
0x77: {  	_ =	swait.ge [sflag:s29], $0x1000  }
0x78: {  	[sflag:s29] =	ssyncset.done $0x0  }
0x79: {  	[sflag:s29] =	ssyncadd.s32 $0xFFFFF000  }
0x7a: {  	_ =	swait.ge [sflag:s25], $0x30E0  }
0x7b: {  	[sflag:s25] =	ssyncset.done $0x0  }
0x7c: {  	[sflag:s25] =	ssyncadd.s32 $0xFFFFCF20  }
.Ltmp5:
0x7d: {  	_ =	swait.ge [sflag:s25], $0x30E0;
	(pc) =	sbr.rel @p0 .LBB2_15-.Ltmp5, $3  }
0x7e: {  	[sflag:s25] =	ssyncset.done $0x0  }
0x7f: {  	[sflag:s25] =	ssyncadd.s32 $0xFFFFCF20  }
0x80: {  	[bflag:$0x0] =	sbarrier.arrive $0xFFFF;
	_ =	sdelay $0x1  }
0x81: {  	s20 =	smov.u32 s17  }
0x82: {  	s6 =	smov.u32 s10;
	s11 =	simm.s32 $0x8D00;
	s12 =	simm.s32 $0xD00  }
0x83: {  	[tilespmem:s11], [sflag:$0x1] =	stream.indirect.gather [spmem:s4], $0x1, s12, s30, $0xb8;
	[tilespmem:$0x1D6C0] =	vst v63  }
0x84: {  	s31 =	smov.u32 s18;
	p1 =	sgt.s32 s24, $0x1;
	s12 =	smov.u32 s24  }
0x85: {  	s18 =	simm.s32 $0xCD00;
	s13 =	simm.s32 $0x4D00;
	s12 =	simm.s32 @!p1 $0x1  }
0x86: {  	[tilespmem:s18], [sflag:$0x1] =	stream.indirect.gather [spmem:s4], $0x1, s13, s30, $0xb8;
	[tilespmem:$0x1D6C0] =	vst v63  }
0x87: {  	s10 =	smov.u32 s9;
	p0 =	por $0x1, $0x1;
	p1 =	sne.s32 s12, $0x1  }
.Ltmp6:
0x88: {  	s9 =	smov.u32 s8;
	s13 =	simm.s32 @!p0 $0x1;
	(pc) =	sbr.rel @!p1 .LBB2_14-.Ltmp6, $4  }
0x89: {  	s8 =	smov.u32 s7;
	s7 =	smov.u32 s16;
	_ =	swait.ge @!p0 [sflag:s13], $0x80  }
0x8a: {  	s16 =	smov.u32 s19;
	s19 =	smov.u32 s15;
	[sflag:s13] =	ssyncset.done @!p0 $0x0  }
0x8b: {  	s28 =	simm.s32 $0x1;
	s14 =	simm.s32 $0x4D80;
	[sflag:s13] =	ssyncadd.s32 @!p0 $0xFFFFFF80  }
0x8c: {  	s15 =	simm.s32 $0xD80;
	s17 =	simm.s32 $0xCD80;
	_ =	swait.ge @!p0 [sflag:s13], $0x80  }
.LBB2_13:
0x8d: {  	[sflag:s13] =	ssyncset.done @!p0 $0x0  }
0x8e: {  	s11 =	sadd.s32 $0x80, s11;
	s18 =	smov.u32 s28;
	s28 =	sadd.s32 $0x1, s28  }
0x8f: {  	p1 =	sne.s32 s12, s28;
	[sflag:s13] =	ssyncadd.s32 @!p0 $0xFFFFFF80  }
0x90: {  	[tilespmem:s11], [sflag:$0x1] =	stream.indirect.gather [spmem:s4], $0x1, s15, s30, $0xb8;
	[tilespmem:$0x1D6C0] =	vst v63  }
0x91: {  	p0 =	slt.u32 s18, $0x8  }
0x92: {  	[tilespmem:s17], [sflag:$0x1] =	stream.indirect.gather [spmem:s4], $0x1, s14, s30, $0xb8;
	[tilespmem:$0x1D6C0] =	vst v63  }
.Ltmp7:
0x93: {  	s13 =	simm.s32 @!p0 $0x1;
	(pc) =	sbr.rel @p1 .LBB2_13-.Ltmp7, $4  }
0x94: {  	_ =	swait.ge @!p0 [sflag:s13], $0x80  }
0x95: {  	[sflag:s13] =	ssyncset.done @!p0 $0x0  }
0x96: {  	s14 =	sadd.s32 $0x80, s14;
	[sflag:s13] =	ssyncadd.s32 @!p0 $0xFFFFFF80  }
0x97: {  	s15 =	sadd.s32 $0x80, s15;
	s17 =	sadd.s32 $0x80, s17;
	_ =	swait.ge @!p0 [sflag:s13], $0x80  }
.LBB2_14:
0x98: {  	[sflag:s13] =	ssyncset.done @!p0 $0x0;
	s15 =	smov.u32 s19;
	s18 =	smov.u32 s31  }
0x99: {  	s19 =	smov.u32 s16;
	s16 =	smov.u32 s7;
	s7 =	smov.u32 s8  }
0x9a: {  	s8 =	smov.u32 s9;
	s9 =	smov.u32 s10;
	s10 =	smov.u32 s6  }
0x9b: {  	s6 =	simm.s32 $0x0;
	s17 =	smov.u32 s20;
	s20 =	simm.s32 $0x12500  }
0x9c: {  	s31 =	simm.s32 $0x680;
	s14 =	simm.s32 $0x100;
	[sflag:s13] =	ssyncadd.s32 @!p0 $0xFFFFFF80  }
.LBB2_15:
0x9d: {  	p0 =	sgt.s32 s24, $0x8;
	s11 =	smov.u32 s24  }
0x9e: {  	s11 =	simm.s32 @!p0 $0x8  }
0x9f: {  	s12 =	sadd.s32 $0xFFFFFFF8, s11  }
0xa0: {  	p0 =	sge.s32 s12, s24  }
.Ltmp8:
0xa1: {  	_ = 	snop;
	(pc) =	sbr.rel @p0 .LBB2_19-.Ltmp8, $1  }
0xa2: {  	_ =	sdelay $0x3  }
0xa3: {  	s11 =	ssub.s32 s24, s11  }
0xa4: {  	s11 =	sadd.s32 $0x8, s11  }
0xa5: {  	p0 =	seq.s32 s11, $0x1  }
.Ltmp9:
0xa6: {  	_ =	swait.ge [sflag:s26], $0x80;
	(pc) =	sbr.rel @p0 .LBB2_18-.Ltmp9, $4  }
0xa7: {  	[sflag:s26] =	ssyncset.done $0x0  }
0xa8: {  	[sflag:s26] =	ssyncadd.s32 $0xFFFFFF80  }
0xa9: {  	_ =	swait.ge [sflag:s26], $0x80  }
0xaa: {  	s11 =	sadd.s32 $0xFFFFFFFF, s11;
	[sflag:s26] =	ssyncset.done $0x0  }
.LBB2_17:
0xab: {  	p0 =	seq.s32 s11, $0x1;
	s11 =	sadd.s32 $0xFFFFFFFF, s11;
	[sflag:s26] =	ssyncadd.s32 $0xFFFFFF80  }
.Ltmp10:
0xac: {  	_ =	swait.ge [sflag:s26], $0x80;
	(pc) =	sbr.rel @!p0 .LBB2_17-.Ltmp10, $4  }
0xad: {  	[sflag:s26] =	ssyncset.done $0x0  }
0xae: {  	[sflag:s26] =	ssyncadd.s32 $0xFFFFFF80  }
0xaf: {  	_ =	swait.ge [sflag:s26], $0x80  }
0xb0: {  	[sflag:s26] =	ssyncset.done $0x0  }
.LBB2_18:
0xb1: {  	[sflag:s26] =	ssyncadd.s32 $0xFFFFFF80  }
.LBB2_19:
.Ltmp11:
0xb2: {  	(pc) =	sbr.rel .LBB2_20-.Ltmp11, $4  }
0xb3: {  	_ = 	snop  }
0xb4: {  	s0 =	ssub.s32 s0, s5  }
0xb5: {  	v6 =	vsub.s32 s0, v6  }
0xb6: {  	s5 =	simm.s32 $0x0;
	v6 =	vbroadcast v6, $0x0  }
.LBB2_21:
0xb7: {  	v11 =	vimm.f32 $0.0e+00  }
0xb8: {  	v8 =	vimm.f32 $1.000000000e+00;
	v9 =	vimm.f32 $1.000000000e+00;
	v10 =	vimm.f32 $0.0e+00  }
.LBB2_31:
0xb9: {  	vm0 =	veq.s32 v7, $0x4;
	vm15 =	veq.s32 v7, $0x5;
	vm4 =	veq.s32 v7, $0x6  }
0xba: {  	vm5 =	veq.s32 v7, $0x7;
	vm6 =	veq.s32 v7, $0x8;
	vm7 =	veq.s32 v7, $0x9  }
0xbb: {  	v13 =	vsub.f32 v10, v9;
	vm8 =	veq.s32 v7, $0xA;
	v12 =	vsel vm0, $0x3F8A9931, v5  }
0xbc: {  	v14 =	vadd.s32 $0xFFFFFFF5, v7;
	v15 =	vsub.f32 v11, v8;
	v12 =	vsel vm15, $0x3F93A92A, v12  }
0xbd: {  	v34 =	vadd.s32 $0xFFFFFFF0, v7;
	v36 =	vadd.s32 $0xFFFFFFEB, v7;
	v12 =	vsel vm4, $0x3F9C3C9F, v12  }
0xbe: {  	v38 =	vadd.s32 $0xFFFFFFE6, v7;
	vm13 =	vgt.s32 v7, $0x1E;
	v12 =	vsel vm5, $0x3FA42268, v12  }
0xbf: {  	v41 =	vmul.f32 $2.560000000e+02, v11;
	vm1 =	vlt.u32 v14, $0x5;
	v12 =	vsel vm6, $0x3FAB53F8, v12  }
0xc0: {  	vm2 =	vlt.u32 v34, $0x5;
	vm9 =	vgt.f32 v13, $0.0e+00;
	v12 =	vsel vm7, $0x3FB315B5, v12  }
0xc1: {  	vm10 =	vgt.f32 v15, $0.0e+00;
	v13 =	vnsel vm9, $0x3F800000, v13;
	v12 =	vsel vm8, $0x3FB982AA, v12  }
0xc2: {  	v37 =	vld [tilespmem:s0+$0x680];
	v35 =	vnsel vm10, $0x3F800000, v15;
	(erf) = vrcp.f32 v13;
	v12 =	vsel vm1, $0x3FD84EA5, v12  }
0xc3: {  	vm11 =	vlt.u32 v36, $0x5;
	(erf) = vrcp.f32 v35;
	v12 =	vsel vm2, $0x3FF23A2A, v12  }
0xc4: {  	v43 =	vmul.f32 $2.560000000e+02, v10;
	vm12 =	vlt.u32 v38, $0x5;
	v12 =	vsel vm11, $0x4004C155, v12  }
0xc5: {  	v16 =	vmul.f32 $2.560000000e+02, v9;
	v42 =	vtrunc.f32 v41;
	v12 =	vsel vm12, $0x400EF007, v12  }
0xc6: {  	v44 =	vtrunc.f32 v43;
	v20 =	vcvt.f32.s32 v42;
	v12 =	vsel vm13, $0x4018E8A7, v12  }
0xc7: {  	v9 =	vcvt.f32.s32 v44;
	v12 =	vmul.f32 v37, v12  }
0xc8: {  	v17 =	vcvt.s32.f32 v20  }
0xc9: {  	v19 =	vcvt.s32.f32 v9;
	v12 =	vmul.f32 $1.525878910e-05, v12  }
0xca: {  	vm14 =	vgt.s32 v7, $0x0;
	v11 =	vsub.f32 v41, v17  }
0xcb: {  	v8 =	vmul.f32 $2.560000000e+02, v8;
	v46 =	vsub.f32 v43, v19;
	v39 =	vpop (erf);
	v7 =	vnsel vm14, $0x0, v12  }
0xcc: {  	v17 =	vadd.s32 $0x1, v20;
	v19 =	vadd.f32 $-1.000000000e+00, v11;
	v40 =	vpop (erf);
	v13 =	vmul.f32 v7, v39  }
0xcd: {  	v10 =	vsub.f32 $0.0e+00, v11;
	v12 =	vmul.f32 v7, v40;
	v7 =	vtrunc.f32 v8  }
0xce: {  	v11 =	vadd.s32 $0x1, v9;
	v21 =	vcvt.f32.s32 v7;
	v7 =	vtrunc.f32 v16  }
0xcf: {  	v14 =	vadd.f32 $-1.000000000e+00, v46;
	vm2 =	vlt.s32 v9, $0x100;
	v15 =	vcvt.f32.s32 v7  }
0xd0: {  	v7 =	vnsel vm9, $0x0, v13;
	v45 =	vcvt.s32.f32 v21;
	v23 =	vadd.s32 $0x1, v21  }
0xd1: {  	vm4 =	vlt.s32 v21, $0x100;
	v21 =	vshll.u32 v21, $0x8;
	v18 =	vcvt.s32.f32 v15  }
0xd2: {  	vm1 =	vlt.s32 v15, $0x100;
	v26 =	vadd.s32 v15, v21;
	vm7 =	vmand vm4, vm2  }
0xd3: {  	v31 =	vadd.s32 v9, v21;
	vm9 =	vlt.s32 v23, $0x100;
	v23 =	vshll.u32 v23, $0x8  }
0xd4: {  	v22 =	vsub.f32 v8, v45;
	v8 =	vnsel vm10, $0x0, v12;
	vm15 =	vmand vm4, vm1  }
0xd5: {  	v12 =	vsub.f32 $0.0e+00, v46;
	vm5 =	vgt.s32 v26, $0x0;
	vm8 =	vgt.s32 v31, $0x0  }
0xd6: {  	v55 =	vadd.s32 v15, v23;
	vm14 =	vmand vm9, vm2;
	v32 =	vadd.s32 v9, v23  }
0xd7: {  	v13 =	vsub.f32 v16, v18;
	v16 =	vadd.s32 $0x1, v15;
	v26 =	vnsel vm5, $0x0, v26  }
0xd8: {  	p0 =	slt.u32 s5, $0x8;
	v49 =	vnsel vm8, $0x0, v31;
	v24 =	vsub.f32 $1.000000000e+00, v22;
	vm0 =	vlt.s32 v16, $0x100  }
0xd9: {  	s11 =	simm.s32 @!p0 $0x1;
	v26 =	vmin.u32 v26, $0xFFFF;
	v29 =	vadd.s32 v21, v16;
	v51 =	vmin.u32 v49, $0xFFFF  }
0xda: {  	_ =	swait.ge @!p0 [sflag:s11], $0x200;
	v21 =	vadd.s32 v21, v11;
	v61 =	vadd.s32 v23, v16;
	v63 =	vmul.f32 v14, v22  }
0xdb: {  	s24 =	sshll.u32 s5, $0x8;
	[sflag:s11] =	ssyncset.done @!p0 $0x0;
	v23 =	vadd.s32 v23, v11;
	v49 =	vmul.f32 v14, v19;
	v18 =	vsub.f32 $1.000000000e+00, v13  }
0xdc: {  	s0 =	sand.u32 $0x700, s24;
	[sflag:s11] =	ssyncadd.s32 @!p0 $0xFFFFFE00;
	vm6 =	vmand vm4, vm0;
	vm3 =	vgt.s32 v29, $0x0;
	vm5 =	vgt.s32 v21, $0x0  }
0xdd: {  	[tilespmem:s0+$0x10D00] =	vst v26;
	v60 =	vmul.f32 v13, v22;
	vm12 =	vmand vm9, vm0;
	v29 =	vnsel vm3, $0x0, v29  }
0xde: {  	[tilespmem:s0+$0x10D20] =	vst v51;
	vm8 =	vgt.s32 v23, $0x0;
	v21 =	vnsel vm5, $0x0, v21;
	v47 =	vmin.u32 v29, $0xFFFF  }
0xdf: {  	vm13 =	vgt.s32 v61, $0x0;
	v23 =	vnsel vm8, $0x0, v23;
	v21 =	vmin.u32 v21, $0xFFFF;
	[tilespmem:s0+$0x10D10] =	vst v47  }
0xe0: {  	v31 =	vnsel vm13, $0x0, v61;
	v33 =	vnsel vm14, $0x0, v63;
	v23 =	vmin.u32 v23, $0xFFFF;
	[tilespmem:s0+$0x10D30] =	vst v21  }
0xe1: {  	v27 =	vmul.f32 v13, v24;
	v37 =	vmul.f32 v7, v33;
	v21 =	vmin.u32 v31, $0xFFFF;
	[tilespmem:s0+$0x10D70] =	vst v23  }
0xe2: {  	v43 =	vmul.f32 v13, v19;
	v62 =	vnsel vm12, $0x0, v60;
	v38 =	vmul.f32 v8, v33;
	[tilespmem:s0+$0x10D50] =	vst v21  }
0xe3: {  	v30 =	vmul.f32 v14, v24;
	v27 =	vnsel vm6, $0x0, v27;
	v35 =	vmul.f32 v7, v62;
	[tilespmem:s0+$0x11560] =	vst v37  }
0xe4: {  	vm10 =	vmand vm9, vm1;
	v13 =	vmul.f32 v13, v10;
	v50 =	vmul.f32 v7, v27;
	[tilespmem:s0+$0x11D60] =	vst v38  }
0xe5: {  	v25 =	vmul.f32 v18, v24;
	v48 =	vnsel vm7, $0x0, v30;
	v27 =	vmul.f32 v8, v27;
	[tilespmem:s0+$0x11550] =	vst v35  }
0xe6: {  	vm3 =	vlt.s32 v11, $0x100;
	v24 =	vmul.f32 v12, v24;
	v52 =	vmul.f32 v7, v48;
	[tilespmem:s0+$0x11510] =	vst v50  }
0xe7: {  	v54 =	vmul.f32 v18, v22;
	v25 =	vnsel vm15, $0x0, v25;
	v53 =	vmul.f32 v8, v48;
	[tilespmem:s0+$0x11D10] =	vst v27  }
0xe8: {  	vm4 =	vmand vm4, vm3;
	v22 =	vmul.f32 v12, v22;
	v28 =	vmul.f32 v7, v25;
	[tilespmem:s0+$0x11520] =	vst v52  }
0xe9: {  	v39 =	vmul.f32 v18, v19;
	v24 =	vnsel vm4, $0x0, v24;
	v25 =	vmul.f32 v8, v25;
	[tilespmem:s0+$0x11D20] =	vst v53  }
0xea: {  	vm11 =	vgt.s32 v55, $0x0;
	v19 =	vmul.f32 v12, v19;
	v57 =	vmul.f32 v7, v24;
	[tilespmem:s0+$0x11500] =	vst v28  }
0xeb: {  	v56 =	vnsel vm10, $0x0, v54;
	vm15 =	vgt.s32 v32, $0x0;
	v24 =	vmul.f32 v8, v24;
	[tilespmem:s0+$0x11D00] =	vst v25  }
0xec: {  	vm4 =	vmand vm9, vm3;
	vm9 =	vlt.s32 v20, $0x100;
	v59 =	vmul.f32 v7, v56;
	[tilespmem:s0+$0x11530] =	vst v57  }
0xed: {  	v20 =	vshll.u32 v20, $0x8;
	v54 =	vshll.u32 v17, $0x8;
	v26 =	vmul.f32 v8, v56;
	[tilespmem:s0+$0x11D30] =	vst v24  }
0xee: {  	v34 =	vnsel vm15, $0x0, v32;
	v22 =	vnsel vm4, $0x0, v22;
	vm10 =	vmand vm9, vm1;
	[tilespmem:s0+$0x11540] =	vst v59  }
0xef: {  	v40 =	vadd.s32 v15, v20;
	v36 =	vmin.u32 v34, $0xFFFF;
	v41 =	vmul.f32 v7, v22;
	[tilespmem:s0+$0x11D40] =	vst v26  }
0xf0: {  	vm12 =	vmand vm9, vm0;
	v44 =	vadd.s32 v20, v16;
	v22 =	vmul.f32 v8, v22;
	[tilespmem:s0+$0x10D60] =	vst v36  }
0xf1: {  	v47 =	vadd.s32 v9, v20;
	vm15 =	vmand vm9, vm2;
	v25 =	vnsel vm11, $0x0, v55;
	[tilespmem:s0+$0x11570] =	vst v41  }
0xf2: {  	v21 =	vnsel vm10, $0x0, v39;
	v24 =	vmul.f32 v8, v62;
	v58 =	vmin.u32 v25, $0xFFFF;
	[tilespmem:s0+$0x11D70] =	vst v22  }
0xf3: {  	v20 =	vadd.s32 v20, v11;
	vm4 =	vmand vm9, vm3;
	v45 =	vmul.f32 v7, v21;
	[tilespmem:s0+$0x10D40] =	vst v58  }
0xf4: {  	v15 =	vadd.s32 v15, v54;
	vm13 =	vgt.s32 v44, $0x0;
	v21 =	vmul.f32 v8, v21;
	[tilespmem:s0+$0x11D50] =	vst v24  }
0xf5: {  	vm9 =	vlt.s32 v17, $0x100;
	vm8 =	vgt.s32 v20, $0x0;
	v46 =	vnsel vm13, $0x0, v44;
	[tilespmem:s0+$0x11580] =	vst v45  }
0xf6: {  	v19 =	vnsel vm4, $0x0, v19;
	v20 =	vnsel vm8, $0x0, v20;
	v48 =	vmin.u32 v46, $0xFFFF;
	[tilespmem:s0+$0x11D80] =	vst v21  }
0xf7: {  	v56 =	vmul.f32 v18, v10;
	v55 =	vmul.f32 v7, v19;
	v20 =	vmin.u32 v20, $0xFFFF;
	[tilespmem:s0+$0x10D90] =	vst v48  }
0xf8: {  	vm10 =	vgt.s32 v15, $0x0;
	vm1 =	vmand vm9, vm1;
	v57 =	vmul.f32 v8, v19;
	[tilespmem:s0+$0x10DB0] =	vst v20  }
0xf9: {  	vm0 =	vmand vm9, vm0;
	vm11 =	vgt.s32 v40, $0x0;
	v15 =	vnsel vm10, $0x0, v15;
	[tilespmem:s0+$0x115B0] =	vst v55  }
0xfa: {  	v17 =	vnsel vm1, $0x0, v56;
	v42 =	vnsel vm11, $0x0, v40;
	v15 =	vmin.u32 v15, $0xFFFF;
	[tilespmem:s0+$0x11DB0] =	vst v57  }
0xfb: {  	v13 =	vnsel vm0, $0x0, v13;
	v59 =	vmul.f32 v8, v17;
	v23 =	vmin.u32 v42, $0xFFFF;
	[tilespmem:s0+$0x10DC0] =	vst v15  }
0xfc: {  	v60 =	vmul.f32 v7, v13;
	[tilespmem:s0+$0x10D80] =	vst v23  }
0xfd: {  	v25 =	vnsel vm12, $0x0, v43;
	v13 =	vmul.f32 v8, v13;
	[tilespmem:s0+$0x11DC0] =	vst v59  }
0xfe: {  	v50 =	vmul.f32 v7, v25;
	[tilespmem:s0+$0x115D0] =	vst v60  }
0xff: {  	v14 =	vmul.f32 v14, v10;
	vm14 =	vgt.s32 v47, $0x0;
	v51 =	vmul.f32 v8, v25;
	[tilespmem:s0+$0x11DD0] =	vst v13  }
0x100: {  	v16 =	vadd.s32 v16, v54;
	v9 =	vadd.s32 v9, v54;
	v24 =	vnsel vm14, $0x0, v47;
	[tilespmem:s0+$0x11590] =	vst v50  }
0x101: {  	vm11 =	vgt.s32 v16, $0x0;
	v58 =	vmul.f32 v7, v17;
	v24 =	vmin.u32 v24, $0xFFFF;
	[tilespmem:s0+$0x11D90] =	vst v51  }
0x102: {  	vm13 =	vmand vm9, vm2;
	vm12 =	vgt.s32 v9, $0x0;
	v16 =	vnsel vm11, $0x0, v16;
	[tilespmem:s0+$0x10DA0] =	vst v24  }
0x103: {  	v14 =	vnsel vm13, $0x0, v14;
	v9 =	vnsel vm12, $0x0, v9;
	v16 =	vmin.u32 v16, $0xFFFF;
	[tilespmem:s0+$0x115C0] =	vst v58  }
0x104: {  	v61 =	vmul.f32 v7, v14;
	v9 =	vmin.u32 v9, $0xFFFF;
	[tilespmem:s0+$0x10DD0] =	vst v16  }
0x105: {  	v62 =	vmul.f32 v8, v14;
	v23 =	vnsel vm15, $0x0, v49;
	[tilespmem:s0+$0x10DE0] =	vst v9  }
0x106: {  	v10 =	vmul.f32 v12, v10;
	v11 =	vadd.s32 v54, v11;
	v52 =	vmul.f32 v7, v23;
	[tilespmem:s0+$0x115E0] =	vst v61  }
0x107: {  	vm14 =	vmand vm9, vm3;
	vm15 =	vgt.s32 v11, $0x0;
	v53 =	vmul.f32 v8, v23;
	[tilespmem:s0+$0x11DE0] =	vst v62  }
0x108: {  	v10 =	vnsel vm14, $0x0, v10;
	v11 =	vnsel vm15, $0x0, v11;
	[tilespmem:s0+$0x115A0] =	vst v52  }
0x109: {  	v7 =	vmul.f32 v7, v10;
	v63 =	vmin.u32 v11, $0xFFFF;
	[tilespmem:s0+$0x11DA0] =	vst v53  }
0x10a: {  	v8 =	vmul.f32 v8, v10;
	[tilespmem:s0+$0x10DF0] =	vst v63  }
0x10b: {  	[tilespmem:s0+$0x115F0] =	vst v7  }
0x10c: {  	s5 =	sadd.s32 $0x1, s5;
	s28 =	sadd.s32 $0x10D00, s0;
	s12 =	sadd.s32 $0x11500, s0;
	[tilespmem:s0+$0x11DF0] =	vst v8  }
0x10d: {  	[spmem:s2] =	stream.indirect.scatter.add.f32 [tilespmem:s12], [sflag:$0x1], $0x1, s28, s30, $0xb8;
	[tilespmem:$0x1D6C0] =	vst v63  }
0x10e: {  	s13 =	sadd.s32 $0x11D00, s0;
	p0 =	sne.s32 s5, $0x62  }
0x10f: {  	[spmem:s3] =	stream.indirect.scatter.add.f32 [tilespmem:s13], [sflag:$0x1], $0x1, s28, s30, $0xb8;
	[tilespmem:$0x1D6C0] =	vst v63  }
.Ltmp12:
0x110: {  	_ = 	snop;
	(pc) =	sbr.rel @!p0 .LBB2_32-.Ltmp12, $4  }
0x111: {  	s24 =	sadd.s32 $0x10D80, s0;
	s28 =	sadd.s32 $0x11580, s0  }
0x112: {  	[spmem:s2] =	stream.indirect.scatter.add.f32 [tilespmem:s28], [sflag:$0x1], $0x1, s24, s30, $0xb8;
	[tilespmem:$0x1D6C0] =	vst v63  }
0x113: {  	s0 =	sadd.s32 $0x11D80, s0  }
0x114: {  	[spmem:s3] =	stream.indirect.scatter.add.f32 [tilespmem:s0], [sflag:$0x1], $0x1, s24, s30, $0xb8;
	[tilespmem:$0x1D6C0] =	vst v63  }
.LBB2_20:
0x115: {  	s0 =	sshll.u32 s5, $0x4  }
0x116: {  	v8 =	vld [tilespmem:s0+$0x0]  }
0x117: {  	v7 =	vld [tilespmem:s0+$0x1];
	_ =	sdelay $0x4  }
0x118: {  	v7 =	vsub.s32 v7, v8  }
0x119: {  	v9 =	vcvt.s32.f32 v7;
	_ =	sdelay $0x1  }
0x11a: {  	v10 =	vperm.xlane v9, v0;
	_ =	sdelay $0x1  }
0x11b: {  	v9 =	vmax.f32 v9, v10  }
0x11c: {  	v10 =	vperm.xlane v9, v1;
	_ =	sdelay $0x1  }
0x11d: {  	v9 =	vmax.f32 v9, v10  }
0x11e: {  	v10 =	vperm.xlane v9, v2;
	_ =	sdelay $0x1  }
0x11f: {  	v9 =	vmax.f32 v9, v10  }
0x120: {  	v10 =	vperm.xlane v9, v4;
	_ =	sdelay $0x1  }
0x121: {  	v9 =	vmax.f32 v9, v10  }
0x122: {  	(v2sf) =	vpush v9, $0x0;
	_ =	sdelay $0xe  }
0x123: {  	s11 =	spop (v2sf)  }
0x124: {  	s28 =	scvt.f32.s32 s11;
	_ =	sdelay $0x1  }
0x125: {  	p0 =	slt.s32 s28, $0x1  }
.Ltmp13:
0x126: {  	_ = 	snop;
	(pc) =	sbr.rel @p0 .LBB2_21-.Ltmp13, $1  }
0x127: {  	_ =	sdelay $0x3  }
0x128: {  	p2 =	sne.s32 s28, $0x1  }
.Ltmp14:
0x129: {  	_ = 	snop;
	(pc) =	sbr.rel @!p2 .LBB2_23-.Ltmp14, $4  }
0x12a: {  	v13 =	vadd.s32 v8, v6;
	s12 =	simm.s32 $0x0  }
0x12b: {  	v10 =	vadd.s32 s12, v13  }
0x12c: {  	vm0 =	vgt.s32 v10, $0x0  }
0x12d: {  	v8 =	vimm.f32 $3.000000010e+38;
	v9 =	vimm.f32 $-3.000000010e+38;
	s24 =	simm.s32 $0x1;
	p0 =	por $0x0, $0x0;
	p1 =	por $0x0, $0x0;
	v12 =	vnsel vm0, $0x0, v10  }
0x12e: {  	v19 =	vmin.u32 v12, $0x3FFF;
	p2 =	sne.s32 s28, $0x2  }
.Ltmp15:
0x12f: {  	_ = 	snop;
	(pc) =	sbr.rel @!p2 .LBB2_25-.Ltmp15, $4  }
0x130: {  	_ = 	snop  }
0x131: {  	v10 =	vadd.s32 s24, v13  }
0x132: {  	vm0 =	vgt.s32 v10, $0x0  }
0x133: {  	s11 =	simm.s32 $0x2;
	p0 =	por $0x1, $0x1;
	v12 =	vnsel vm0, $0x0, v10;
	v21 =	vld.idx.msk [tilespmem:v19+s21+$0x0], $0xffff  }
0x134: {  	_ =	sdelay $0x1  }
0x135: {  	v20 =	vmin.u32 v12, $0x3FFF;
	p2 =	sne.s32 s28, $0x3  }
.Ltmp16:
0x136: {  	v11 =	vmov s12;
	(pc) =	sbr.rel @!p2 .LBB2_27-.Ltmp16, $4  }
0x137: {  	v10 =	vadd.s32 s11, v13;
	vm0 =	vlt.s32 v11, v7;
	v11 =	vld.idx.msk [tilespmem:v19+s22+$0x0], $0xffff  }
0x138: {  	v14 =	vimm.f32 $-3.000000010e+38;
	vm1 =	vgt.s32 v10, $0x0  }
0x139: {  	v15 =	vimm.f32 $-3.000000010e+38;
	v16 =	vimm.f32 $3.000000010e+38;
	v12 =	vnsel vm1, $0x0, v10  }
0x13a: {  	s12 =	simm.s32 $0x3;
	p1 =	por $0x1, $0x1;
	v10 =	vimm.f32 $3.000000010e+38;
	v18 =	vnsel vm0, $0x7F61B1E6, v21;
	v17 =	vnsel vm0, $0xFF61B1E6, v21;
	v21 =	vld.idx.msk [tilespmem:v20+s21+$0x0], $0xffff  }
.LBB2_28:
0x13b: {  	s13 =	smov.u32 s12;
	s12 =	sadd.s32 $0x1, s12  }
0x13c: {  	v10 =	vmin.f32 v10, v18;
	v18 =	vnsel vm0, $0xFF61B1E6, v11;
	v19 =	vmovc v11;
	v11 =	vld.idx.msk [tilespmem:v20+s22+$0x0], $0xffff;
	v20 =	vmin.u32 v12, $0x3FFF;
	p2 =	sne.s32 s28, s12  }
.Ltmp17:
0x13d: {  	v14 =	vmax.f32 v14, v17;
	v12 =	vnsel vm0, $0x7F61B1E6, v19;
	v15 =	vmax.f32 v15, v18;
	(pc) =	sbr.rel @p2 .LBB2_28-.Ltmp17, $4  }
0x13e: {  	v16 =	vmin.f32 v16, v12  }
0x13f: {  	v17 =	vmov s24;
	s24 =	smov.u32 s11;
	s11 =	smov.u32 s13;
	v12 =	vadd.s32 s13, v13  }
0x140: {  	vm0 =	vlt.s32 v17, v7;
	vm1 =	vgt.s32 v12, $0x0  }
0x141: {  	v12 =	vnsel vm1, $0x0, v12;
	v18 =	vnsel vm0, $0x7F61B1E6, v21;
	v17 =	vnsel vm0, $0xFF61B1E6, v21;
	v21 =	vld.idx.msk [tilespmem:v20+s21+$0x0], $0xffff  }
0x142: {  	v19 =	vmov v20;
	s12 =	smov.u32 s11  }
.LBB2_30:
0x143: {  	_ =	sdelay $0x1  }
0x144: {  	v12 =	vmin.u32 v12, $0x3FFF;
	v10 =	vmin.f32 @p1 v10, v18  }
0x145: {  	v18 =	vnsel @p1 vm0, $0xFF61B1E6, v11;
	v14 =	vmax.f32 @p1 v14, v17;
	v17 =	vmov @p0 s24  }
0x146: {  	v13 =	vld.idx.msk @p0 [tilespmem:v19+s22+$0x0], $0xffff;
	v11 =	vnsel @p1 vm0, $0x7F61B1E6, v11;
	v59 =	vmov s12;
	v15 =	vmax.f32 @p1 v15, v18  }
0x147: {  	vm0 =	vlt.s32 @p0 v17, v7;
	v11 =	vmin.f32 @p1 v16, v11;
	v10 =	vpsel p1, v10, v8  }
0x148: {  	v14 =	vpsel p1, v14, v9;
	vm15 =	vlt.s32 v59, v7;
	v15 =	vpsel p1, v15, v9  }
0x149: {  	v11 =	vpsel p1, v11, v8;
	v16 =	vnsel @p0 vm0, $0x7F61B1E6, v21;
	v17 =	vnsel @p0 vm0, $0xFF61B1E6, v21;
	v58 =	vld.idx.msk [tilespmem:v12+s21+$0x0], $0xffff  }
0x14a: {  	vm0 =	vmmov @p0 vm0;
	v16 =	vpsel p0, v16, v0;
	v17 =	vpsel p0, v17, v0;
	v12 =	vld.idx.msk [tilespmem:v12+s22+$0x0], $0xffff  }
0x14b: {  	v13 =	vpsel p0, v13, v0;
	v10 =	vmin.f32 @p0 v10, v16;
	v14 =	vmax.f32 @p0 v14, v17  }
0x14c: {  	v16 =	vnsel @p0 vm0, $0xFF61B1E6, v13;
	v13 =	vnsel @p0 vm0, $0x7F61B1E6, v13;
	v10 =	vpsel p0, v10, v8  }
0x14d: {  	v14 =	vpsel p0, v14, v9;
	v15 =	vmax.f32 @p0 v15, v16;
	v11 =	vmin.f32 @p0 v11, v13  }
0x14e: {  	v9 =	vpsel p0, v15, v9;
	v8 =	vpsel p0, v11, v8;
	v60 =	vnsel vm15, $0x7F61B1E6, v58  }
.Ltmp18:
0x14f: {  	v61 =	vnsel vm15, $0xFF61B1E6, v58;
	v11 =	vnsel vm15, $0xFF61B1E6, v12;
	v12 =	vnsel vm15, $0x7F61B1E6, v12;
	(pc) =	sbr.rel .LBB2_31-.Ltmp18, $4  }
0x150: {  	v10 =	vmin.f32 v10, v60;
	v9 =	vmax.f32 v9, v11;
	v11 =	vmin.f32 v8, v12  }
0x151: {  	v62 =	vmax.f32 v14, v61;
	v10 =	vmax.f32 v10, $0.0e+00;
	v12 =	vmax.f32 v11, $0.0e+00  }
0x152: {  	v63 =	vmax.f32 v9, $0.0e+00;
	v8 =	vmin.f32 v10, $1.000000000e+00;
	v10 =	vmax.f32 v62, $0.0e+00  }
0x153: {  	v9 =	vmin.f32 v12, $1.000000000e+00;
	v11 =	vmin.f32 v10, $1.000000000e+00;
	v10 =	vmin.f32 v63, $1.000000000e+00  }
.LBB2_23:
.Ltmp19:
0x154: {  	(pc) =	sbr.rel .LBB2_30-.Ltmp19, $3  }
0x155: {  	_ =	sdelay $0x1  }
0x156: {  	v10 =	vimm.f32 $3.000000010e+38  }
0x157: {  	v14 =	vimm.f32 $-3.000000010e+38;
	v15 =	vimm.f32 $-3.000000010e+38;
	v16 =	vimm.f32 $3.000000010e+38  }
.LBB2_25:
.Ltmp20:
0x158: {  	(pc) =	sbr.rel .LBB2_30-.Ltmp20, $3  }
0x159: {  	_ =	sdelay $0x1  }
0x15a: {  	v10 =	vimm.f32 $3.000000010e+38  }
0x15b: {  	v14 =	vimm.f32 $-3.000000010e+38;
	v15 =	vimm.f32 $-3.000000010e+38;
	v16 =	vimm.f32 $3.000000010e+38;
	s24 =	simm.s32 $0x0;
	s12 =	simm.s32 $0x1  }
.LBB2_27:
.Ltmp21:
0x15c: {  	(pc) =	sbr.rel .LBB2_30-.Ltmp21, $3  }
0x15d: {  	_ =	sdelay $0x1  }
0x15e: {  	v10 =	vimm.f32 $3.000000010e+38  }
0x15f: {  	v19 =	vmovc v20;
	v14 =	vimm.f32 $-3.000000010e+38;
	v15 =	vimm.f32 $-3.000000010e+38;
	v16 =	vimm.f32 $3.000000010e+38;
	s12 =	simm.s32 $0x2  }
.LBB2_32:
0x160: {  	_ =	swait.ge [sflag:s26], $0x200  }
0x161: {  	[sflag:s26] =	ssyncset.done $0x0  }
0x162: {  	[sflag:s26] =	ssyncadd.s32 $0xFFFFFE00  }
0x163: {  	_ =	swait.ge [sflag:s26], $0x200  }
0x164: {  	[sflag:s26] =	ssyncset.done $0x0  }
0x165: {  	[sflag:s26] =	ssyncadd.s32 $0xFFFFFE00  }
0x166: {  	_ =	swait.ge [sflag:s26], $0x200  }
0x167: {  	[sflag:s26] =	ssyncset.done $0x0  }
0x168: {  	[sflag:s26] =	ssyncadd.s32 $0xFFFFFE00  }
0x169: {  	_ =	swait.ge [sflag:s26], $0x200  }
0x16a: {  	[sflag:s26] =	ssyncset.done $0x0  }
0x16b: {  	[sflag:s26] =	ssyncadd.s32 $0xFFFFFE00  }
0x16c: {  	_ =	swait.ge [sflag:s26], $0x200  }
0x16d: {  	[sflag:s26] =	ssyncset.done $0x0  }
0x16e: {  	[sflag:s26] =	ssyncadd.s32 $0xFFFFFE00  }
0x16f: {  	_ =	swait.ge [sflag:s26], $0x200  }
0x170: {  	[sflag:s26] =	ssyncset.done $0x0  }
0x171: {  	[sflag:s26] =	ssyncadd.s32 $0xFFFFFE00  }
0x172: {  	_ =	swait.ge [sflag:s26], $0x200  }
0x173: {  	[sflag:s26] =	ssyncset.done $0x0  }
0x174: {  	[sflag:s26] =	ssyncadd.s32 $0xFFFFFE00  }
0x175: {  	_ =	swait.ge [sflag:s26], $0x200  }
0x176: {  	[sflag:s26] =	ssyncset.done $0x0  }
0x177: {  	[sflag:s26] =	ssyncadd.s32 $0xFFFFFE00  }
0x178: {  	[bflag:$0x0] =	sbarrier.arrive $0xFFFF  }
0x179: {  	[tilespmem:s21], [sflag:$0x4] =	stream.linear.gather [spmem:s7], $0x1000, $0x38;
	[tilespmem:$0x1D6C0] =	vst v63  }
0x17a: {  	_ =	swait.ge [sflag:s23], $0x1000  }
0x17b: {  	[sflag:s23] =	ssyncset.done $0x0  }
0x17c: {  	[sflag:s23] =	ssyncadd.s32 $0xFFFFF000  }
0x17d: {  	[tilespmem:s22], [sflag:$0x4] =	stream.linear.gather [spmem:s9], $0x1000, $0x38;
	[tilespmem:$0x1D6C0] =	vst v63  }
0x17e: {  	_ =	swait.ge [sflag:s23], $0x1000  }
0x17f: {  	[sflag:s23] =	ssyncset.done $0x0  }
0x180: {  	s0 =	simm.s32 $0x0;
	[sflag:s23] =	ssyncadd.s32 $0xFFFFF000  }
0x181: {  	v6 =	vld [tilespmem:s0+$0x8D00]  }
0x182: {  	s5 =	simm.s32 $0x40;
	v7 =	vld [tilespmem:s0+$0xCD00]  }
.LBB2_33:
0x183: {  	_ = 	snop  }
0x184: {  	p0 =	sne.s32 s5, $0x3FC0  }
.Ltmp22:
0x185: {  	_ = 	snop;
	(pc) =	sbr.rel @p0 .LBB2_33-.Ltmp22, $4  }
0x186: {  	_ = 	snop  }
0x187: {  	s11 =	sshra.s32 s5, $0x2;
	v8 =	vadd.f32 v7, v6  }
0x188: {  	v6 =	vld [tilespmem:s11+$0x8D00]  }
0x189: {  	s5 =	sadd.s32 $0x40, s5;
	v7 =	vld [tilespmem:s11+$0xCD00];
	[tilespmem:s0+$0x12500] =	vst v8;
	s0 =	smov.u32 s11  }
0x18a: {  	_ =	sdelay $0x3  }
0x18b: {  	v6 =	vadd.f32 v7, v6;
	_ =	sdelay $0x1  }
0x18c: {  	[tilespmem:s0+$0x12500] =	vst v6  }
0x18d: {  	[hbm4b:s16+s30] =	stream.strided.scatter [tilespmem:s20], [sflag:$0x4], $0x1000, s14, s30, $0x38;
	[tilespmem:$0x1D6C0] =	vst v63  }
0x18e: {  	_ =	swait.ge [sflag:s23], $0x1000  }
0x18f: {  	[sflag:s23] =	ssyncset.done $0x0  }
0x190: {  	[sflag:s23] =	ssyncadd.s32 $0xFFFFF000  }
0x191: {  	[tilespmem:s21], [sflag:$0x4] =	stream.linear.gather [spmem:s8], $0x1000, $0x38;
	[tilespmem:$0x1D6C0] =	vst v63  }
0x192: {  	_ =	swait.ge [sflag:s23], $0x1000  }
0x193: {  	[sflag:s23] =	ssyncset.done $0x0  }
0x194: {  	[sflag:s23] =	ssyncadd.s32 $0xFFFFF000  }
0x195: {  	[tilespmem:s22], [sflag:$0x4] =	stream.linear.gather [spmem:s10], $0x1000, $0x38;
	[tilespmem:$0x1D6C0] =	vst v63  }
0x196: {  	_ =	swait.ge [sflag:s23], $0x1000  }
0x197: {  	[sflag:s23] =	ssyncset.done $0x0  }
0x198: {  	s0 =	simm.s32 $0x0;
	[sflag:s23] =	ssyncadd.s32 $0xFFFFF000  }
0x199: {  	v6 =	vld [tilespmem:s0+$0x8D00]  }
0x19a: {  	s5 =	simm.s32 $0x40;
	v7 =	vld [tilespmem:s0+$0xCD00]  }
.LBB2_35:
0x19b: {  	_ = 	snop  }
0x19c: {  	p0 =	sne.s32 s5, $0x3FC0  }
.Ltmp23:
0x19d: {  	_ = 	snop;
	(pc) =	sbr.rel @p0 .LBB2_35-.Ltmp23, $4  }
0x19e: {  	_ = 	snop  }
0x19f: {  	s11 =	sshra.s32 s5, $0x2;
	v8 =	vadd.f32 v7, v6  }
0x1a0: {  	v6 =	vld [tilespmem:s11+$0x8D00]  }
0x1a1: {  	s5 =	sadd.s32 $0x40, s5;
	v7 =	vld [tilespmem:s11+$0xCD00];
	[tilespmem:s0+$0x12500] =	vst v8;
	s0 =	smov.u32 s11  }
0x1a2: {  	_ =	sdelay $0x3  }
0x1a3: {  	v6 =	vadd.f32 v7, v6  }
0x1a4: {  	s1 =	sadd.s32 $0x1, s1  }
0x1a5: {  	p0 =	sne.s32 s1, s17;
	[tilespmem:s0+$0x12500] =	vst v6  }
0x1a6: {  	[hbm4b:s19+s30] =	stream.strided.scatter [tilespmem:s20], [sflag:$0x4], $0x1000, s14, s30, $0x38;
	[tilespmem:$0x1D6C0] =	vst v63  }
.Ltmp24:
0x1a7: {  	_ = 	snop;
	(pc) =	sbr.rel @p0 .LBB2_1-.Ltmp24, $4  }
.Ltmp25:
0x1a8: {  	_ = 	snop;
	(pc) =	sbr.rel @!p0 .LBB2_37-.Ltmp25, $4  }
0x1a9: {  	_ =	swait.ge [sflag:s23], $0x1000  }
0x1aa: {  	[sflag:s23] =	ssyncset.done $0x0  }
0x1ab: {  	[sflag:s23] =	ssyncadd.s32 $0xFFFFF000  }
0x1ac: {  	_ = 	snop  }
.LBB2_5:
.Ltmp26:
0x1ad: {  	(pc) =	sbr.rel .LBB2_10-.Ltmp26, $2  }
0x1ae: {  	_ =	sdelay $0x2  }
0x1af: {  	s13 =	simm.s32 $0x4D00  }
.LBB2_7:
.Ltmp27:
0x1b0: {  	(pc) =	sbr.rel .LBB2_10-.Ltmp27, $2  }
0x1b1: {  	_ =	sdelay $0x2  }
0x1b2: {  	s13 =	simm.s32 $0x4D00;
	s14 =	simm.s32 $0x100  }
.LBB2_37:
0x1b3: {  	_ =	sfence.sel $0x180000  }
0x1b4: {  	[bflag:$0x0] =	sbarrier.arrive $0xFFFF  }
0x1b5: {  	_ =	strace $0x90000047  }
0x1b6: {  	s0 =	stileid.u32;
	[bflag:$0x2] =	sbarrier.arrive $0xFFFF  }
0x1b7: {  	p0 =	sne.s32 s0, $0x0;
	s0 =	rddreg [dreg:$0xa]  }
0x1b8: {  	s0 =	sadd.s32 @!p0 $0x100000, s0  }
0x1b9: {  	[sflag:s0] =	ssyncadd.tile.s32 @!p0 $0x1;
	_ =	shalt  }
.Lfunc_end2:
_tile_overlayer_lowered:
.L_overlay_start_2:
0x1ba: {  	(tag) =	ssettag $0x2  }
0x1bb: {  	s0 =	rddreg [dreg:$0x0];
	s2 =	stileid.u32  }
0x1bc: {  	s1 =	rddreg [dreg:$0x1];
	p0 =	sne.s32 s2, $0x0  }
0x1bd: {  	s3 =	rddreg [dreg:$0x2];
	[bflag:$0x3] =	sbarrier.arrive $0xFFFF;
	s2 =	simm.s32 @!p0 $0x1C04  }
0x1be: {  	[timem:s3], [sflag:s2] =	dma.local @!p0 [hbm:s0], s1  }
0x1bf: {  	s0 =	simm.s32 @!p0 $0x4  }
0x1c0: {  	_ =	swait.ge @!p0 [sflag:s0], s1  }
0x1c1: {  	s1 =	ssub.s32 @!p0 $0x0, s1;
	[sflag:s0] =	ssyncset.done @!p0 $0x0  }
0x1c2: {  	[sflag:s0] =	ssyncadd.s32 @!p0 s1  }
0x1c3: {  	[bflag:$0x3] =	sbarrier.arrive $0xFFFF  }
0x1c4: {  	_ =	shalt  }

</sc_bundles>
